<compile_context>
chip_gen: v7x
topology: tpu7x:2x2x1
jax: 0.10.2.dev20260603
libtpu: 0.0.44.dev20260713+nightly
codegen_flags: <defaults>
</compile_context>

<pallas_src>
import functools

import jax
import jax.numpy as jnp
from jax import lax
from jax.experimental import pallas as pl
from jax.experimental.pallas import tpu as pltpu
from jax.experimental.pallas import tpu_sc as plsc

NUM_EMBEDDINGS = 1024
EMBEDDING_DIM = 64
COMMITMENT_COST = 0.25

_T = 1024
_N_TOKENS = 32 * 1024
_N_CHUNKS = 4
_C_TOKENS = _N_TOKENS // _N_CHUNKS
_C_GRID = _C_TOKENS // _T
_INV_N = 1.0 / (_N_TOKENS * EMBEDDING_DIM)

_NC = 2
_NS = 16
_NW = _NC * _NS
_BPW = _C_TOKENS // _NW
_CH = 128
_PIECES = _BPW // _CH
_DPAD = 128
_LANES = 16


def _vq_tc_body(is_first, is_last, z_ref, e_ref, *refs):
    if is_first:
        idx_ref, part_ref, epad_ref = refs
        prev_ref = None
    else:
        prev_ref, idx_ref, part_ref = refs
    i = pl.program_id(0)
    z = z_ref[...]
    e = e_ref[...]
    zz = jnp.sum(z * z, axis=1, keepdims=True)
    e2 = jnp.sum(e * e, axis=1)
    mm = jax.lax.dot_general(
        z, e, dimension_numbers=(((1,), (1,)), ((), ())),
        preferred_element_type=jnp.float32)
    d = zz - 2.0 * mm + e2[None, :]
    dmin = jnp.min(d, axis=1, keepdims=True)
    iota = jax.lax.broadcasted_iota(jnp.int32, d.shape, 1).astype(jnp.float32)
    idx_f = jnp.min(jnp.where(d == dmin, iota, float(NUM_EMBEDDINGS)), axis=1)
    idx_ref[...] = idx_f.astype(jnp.int32)
    part = jnp.sum(dmin, keepdims=True)

    @pl.when(i == 0)
    def _():
        if is_first:
            part_ref[...] = part
            epad_ref[...] = jnp.concatenate(
                [e, jnp.zeros((NUM_EMBEDDINGS, _DPAD - EMBEDDING_DIM),
                              jnp.float32)], axis=1)
        else:
            part_ref[...] = prev_ref[...] + part

    @pl.when(i > 0)
    def _():
        part_ref[...] += part

    if is_last:
        @pl.when(i == _C_GRID - 1)
        def _():
            m = part_ref[...] * _INV_N
            part_ref[...] = m + COMMITMENT_COST * m


def _sc_gather_st(chunk_base, e_hbm, idx_hbm, z_hbm, qst_hbm,
                  idx_v, rows0, rows1, zb0, zb1,
                  g0, g1, s0, s1, o0, o1):
    wid = lax.axis_index("s") * _NC + lax.axis_index("c")
    rows = (rows0, rows1)
    zbs = (zb0, zb1)
    gsem = (g0, g1)
    zsem = (s0, s1)
    osem = (o0, o1)
    base = chunk_base + wid * _BPW
    pltpu.sync_copy(idx_hbm.at[pl.ds(wid * _BPW, _BPW)], idx_v)

    for p in range(_PIECES):
        b = p % 2
        pltpu.async_copy(
            e_hbm.at[idx_v.at[pl.ds(p * _CH, _CH)]], rows[b], gsem[b])
        pltpu.async_copy(
            z_hbm.at[pl.ds(base + p * _CH, _CH)], zbs[b], zsem[b])
    for p in range(_PIECES):
        b = p % 2
        pltpu.make_async_copy(
            e_hbm.at[idx_v.at[pl.ds(p * _CH, _CH)]], rows[b], gsem[b]).wait()
        pltpu.make_async_copy(
            z_hbm.at[pl.ds(base + p * _CH, _CH)], zbs[b], zsem[b]).wait()
        rv = rows[b]
        zv = zbs[b]

        def body(t, carry):
            for u in range(2):
                for j in range(EMBEDDING_DIM // _LANES):
                    sl = pl.ds(j * _LANES, _LANES)
                    q = rv[2 * t + u, sl]
                    zz16 = zv[2 * t + u, sl]
                    zv[2 * t + u, sl] = zz16 + (q - zz16)
            return carry

        lax.fori_loop(0, _CH // 2, body, 0)
        pltpu.async_copy(zbs[b], qst_hbm.at[pl.ds(base + p * _CH, _CH)],
                         osem[b])
    for p in range(_PIECES):
        b = p % 2
        pltpu.make_async_copy(
            zbs[b], qst_hbm.at[pl.ds(base + p * _CH, _CH)], osem[b]).wait()


def _make_sc_call(chunk):
    out_type = () if chunk else jax.ShapeDtypeStruct(
        (_N_TOKENS, EMBEDDING_DIM), jnp.float32)
    return pl.kernel(
        functools.partial(_sc_gather_st, chunk * _C_TOKENS),
        out_type=out_type,
        mesh=plsc.VectorSubcoreMesh(core_axis_name="c", subcore_axis_name="s"),
        scratch_types=[
            pltpu.VMEM((_BPW,), jnp.int32),
            pltpu.VMEM((_CH, _DPAD), jnp.float32),
            pltpu.VMEM((_CH, _DPAD), jnp.float32),
            pltpu.VMEM((_CH, EMBEDDING_DIM), jnp.float32),
            pltpu.VMEM((_CH, EMBEDDING_DIM), jnp.float32),
            pltpu.SemaphoreType.DMA,
            pltpu.SemaphoreType.DMA,
            pltpu.SemaphoreType.DMA,
            pltpu.SemaphoreType.DMA,
            pltpu.SemaphoreType.DMA,
            pltpu.SemaphoreType.DMA,
        ],
    )


_sc_calls = [_make_sc_call(c) for c in range(_N_CHUNKS)]


def _tc_call(chunk):
    is_first = chunk == 0
    is_last = chunk == _N_CHUNKS - 1
    base = chunk * _C_GRID
    in_specs = [
        pl.BlockSpec((_T, EMBEDDING_DIM), lambda i: (i + base, 0)),
        pl.BlockSpec((NUM_EMBEDDINGS, EMBEDDING_DIM), lambda i: (0, 0)),
    ]
    out_specs = [
        pl.BlockSpec((_T,), lambda i: (i,)),
        pl.BlockSpec((1, 1), lambda i: (0, 0)),
    ]
    out_shape = [
        jax.ShapeDtypeStruct((_C_TOKENS,), jnp.int32),
        jax.ShapeDtypeStruct((1, 1), jnp.float32),
    ]
    if is_first:
        out_specs.append(pl.BlockSpec((NUM_EMBEDDINGS, _DPAD),
                                      lambda i: (0, 0)))
        out_shape.append(
            jax.ShapeDtypeStruct((NUM_EMBEDDINGS, _DPAD), jnp.float32))
    else:
        in_specs.append(pl.BlockSpec((1, 1), lambda i: (0, 0)))
    return pl.pallas_call(
        functools.partial(_vq_tc_body, is_first, is_last),
        grid=(_C_GRID,),
        in_specs=in_specs,
        out_specs=out_specs,
        out_shape=out_shape,
    )


def kernel(inputs, embed_weight):
    flat = inputs.reshape(-1, EMBEDDING_DIM)
    qst_ref = None
    idx_chunks = []
    part = None
    e_pad = None
    for c in range(_N_CHUNKS):
        call = _tc_call(c)
        if c == 0:
            idx_c, part, e_pad = call(flat, embed_weight)
        else:
            idx_c, part = call(flat, embed_weight, part)
        idx_chunks.append(idx_c)
        if c == 0:
            qst0 = _sc_calls[0](e_pad, idx_c, flat)
            qst_ref = jax.new_ref(qst0)
        else:
            _sc_calls[c](e_pad, idx_c, flat, qst_ref)
    idx = jnp.concatenate(idx_chunks)
    return (qst_ref[...].reshape(inputs.shape), part[0, 0], idx)

# --- scband reference (transcript-rebuilt; emitter-appended) ---
"""Pipeline reference for scband-emavector-quantizer-80229989089576 (READ-ONLY COPY).

The authoritative reference and input builder live on the scoring server;
editing this copy changes nothing except your own understanding.
"""

import jax, jax.numpy as jnp
import numpy as np

NUM_EMBEDDINGS = 1024
EMBEDDING_DIM = 64
COMMITMENT_COST = 0.25


def setup_inputs(seed: int = 0) -> dict:
    key = jax.random.key(seed)
    k1, k2 = jax.random.split(key)
    inputs = jax.random.normal(k1, (32, 1024, EMBEDDING_DIM), dtype=jnp.float32)
    embed_weight = jax.random.uniform(
        k2, (NUM_EMBEDDINGS, EMBEDDING_DIM),
        minval=-1.0 / NUM_EMBEDDINGS, maxval=1.0 / NUM_EMBEDDINGS,
        dtype=jnp.float32)
    return {"inputs": inputs, "embed_weight": embed_weight}


def reference(inputs, embed_weight):
    flat_inputs = inputs.reshape(-1, EMBEDDING_DIM)
    distances = (jnp.sum(flat_inputs ** 2, axis=1, keepdims=True)
                 - 2.0 * flat_inputs @ embed_weight.T
                 + jnp.sum(embed_weight ** 2, axis=1)[None, :])
    encoding_indices = jnp.argmin(distances, axis=1)
    quantized = jnp.take(embed_weight, encoding_indices, axis=0).reshape(inputs.shape)
    e_latent_loss = jnp.mean((jax.lax.stop_gradient(quantized) - inputs) ** 2)
    q_latent_loss = jnp.mean((quantized - jax.lax.stop_gradient(inputs)) ** 2)
    loss = q_latent_loss + COMMITMENT_COST * e_latent_loss
    quantized_st = inputs + jax.lax.stop_gradient(quantized - inputs)
    return (quantized_st, loss, encoding_indices)

if __name__ == "__main__":
    import jax
    _d = setup_inputs()
    print(jax.jit(kernel)(*tuple(_d.values())))

</pallas_src>

<mosaic_0001>
#map = affine_map<(d0, d1) -> (0, 0)>
#map1 = affine_map<(d0, d1) -> (0)>
module attributes {stable_mosaic.version = 14 : i64} {
  func.func @new_body(%arg0: i32, %arg1: i32, %arg2: memref<1024x128xf32, #tpu.memory_space<hbm>>, %arg3: memref<8192xi32, #tpu.memory_space<hbm>>, %arg4: memref<32768x64xf32, #tpu.memory_space<hbm>>, %arg5: memref<32768x64xf32, #tpu.memory_space<hbm>>, %arg6: memref<32768x64xf32, #tpu.memory_space<hbm>>, %arg7: memref<256xi32, #tpu.memory_space<vmem>>, %arg8: memref<128x128xf32, #tpu.memory_space<vmem>>, %arg9: memref<128x128xf32, #tpu.memory_space<vmem>>, %arg10: memref<128x64xf32, #tpu.memory_space<vmem>>, %arg11: memref<128x64xf32, #tpu.memory_space<vmem>>, %arg12: memref<!tpu.dma_semaphore, #tpu.memory_space<semaphore_mem>>, %arg13: memref<!tpu.dma_semaphore, #tpu.memory_space<semaphore_mem>>, %arg14: memref<!tpu.dma_semaphore, #tpu.memory_space<semaphore_mem>>, %arg15: memref<!tpu.dma_semaphore, #tpu.memory_space<semaphore_mem>>, %arg16: memref<!tpu.dma_semaphore, #tpu.memory_space<semaphore_mem>>, %arg17: memref<!tpu.dma_semaphore, #tpu.memory_space<semaphore_mem>>) attributes {dimension_semantics = [#tpu.dimension_semantics<core_parallel>, #tpu.dimension_semantics<subcore_parallel>], iteration_bounds = array<i64: 2, 16>, scalar_prefetch = 0 : i64, scratch_operands = 11 : i64, tpu.core_type = #tpu.core_type<sc_vector_subcore>, window_params = [{transform_indices = #map}, {transform_indices = #map1}, {transform_indices = #map}, {transform_indices = #map}, {transform_indices = #map}]} {
    %mul3A = arith.constant 2 : i32
    %mul3A_0 = arith.muli %arg1, %mul3A : i32
    %add3A = arith.addi %mul3A_0, %arg0 : i32
    %mul3A_1 = arith.constant 256 : i32
    %mul3A_2 = arith.muli %add3A, %mul3A_1 : i32
    %add3A_3 = arith.constant 16384 : i32
    %add3A_4 = arith.addi %add3A_3, %mul3A_2 : i32
    %mul3A_5 = arith.constant 256 : i32
    %mul3A_6 = arith.muli %add3A, %mul3A_5 : i32
    "tpu.region"() ({
      %run_scoped3A = tpu.sem_alloc : memref<!tpu.dma_semaphore, #tpu.memory_space<semaphore_mem>>
      %dma_start3A_84 = tpu.memref_slice %arg3[%mul3A_6] : memref<8192xi32, #tpu.memory_space<hbm>> -> memref<256xi32, #tpu.memory_space<hbm>>
      %dma_start3A_85 = tpu.memref_slice %arg3[%mul3A_6] : memref<8192xi32, #tpu.memory_space<hbm>> -> memref<256xi32, #tpu.memory_space<hbm>>
      tpu.enqueue_dma source(%dma_start3A_85 : memref<256xi32, #tpu.memory_space<hbm>>) target(%arg7 : memref<256xi32, #tpu.memory_space<vmem>>) target_semaphore(%run_scoped3A : memref<!tpu.dma_semaphore, #tpu.memory_space<semaphore_mem>>)
      %dma_wait3A_86 = tpu.memref_slice %arg3[%mul3A_6] : memref<8192xi32, #tpu.memory_space<hbm>> -> memref<256xi32, #tpu.memory_space<hbm>>
      %dma_wait3A_87 = tpu.memref_slice %arg3[%mul3A_6] : memref<8192xi32, #tpu.memory_space<hbm>> -> memref<256xi32, #tpu.memory_space<hbm>>
      tpu.wait_dma2 semaphore(%run_scoped3A : memref<!tpu.dma_semaphore, #tpu.memory_space<semaphore_mem>>) src(%dma_wait3A_87 : memref<256xi32, #tpu.memory_space<hbm>>) dst(%arg7 : memref<256xi32, #tpu.memory_space<vmem>>)
      tpu.yield
    }) : () -> ()
    %dma_start3A = arith.constant 0 : i32
    %dma_start3A_7 = tpu.memref_slice %arg7[%dma_start3A] : memref<256xi32, #tpu.memory_space<vmem>> -> memref<128xi32, #tpu.memory_space<vmem>>
    %dma_start3A_8 = arith.constant 0 : i32
    %dma_start3A_9 = arith.constant 0 : i32
    %dma_start3A_10 = tpu.memref_slice %arg2[%dma_start3A_8, %dma_start3A_9] : memref<1024x128xf32, #tpu.memory_space<hbm>> -> memref<1024x128xf32, #tpu.memory_space<hbm>>
    tpu.enqueue_indirect_dma source(%dma_start3A_10 : memref<1024x128xf32, #tpu.memory_space<hbm>>) target(%arg8 : memref<128x128xf32, #tpu.memory_space<vmem>>) offsets(%dma_start3A_7 : memref<128xi32, #tpu.memory_space<vmem>>) semaphore(%arg12 : memref<!tpu.dma_semaphore, #tpu.memory_space<semaphore_mem>>)
    %add3A_11 = arith.constant 0 : i32
    %add3A_12 = arith.addi %add3A_4, %add3A_11 : i32
    %dma_start3A_13 = arith.constant 0 : i32
    %dma_start3A_14 = tpu.memref_slice %arg4[%add3A_12, %dma_start3A_13] : memref<32768x64xf32, #tpu.memory_space<hbm>> -> memref<128x64xf32, #tpu.memory_space<hbm>>
    %dma_start3A_15 = arith.constant 0 : i32
    %dma_start3A_16 = tpu.memref_slice %arg4[%add3A_12, %dma_start3A_15] : memref<32768x64xf32, #tpu.memory_space<hbm>> -> memref<128x64xf32, #tpu.memory_space<hbm>>
    tpu.enqueue_dma source(%dma_start3A_16 : memref<128x64xf32, #tpu.memory_space<hbm>>) target(%arg10 : memref<128x64xf32, #tpu.memory_space<vmem>>) target_semaphore(%arg14 : memref<!tpu.dma_semaphore, #tpu.memory_space<semaphore_mem>>)
    %dma_start3A_17 = arith.constant 128 : i32
    %dma_start3A_18 = tpu.memref_slice %arg7[%dma_start3A_17] : memref<256xi32, #tpu.memory_space<vmem>> -> memref<128xi32, #tpu.memory_space<vmem>>
    %dma_start3A_19 = arith.constant 0 : i32
    %dma_start3A_20 = arith.constant 0 : i32
    %dma_start3A_21 = tpu.memref_slice %arg2[%dma_start3A_19, %dma_start3A_20] : memref<1024x128xf32, #tpu.memory_space<hbm>> -> memref<1024x128xf32, #tpu.memory_space<hbm>>
    tpu.enqueue_indirect_dma source(%dma_start3A_21 : memref<1024x128xf32, #tpu.memory_space<hbm>>) target(%arg9 : memref<128x128xf32, #tpu.memory_space<vmem>>) offsets(%dma_start3A_18 : memref<128xi32, #tpu.memory_space<vmem>>) semaphore(%arg13 : memref<!tpu.dma_semaphore, #tpu.memory_space<semaphore_mem>>)
    %add3A_22 = arith.constant 128 : i32
    %add3A_23 = arith.addi %add3A_4, %add3A_22 : i32
    %dma_start3A_24 = arith.constant 0 : i32
    %dma_start3A_25 = tpu.memref_slice %arg4[%add3A_23, %dma_start3A_24] : memref<32768x64xf32, #tpu.memory_space<hbm>> -> memref<128x64xf32, #tpu.memory_space<hbm>>
    %dma_start3A_26 = arith.constant 0 : i32
    %dma_start3A_27 = tpu.memref_slice %arg4[%add3A_23, %dma_start3A_26] : memref<32768x64xf32, #tpu.memory_space<hbm>> -> memref<128x64xf32, #tpu.memory_space<hbm>>
    tpu.enqueue_dma source(%dma_start3A_27 : memref<128x64xf32, #tpu.memory_space<hbm>>) target(%arg11 : memref<128x64xf32, #tpu.memory_space<vmem>>) target_semaphore(%arg15 : memref<!tpu.dma_semaphore, #tpu.memory_space<semaphore_mem>>)
    %dma_wait3A = arith.constant 0 : i32
    %dma_wait3A_28 = tpu.memref_slice %arg7[%dma_wait3A] : memref<256xi32, #tpu.memory_space<vmem>> -> memref<128xi32, #tpu.memory_space<vmem>>
    %dma_wait3A_29 = arith.constant 0 : i32
    %dma_wait3A_30 = arith.constant 0 : i32
    %dma_wait3A_31 = tpu.memref_slice %arg2[%dma_wait3A_29, %dma_wait3A_30] : memref<1024x128xf32, #tpu.memory_space<hbm>> -> memref<1024x128xf32, #tpu.memory_space<hbm>>
    tpu.wait_indirect_dma semaphore(%arg12 : memref<!tpu.dma_semaphore, #tpu.memory_space<semaphore_mem>>) src(%dma_wait3A_31 : memref<1024x128xf32, #tpu.memory_space<hbm>>) dst(%arg8 : memref<128x128xf32, #tpu.memory_space<vmem>>)
    %add3A_32 = arith.constant 0 : i32
    %add3A_33 = arith.addi %add3A_4, %add3A_32 : i32
    %dma_wait3A_34 = arith.constant 0 : i32
    %dma_wait3A_35 = tpu.memref_slice %arg4[%add3A_33, %dma_wait3A_34] : memref<32768x64xf32, #tpu.memory_space<hbm>> -> memref<128x64xf32, #tpu.memory_space<hbm>>
    %dma_wait3A_36 = arith.constant 0 : i32
    %dma_wait3A_37 = tpu.memref_slice %arg4[%add3A_33, %dma_wait3A_36] : memref<32768x64xf32, #tpu.memory_space<hbm>> -> memref<128x64xf32, #tpu.memory_space<hbm>>
    tpu.wait_dma2 semaphore(%arg14 : memref<!tpu.dma_semaphore, #tpu.memory_space<semaphore_mem>>) src(%dma_wait3A_37 : memref<128x64xf32, #tpu.memory_space<hbm>>) dst(%arg10 : memref<128x64xf32, #tpu.memory_space<vmem>>)
    %scan3A = arith.constant 0 : i32
    %scan3A_38 = arith.constant 0 : i32
    %scan3A_39 = arith.constant 64 : i32
    %scan3A_40 = arith.addi %scan3A_38, %scan3A_39 : i32
    %scan3A_41 = arith.constant 1 : i32
    scf.for %scan3A_84 = %scan3A_38 to %scan3A_40 step %scan3A_41  : i32 {
      %mul3A_85 = arith.constant 2 : i32
      %mul3A_86 = arith.muli %mul3A_85, %scan3A_84 : i32
      %add3A_87 = arith.constant 0 : i32
      %add3A_88 = arith.addi %mul3A_86, %add3A_87 : i32
      %get3A = arith.index_cast %add3A_88 : i32 to index
      %get3A_89 = arith.constant 0 : index
      %get3A_90 = tpu.vector_load %arg8[%get3A, %get3A_89] {strides = array<i32>} : memref<128x128xf32, #tpu.memory_space<vmem>>, vector<1x16xf32>,
      %get3A_91 = vector.shape_cast %get3A_90 : vector<1x16xf32> to vector<16xf32>
      %mul3A_92 = arith.constant 2 : i32
      %mul3A_93 = arith.muli %mul3A_92, %scan3A_84 : i32
      %add3A_94 = arith.constant 0 : i32
      %add3A_95 = arith.addi %mul3A_93, %add3A_94 : i32
      %get3A_96 = arith.index_cast %add3A_95 : i32 to index
      %get3A_97 = arith.constant 0 : index
      %get3A_98 = tpu.vector_load %arg10[%get3A_96, %get3A_97] {strides = array<i32>} : memref<128x64xf32, #tpu.memory_space<vmem>>, vector<1x16xf32>,
      %get3A_99 = vector.shape_cast %get3A_98 : vector<1x16xf32> to vector<16xf32>
      %sub3A = arith.subf %get3A_91, %get3A_99 : vector<16xf32>
      %add3A_100 = arith.addf %get3A_99, %sub3A : vector<16xf32>
      %mul3A_101 = arith.constant 2 : i32
      %mul3A_102 = arith.muli %mul3A_101, %scan3A_84 : i32
      %add3A_103 = arith.constant 0 : i32
      %add3A_104 = arith.addi %mul3A_102, %add3A_103 : i32
      %swap3A = arith.index_cast %add3A_104 : i32 to index
      %swap3A_105 = arith.constant 0 : index
      %swap3A_106 = tpu.vector_load %arg10[%swap3A, %swap3A_105] {strides = array<i32>} : memref<128x64xf32, #tpu.memory_space<vmem>>, vector<1x16xf32>,
      %swap3A_107 = vector.shape_cast %swap3A_106 : vector<1x16xf32> to vector<16xf32>
      %swap3A_108 = vector.shape_cast %add3A_100 : vector<16xf32> to vector<1x16xf32>
      tpu.vector_store %arg10[%swap3A, %swap3A_105], %swap3A_108 {strides = array<i32>} : memref<128x64xf32, #tpu.memory_space<vmem>>, vector<1x16xf32>,
      %mul3A_109 = arith.constant 2 : i32
      %mul3A_110 = arith.muli %mul3A_109, %scan3A_84 : i32
      %add3A_111 = arith.constant 0 : i32
      %add3A_112 = arith.addi %mul3A_110, %add3A_111 : i32
      %get3A_113 = arith.index_cast %add3A_112 : i32 to index
      %get3A_114 = arith.constant 16 : index
      %get3A_115 = tpu.vector_load %arg8[%get3A_113, %get3A_114] {strides = array<i32>} : memref<128x128xf32, #tpu.memory_space<vmem>>, vector<1x16xf32>,
      %get3A_116 = vector.shape_cast %get3A_115 : vector<1x16xf32> to vector<16xf32>
      %mul3A_117 = arith.constant 2 : i32
      %mul3A_118 = arith.muli %mul3A_117, %scan3A_84 : i32
      %add3A_119 = arith.constant 0 : i32
      %add3A_120 = arith.addi %mul3A_118, %add3A_119 : i32
      %get3A_121 = arith.index_cast %add3A_120 : i32 to index
      %get3A_122 = arith.constant 16 : index
      %get3A_123 = tpu.vector_load %arg10[%get3A_121, %get3A_122] {strides = array<i32>} : memref<128x64xf32, #tpu.memory_space<vmem>>, vector<1x16xf32>,
      %get3A_124 = vector.shape_cast %get3A_123 : vector<1x16xf32> to vector<16xf32>
      %sub3A_125 = arith.subf %get3A_116, %get3A_124 : vector<16xf32>
      %add3A_126 = arith.addf %get3A_124, %sub3A_125 : vector<16xf32>
      %mul3A_127 = arith.constant 2 : i32
      %mul3A_128 = arith.muli %mul3A_127, %scan3A_84 : i32
      %add3A_129 = arith.constant 0 : i32
      %add3A_130 = arith.addi %mul3A_128, %add3A_129 : i32
      %swap3A_131 = arith.index_cast %add3A_130 : i32 to index
      %swap3A_132 = arith.constant 16 : index
      %swap3A_133 = tpu.vector_load %arg10[%swap3A_131, %swap3A_132] {strides = array<i32>} : memref<128x64xf32, #tpu.memory_space<vmem>>, vector<1x16xf32>,
      %swap3A_134 = vector.shape_cast %swap3A_133 : vector<1x16xf32> to vector<16xf32>
      %swap3A_135 = vector.shape_cast %add3A_126 : vector<16xf32> to vector<1x16xf32>
      tpu.vector_store %arg10[%swap3A_131, %swap3A_132], %swap3A_135 {strides = array<i32>} : memref<128x64xf32, #tpu.memory_space<vmem>>, vector<1x16xf32>,
      %mul3A_136 = arith.constant 2 : i32
      %mul3A_137 = arith.muli %mul3A_136, %scan3A_84 : i32
      %add3A_138 = arith.constant 0 : i32
      %add3A_139 = arith.addi %mul3A_137, %add3A_138 : i32
      %get3A_140 = arith.index_cast %add3A_139 : i32 to index
      %get3A_141 = arith.constant 32 : index
      %get3A_142 = tpu.vector_load %arg8[%get3A_140, %get3A_141] {strides = array<i32>} : memref<128x128xf32, #tpu.memory_space<vmem>>, vector<1x16xf32>,
      %get3A_143 = vector.shape_cast %get3A_142 : vector<1x16xf32> to vector<16xf32>
      %mul3A_144 = arith.constant 2 : i32
      %mul3A_145 = arith.muli %mul3A_144, %scan3A_84 : i32
      %add3A_146 = arith.constant 0 : i32
      %add3A_147 = arith.addi %mul3A_145, %add3A_146 : i32
      %get3A_148 = arith.index_cast %add3A_147 : i32 to index
      %get3A_149 = arith.constant 32 : index
      %get3A_150 = tpu.vector_load %arg10[%get3A_148, %get3A_149] {strides = array<i32>} : memref<128x64xf32, #tpu.memory_space<vmem>>, vector<1x16xf32>,
      %get3A_151 = vector.shape_cast %get3A_150 : vector<1x16xf32> to vector<16xf32>
      %sub3A_152 = arith.subf %get3A_143, %get3A_151 : vector<16xf32>
      %add3A_153 = arith.addf %get3A_151, %sub3A_152 : vector<16xf32>
      %mul3A_154 = arith.constant 2 : i32
      %mul3A_155 = arith.muli %mul3A_154, %scan3A_84 : i32
      %add3A_156 = arith.constant 0 : i32
      %add3A_157 = arith.addi %mul3A_155, %add3A_156 : i32
      %swap3A_158 = arith.index_cast %add3A_157 : i32 to index
      %swap3A_159 = arith.constant 32 : index
      %swap3A_160 = tpu.vector_load %arg10[%swap3A_158, %swap3A_159] {strides = array<i32>} : memref<128x64xf32, #tpu.memory_space<vmem>>, vector<1x16xf32>,
      %swap3A_161 = vector.shape_cast %swap3A_160 : vector<1x16xf32> to vector<16xf32>
      %swap3A_162 = vector.shape_cast %add3A_153 : vector<16xf32> to vector<1x16xf32>
      tpu.vector_store %arg10[%swap3A_158, %swap3A_159], %swap3A_162 {strides = array<i32>} : memref<128x64xf32, #tpu.memory_space<vmem>>, vector<1x16xf32>,
      %mul3A_163 = arith.constant 2 : i32
      %mul3A_164 = arith.muli %mul3A_163, %scan3A_84 : i32
      %add3A_165 = arith.constant 0 : i32
      %add3A_166 = arith.addi %mul3A_164, %add3A_165 : i32
      %get3A_167 = arith.index_cast %add3A_166 : i32 to index
      %get3A_168 = arith.constant 48 : index
      %get3A_169 = tpu.vector_load %arg8[%get3A_167, %get3A_168] {strides = array<i32>} : memref<128x128xf32, #tpu.memory_space<vmem>>, vector<1x16xf32>,
      %get3A_170 = vector.shape_cast %get3A_169 : vector<1x16xf32> to vector<16xf32>
      %mul3A_171 = arith.constant 2 : i32
      %mul3A_172 = arith.muli %mul3A_171, %scan3A_84 : i32
      %add3A_173 = arith.constant 0 : i32
      %add3A_174 = arith.addi %mul3A_172, %add3A_173 : i32
      %get3A_175 = arith.index_cast %add3A_174 : i32 to index
      %get3A_176 = arith.constant 48 : index
      %get3A_177 = tpu.vector_load %arg10[%get3A_175, %get3A_176] {strides = array<i32>} : memref<128x64xf32, #tpu.memory_space<vmem>>, vector<1x16xf32>,
      %get3A_178 = vector.shape_cast %get3A_177 : vector<1x16xf32> to vector<16xf32>
      %sub3A_179 = arith.subf %get3A_170, %get3A_178 : vector<16xf32>
      %add3A_180 = arith.addf %get3A_178, %sub3A_179 : vector<16xf32>
      %mul3A_181 = arith.constant 2 : i32
      %mul3A_182 = arith.muli %mul3A_181, %scan3A_84 : i32
      %add3A_183 = arith.constant 0 : i32
      %add3A_184 = arith.addi %mul3A_182, %add3A_183 : i32
      %swap3A_185 = arith.index_cast %add3A_184 : i32 to index
      %swap3A_186 = arith.constant 48 : index
      %swap3A_187 = tpu.vector_load %arg10[%swap3A_185, %swap3A_186] {strides = array<i32>} : memref<128x64xf32, #tpu.memory_space<vmem>>, vector<1x16xf32>,
      %swap3A_188 = vector.shape_cast %swap3A_187 : vector<1x16xf32> to vector<16xf32>
      %swap3A_189 = vector.shape_cast %add3A_180 : vector<16xf32> to vector<1x16xf32>
      tpu.vector_store %arg10[%swap3A_185, %swap3A_186], %swap3A_189 {strides = array<i32>} : memref<128x64xf32, #tpu.memory_space<vmem>>, vector<1x16xf32>,
      %mul3A_190 = arith.constant 2 : i32
      %mul3A_191 = arith.muli %mul3A_190, %scan3A_84 : i32
      %add3A_192 = arith.constant 1 : i32
      %add3A_193 = arith.addi %mul3A_191, %add3A_192 : i32
      %get3A_194 = arith.index_cast %add3A_193 : i32 to index
      %get3A_195 = arith.constant 0 : index
      %get3A_196 = tpu.vector_load %arg8[%get3A_194, %get3A_195] {strides = array<i32>} : memref<128x128xf32, #tpu.memory_space<vmem>>, vector<1x16xf32>,
      %get3A_197 = vector.shape_cast %get3A_196 : vector<1x16xf32> to vector<16xf32>
      %mul3A_198 = arith.constant 2 : i32
      %mul3A_199 = arith.muli %mul3A_198, %scan3A_84 : i32
      %add3A_200 = arith.constant 1 : i32
      %add3A_201 = arith.addi %mul3A_199, %add3A_200 : i32
      %get3A_202 = arith.index_cast %add3A_201 : i32 to index
      %get3A_203 = arith.constant 0 : index
      %get3A_204 = tpu.vector_load %arg10[%get3A_202, %get3A_203] {strides = array<i32>} : memref<128x64xf32, #tpu.memory_space<vmem>>, vector<1x16xf32>,
      %get3A_205 = vector.shape_cast %get3A_204 : vector<1x16xf32> to vector<16xf32>
      %sub3A_206 = arith.subf %get3A_197, %get3A_205 : vector<16xf32>
      %add3A_207 = arith.addf %get3A_205, %sub3A_206 : vector<16xf32>
      %mul3A_208 = arith.constant 2 : i32
      %mul3A_209 = arith.muli %mul3A_208, %scan3A_84 : i32
      %add3A_210 = arith.constant 1 : i32
      %add3A_211 = arith.addi %mul3A_209, %add3A_210 : i32
      %swap3A_212 = arith.index_cast %add3A_211 : i32 to index
      %swap3A_213 = arith.constant 0 : index
      %swap3A_214 = tpu.vector_load %arg10[%swap3A_212, %swap3A_213] {strides = array<i32>} : memref<128x64xf32, #tpu.memory_space<vmem>>, vector<1x16xf32>,
      %swap3A_215 = vector.shape_cast %swap3A_214 : vector<1x16xf32> to vector<16xf32>
      %swap3A_216 = vector.shape_cast %add3A_207 : vector<16xf32> to vector<1x16xf32>
      tpu.vector_store %arg10[%swap3A_212, %swap3A_213], %swap3A_216 {strides = array<i32>} : memref<128x64xf32, #tpu.memory_space<vmem>>, vector<1x16xf32>,
      %mul3A_217 = arith.constant 2 : i32
      %mul3A_218 = arith.muli %mul3A_217, %scan3A_84 : i32
      %add3A_219 = arith.constant 1 : i32
      %add3A_220 = arith.addi %mul3A_218, %add3A_219 : i32
      %get3A_221 = arith.index_cast %add3A_220 : i32 to index
      %get3A_222 = arith.constant 16 : index
      %get3A_223 = tpu.vector_load %arg8[%get3A_221, %get3A_222] {strides = array<i32>} : memref<128x128xf32, #tpu.memory_space<vmem>>, vector<1x16xf32>,
      %get3A_224 = vector.shape_cast %get3A_223 : vector<1x16xf32> to vector<16xf32>
      %mul3A_225 = arith.constant 2 : i32
      %mul3A_226 = arith.muli %mul3A_225, %scan3A_84 : i32
      %add3A_227 = arith.constant 1 : i32
      %add3A_228 = arith.addi %mul3A_226, %add3A_227 : i32
      %get3A_229 = arith.index_cast %add3A_228 : i32 to index
      %get3A_230 = arith.constant 16 : index
      %get3A_231 = tpu.vector_load %arg10[%get3A_229, %get3A_230] {strides = array<i32>} : memref<128x64xf32, #tpu.memory_space<vmem>>, vector<1x16xf32>,
      %get3A_232 = vector.shape_cast %get3A_231 : vector<1x16xf32> to vector<16xf32>
      %sub3A_233 = arith.subf %get3A_224, %get3A_232 : vector<16xf32>
      %add3A_234 = arith.addf %get3A_232, %sub3A_233 : vector<16xf32>
      %mul3A_235 = arith.constant 2 : i32
      %mul3A_236 = arith.muli %mul3A_235, %scan3A_84 : i32
      %add3A_237 = arith.constant 1 : i32
      %add3A_238 = arith.addi %mul3A_236, %add3A_237 : i32
      %swap3A_239 = arith.index_cast %add3A_238 : i32 to index
      %swap3A_240 = arith.constant 16 : index
      %swap3A_241 = tpu.vector_load %arg10[%swap3A_239, %swap3A_240] {strides = array<i32>} : memref<128x64xf32, #tpu.memory_space<vmem>>, vector<1x16xf32>,
      %swap3A_242 = vector.shape_cast %swap3A_241 : vector<1x16xf32> to vector<16xf32>
      %swap3A_243 = vector.shape_cast %add3A_234 : vector<16xf32> to vector<1x16xf32>
      tpu.vector_store %arg10[%swap3A_239, %swap3A_240], %swap3A_243 {strides = array<i32>} : memref<128x64xf32, #tpu.memory_space<vmem>>, vector<1x16xf32>,
      %mul3A_244 = arith.constant 2 : i32
      %mul3A_245 = arith.muli %mul3A_244, %scan3A_84 : i32
      %add3A_246 = arith.constant 1 : i32
      %add3A_247 = arith.addi %mul3A_245, %add3A_246 : i32
      %get3A_248 = arith.index_cast %add3A_247 : i32 to index
      %get3A_249 = arith.constant 32 : index
      %get3A_250 = tpu.vector_load %arg8[%get3A_248, %get3A_249] {strides = array<i32>} : memref<128x128xf32, #tpu.memory_space<vmem>>, vector<1x16xf32>,
      %get3A_251 = vector.shape_cast %get3A_250 : vector<1x16xf32> to vector<16xf32>
      %mul3A_252 = arith.constant 2 : i32
      %mul3A_253 = arith.muli %mul3A_252, %scan3A_84 : i32
      %add3A_254 = arith.constant 1 : i32
      %add3A_255 = arith.addi %mul3A_253, %add3A_254 : i32
      %get3A_256 = arith.index_cast %add3A_255 : i32 to index
      %get3A_257 = arith.constant 32 : index
      %get3A_258 = tpu.vector_load %arg10[%get3A_256, %get3A_257] {strides = array<i32>} : memref<128x64xf32, #tpu.memory_space<vmem>>, vector<1x16xf32>,
      %get3A_259 = vector.shape_cast %get3A_258 : vector<1x16xf32> to vector<16xf32>
      %sub3A_260 = arith.subf %get3A_251, %get3A_259 : vector<16xf32>
      %add3A_261 = arith.addf %get3A_259, %sub3A_260 : vector<16xf32>
      %mul3A_262 = arith.constant 2 : i32
      %mul3A_263 = arith.muli %mul3A_262, %scan3A_84 : i32
      %add3A_264 = arith.constant 1 : i32
      %add3A_265 = arith.addi %mul3A_263, %add3A_264 : i32
      %swap3A_266 = arith.index_cast %add3A_265 : i32 to index
      %swap3A_267 = arith.constant 32 : index
      %swap3A_268 = tpu.vector_load %arg10[%swap3A_266, %swap3A_267] {strides = array<i32>} : memref<128x64xf32, #tpu.memory_space<vmem>>, vector<1x16xf32>,
      %swap3A_269 = vector.shape_cast %swap3A_268 : vector<1x16xf32> to vector<16xf32>
      %swap3A_270 = vector.shape_cast %add3A_261 : vector<16xf32> to vector<1x16xf32>
      tpu.vector_store %arg10[%swap3A_266, %swap3A_267], %swap3A_270 {strides = array<i32>} : memref<128x64xf32, #tpu.memory_space<vmem>>, vector<1x16xf32>,
      %mul3A_271 = arith.constant 2 : i32
      %mul3A_272 = arith.muli %mul3A_271, %scan3A_84 : i32
      %add3A_273 = arith.constant 1 : i32
      %add3A_274 = arith.addi %mul3A_272, %add3A_273 : i32
      %get3A_275 = arith.index_cast %add3A_274 : i32 to index
      %get3A_276 = arith.constant 48 : index
      %get3A_277 = tpu.vector_load %arg8[%get3A_275, %get3A_276] {strides = array<i32>} : memref<128x128xf32, #tpu.memory_space<vmem>>, vector<1x16xf32>,
      %get3A_278 = vector.shape_cast %get3A_277 : vector<1x16xf32> to vector<16xf32>
      %mul3A_279 = arith.constant 2 : i32
      %mul3A_280 = arith.muli %mul3A_279, %scan3A_84 : i32
      %add3A_281 = arith.constant 1 : i32
      %add3A_282 = arith.addi %mul3A_280, %add3A_281 : i32
      %get3A_283 = arith.index_cast %add3A_282 : i32 to index
      %get3A_284 = arith.constant 48 : index
      %get3A_285 = tpu.vector_load %arg10[%get3A_283, %get3A_284] {strides = array<i32>} : memref<128x64xf32, #tpu.memory_space<vmem>>, vector<1x16xf32>,
      %get3A_286 = vector.shape_cast %get3A_285 : vector<1x16xf32> to vector<16xf32>
      %sub3A_287 = arith.subf %get3A_278, %get3A_286 : vector<16xf32>
      %add3A_288 = arith.addf %get3A_286, %sub3A_287 : vector<16xf32>
      %mul3A_289 = arith.constant 2 : i32
      %mul3A_290 = arith.muli %mul3A_289, %scan3A_84 : i32
      %add3A_291 = arith.constant 1 : i32
      %add3A_292 = arith.addi %mul3A_290, %add3A_291 : i32
      %swap3A_293 = arith.index_cast %add3A_292 : i32 to index
      %swap3A_294 = arith.constant 48 : index
      %swap3A_295 = tpu.vector_load %arg10[%swap3A_293, %swap3A_294] {strides = array<i32>} : memref<128x64xf32, #tpu.memory_space<vmem>>, vector<1x16xf32>,
      %swap3A_296 = vector.shape_cast %swap3A_295 : vector<1x16xf32> to vector<16xf32>
      %swap3A_297 = vector.shape_cast %add3A_288 : vector<16xf32> to vector<1x16xf32>
      tpu.vector_store %arg10[%swap3A_293, %swap3A_294], %swap3A_297 {strides = array<i32>} : memref<128x64xf32, #tpu.memory_space<vmem>>, vector<1x16xf32>,
    }
    %scan3A_42 = arith.constant 64 : i32
    %add3A_43 = arith.constant 0 : i32
    %add3A_44 = arith.addi %add3A_4, %add3A_43 : i32
    %dma_start3A_45 = arith.constant 0 : i32
    %dma_start3A_46 = tpu.memref_slice %arg5[%add3A_44, %dma_start3A_45] : memref<32768x64xf32, #tpu.memory_space<hbm>> -> memref<128x64xf32, #tpu.memory_space<hbm>>
    %dma_start3A_47 = arith.constant 0 : i32
    %dma_start3A_48 = tpu.memref_slice %arg5[%add3A_44, %dma_start3A_47] : memref<32768x64xf32, #tpu.memory_space<hbm>> -> memref<128x64xf32, #tpu.memory_space<hbm>>
    tpu.enqueue_dma source(%arg10 : memref<128x64xf32, #tpu.memory_space<vmem>>) target(%dma_start3A_48 : memref<128x64xf32, #tpu.memory_space<hbm>>) target_semaphore(%arg16 : memref<!tpu.dma_semaphore, #tpu.memory_space<semaphore_mem>>)
    %dma_wait3A_49 = arith.constant 128 : i32
    %dma_wait3A_50 = tpu.memref_slice %arg7[%dma_wait3A_49] : memref<256xi32, #tpu.memory_space<vmem>> -> memref<128xi32, #tpu.memory_space<vmem>>
    %dma_wait3A_51 = arith.constant 0 : i32
    %dma_wait3A_52 = arith.constant 0 : i32
    %dma_wait3A_53 = tpu.memref_slice %arg2[%dma_wait3A_51, %dma_wait3A_52] : memref<1024x128xf32, #tpu.memory_space<hbm>> -> memref<1024x128xf32, #tpu.memory_space<hbm>>
    tpu.wait_indirect_dma semaphore(%arg13 : memref<!tpu.dma_semaphore, #tpu.memory_space<semaphore_mem>>) src(%dma_wait3A_53 : memref<1024x128xf32, #tpu.memory_space<hbm>>) dst(%arg9 : memref<128x128xf32, #tpu.memory_space<vmem>>)
    %add3A_54 = arith.constant 128 : i32
    %add3A_55 = arith.addi %add3A_4, %add3A_54 : i32
    %dma_wait3A_56 = arith.constant 0 : i32
    %dma_wait3A_57 = tpu.memref_slice %arg4[%add3A_55, %dma_wait3A_56] : memref<32768x64xf32, #tpu.memory_space<hbm>> -> memref<128x64xf32, #tpu.memory_space<hbm>>
    %dma_wait3A_58 = arith.constant 0 : i32
    %dma_wait3A_59 = tpu.memref_slice %arg4[%add3A_55, %dma_wait3A_58] : memref<32768x64xf32, #tpu.memory_space<hbm>> -> memref<128x64xf32, #tpu.memory_space<hbm>>
    tpu.wait_dma2 semaphore(%arg15 : memref<!tpu.dma_semaphore, #tpu.memory_space<semaphore_mem>>) src(%dma_wait3A_59 : memref<128x64xf32, #tpu.memory_space<hbm>>) dst(%arg11 : memref<128x64xf32, #tpu.memory_space<vmem>>)
    %scan3A_60 = arith.constant 0 : i32
    %scan3A_61 = arith.constant 0 : i32
    %scan3A_62 = arith.constant 64 : i32
    %scan3A_63 = arith.addi %scan3A_61, %scan3A_62 : i32
    %scan3A_64 = arith.constant 1 : i32
    scf.for %scan3A_84 = %scan3A_61 to %scan3A_63 step %scan3A_64  : i32 {
      %mul3A_85 = arith.constant 2 : i32
      %mul3A_86 = arith.muli %mul3A_85, %scan3A_84 : i32
      %add3A_87 = arith.constant 0 : i32
      %add3A_88 = arith.addi %mul3A_86, %add3A_87 : i32
      %get3A = arith.index_cast %add3A_88 : i32 to index
      %get3A_89 = arith.constant 0 : index
      %get3A_90 = tpu.vector_load %arg9[%get3A, %get3A_89] {strides = array<i32>} : memref<128x128xf32, #tpu.memory_space<vmem>>, vector<1x16xf32>,
      %get3A_91 = vector.shape_cast %get3A_90 : vector<1x16xf32> to vector<16xf32>
      %mul3A_92 = arith.constant 2 : i32
      %mul3A_93 = arith.muli %mul3A_92, %scan3A_84 : i32
      %add3A_94 = arith.constant 0 : i32
      %add3A_95 = arith.addi %mul3A_93, %add3A_94 : i32
      %get3A_96 = arith.index_cast %add3A_95 : i32 to index
      %get3A_97 = arith.constant 0 : index
      %get3A_98 = tpu.vector_load %arg11[%get3A_96, %get3A_97] {strides = array<i32>} : memref<128x64xf32, #tpu.memory_space<vmem>>, vector<1x16xf32>,
      %get3A_99 = vector.shape_cast %get3A_98 : vector<1x16xf32> to vector<16xf32>
      %sub3A = arith.subf %get3A_91, %get3A_99 : vector<16xf32>
      %add3A_100 = arith.addf %get3A_99, %sub3A : vector<16xf32>
      %mul3A_101 = arith.constant 2 : i32
      %mul3A_102 = arith.muli %mul3A_101, %scan3A_84 : i32
      %add3A_103 = arith.constant 0 : i32
      %add3A_104 = arith.addi %mul3A_102, %add3A_103 : i32
      %swap3A = arith.index_cast %add3A_104 : i32 to index
      %swap3A_105 = arith.constant 0 : index
      %swap3A_106 = tpu.vector_load %arg11[%swap3A, %swap3A_105] {strides = array<i32>} : memref<128x64xf32, #tpu.memory_space<vmem>>, vector<1x16xf32>,
      %swap3A_107 = vector.shape_cast %swap3A_106 : vector<1x16xf32> to vector<16xf32>
      %swap3A_108 = vector.shape_cast %add3A_100 : vector<16xf32> to vector<1x16xf32>
      tpu.vector_store %arg11[%swap3A, %swap3A_105], %swap3A_108 {strides = array<i32>} : memref<128x64xf32, #tpu.memory_space<vmem>>, vector<1x16xf32>,
      %mul3A_109 = arith.constant 2 : i32
      %mul3A_110 = arith.muli %mul3A_109, %scan3A_84 : i32
      %add3A_111 = arith.constant 0 : i32
      %add3A_112 = arith.addi %mul3A_110, %add3A_111 : i32
      %get3A_113 = arith.index_cast %add3A_112 : i32 to index
      %get3A_114 = arith.constant 16 : index
      %get3A_115 = tpu.vector_load %arg9[%get3A_113, %get3A_114] {strides = array<i32>} : memref<128x128xf32, #tpu.memory_space<vmem>>, vector<1x16xf32>,
      %get3A_116 = vector.shape_cast %get3A_115 : vector<1x16xf32> to vector<16xf32>
      %mul3A_117 = arith.constant 2 : i32
      %mul3A_118 = arith.muli %mul3A_117, %scan3A_84 : i32
      %add3A_119 = arith.constant 0 : i32
      %add3A_120 = arith.addi %mul3A_118, %add3A_119 : i32
      %get3A_121 = arith.index_cast %add3A_120 : i32 to index
      %get3A_122 = arith.constant 16 : index
      %get3A_123 = tpu.vector_load %arg11[%get3A_121, %get3A_122] {strides = array<i32>} : memref<128x64xf32, #tpu.memory_space<vmem>>, vector<1x16xf32>,
      %get3A_124 = vector.shape_cast %get3A_123 : vector<1x16xf32> to vector<16xf32>
      %sub3A_125 = arith.subf %get3A_116, %get3A_124 : vector<16xf32>
      %add3A_126 = arith.addf %get3A_124, %sub3A_125 : vector<16xf32>
      %mul3A_127 = arith.constant 2 : i32
      %mul3A_128 = arith.muli %mul3A_127, %scan3A_84 : i32
      %add3A_129 = arith.constant 0 : i32
      %add3A_130 = arith.addi %mul3A_128, %add3A_129 : i32
      %swap3A_131 = arith.index_cast %add3A_130 : i32 to index
      %swap3A_132 = arith.constant 16 : index
      %swap3A_133 = tpu.vector_load %arg11[%swap3A_131, %swap3A_132] {strides = array<i32>} : memref<128x64xf32, #tpu.memory_space<vmem>>, vector<1x16xf32>,
      %swap3A_134 = vector.shape_cast %swap3A_133 : vector<1x16xf32> to vector<16xf32>
      %swap3A_135 = vector.shape_cast %add3A_126 : vector<16xf32> to vector<1x16xf32>
      tpu.vector_store %arg11[%swap3A_131, %swap3A_132], %swap3A_135 {strides = array<i32>} : memref<128x64xf32, #tpu.memory_space<vmem>>, vector<1x16xf32>,
      %mul3A_136 = arith.constant 2 : i32
      %mul3A_137 = arith.muli %mul3A_136, %scan3A_84 : i32
      %add3A_138 = arith.constant 0 : i32
      %add3A_139 = arith.addi %mul3A_137, %add3A_138 : i32
      %get3A_140 = arith.index_cast %add3A_139 : i32 to index
      %get3A_141 = arith.constant 32 : index
      %get3A_142 = tpu.vector_load %arg9[%get3A_140, %get3A_141] {strides = array<i32>} : memref<128x128xf32, #tpu.memory_space<vmem>>, vector<1x16xf32>,
      %get3A_143 = vector.shape_cast %get3A_142 : vector<1x16xf32> to vector<16xf32>
      %mul3A_144 = arith.constant 2 : i32
      %mul3A_145 = arith.muli %mul3A_144, %scan3A_84 : i32
      %add3A_146 = arith.constant 0 : i32
      %add3A_147 = arith.addi %mul3A_145, %add3A_146 : i32
      %get3A_148 = arith.index_cast %add3A_147 : i32 to index
      %get3A_149 = arith.constant 32 : index
      %get3A_150 = tpu.vector_load %arg11[%get3A_148, %get3A_149] {strides = array<i32>} : memref<128x64xf32, #tpu.memory_space<vmem>>, vector<1x16xf32>,
      %get3A_151 = vector.shape_cast %get3A_150 : vector<1x16xf32> to vector<16xf32>
      %sub3A_152 = arith.subf %get3A_143, %get3A_151 : vector<16xf32>
      %add3A_153 = arith.addf %get3A_151, %sub3A_152 : vector<16xf32>
      %mul3A_154 = arith.constant 2 : i32
      %mul3A_155 = arith.muli %mul3A_154, %scan3A_84 : i32
      %add3A_156 = arith.constant 0 : i32
      %add3A_157 = arith.addi %mul3A_155, %add3A_156 : i32
      %swap3A_158 = arith.index_cast %add3A_157 : i32 to index
      %swap3A_159 = arith.constant 32 : index
      %swap3A_160 = tpu.vector_load %arg11[%swap3A_158, %swap3A_159] {strides = array<i32>} : memref<128x64xf32, #tpu.memory_space<vmem>>, vector<1x16xf32>,
      %swap3A_161 = vector.shape_cast %swap3A_160 : vector<1x16xf32> to vector<16xf32>
      %swap3A_162 = vector.shape_cast %add3A_153 : vector<16xf32> to vector<1x16xf32>
      tpu.vector_store %arg11[%swap3A_158, %swap3A_159], %swap3A_162 {strides = array<i32>} : memref<128x64xf32, #tpu.memory_space<vmem>>, vector<1x16xf32>,
      %mul3A_163 = arith.constant 2 : i32
      %mul3A_164 = arith.muli %mul3A_163, %scan3A_84 : i32
      %add3A_165 = arith.constant 0 : i32
      %add3A_166 = arith.addi %mul3A_164, %add3A_165 : i32
      %get3A_167 = arith.index_cast %add3A_166 : i32 to index
      %get3A_168 = arith.constant 48 : index
      %get3A_169 = tpu.vector_load %arg9[%get3A_167, %get3A_168] {strides = array<i32>} : memref<128x128xf32, #tpu.memory_space<vmem>>, vector<1x16xf32>,
      %get3A_170 = vector.shape_cast %get3A_169 : vector<1x16xf32> to vector<16xf32>
      %mul3A_171 = arith.constant 2 : i32
      %mul3A_172 = arith.muli %mul3A_171, %scan3A_84 : i32
      %add3A_173 = arith.constant 0 : i32
      %add3A_174 = arith.addi %mul3A_172, %add3A_173 : i32
      %get3A_175 = arith.index_cast %add3A_174 : i32 to index
      %get3A_176 = arith.constant 48 : index
      %get3A_177 = tpu.vector_load %arg11[%get3A_175, %get3A_176] {strides = array<i32>} : memref<128x64xf32, #tpu.memory_space<vmem>>, vector<1x16xf32>,
      %get3A_178 = vector.shape_cast %get3A_177 : vector<1x16xf32> to vector<16xf32>
      %sub3A_179 = arith.subf %get3A_170, %get3A_178 : vector<16xf32>
      %add3A_180 = arith.addf %get3A_178, %sub3A_179 : vector<16xf32>
      %mul3A_181 = arith.constant 2 : i32
      %mul3A_182 = arith.muli %mul3A_181, %scan3A_84 : i32
      %add3A_183 = arith.constant 0 : i32
      %add3A_184 = arith.addi %mul3A_182, %add3A_183 : i32
      %swap3A_185 = arith.index_cast %add3A_184 : i32 to index
      %swap3A_186 = arith.constant 48 : index
      %swap3A_187 = tpu.vector_load %arg11[%swap3A_185, %swap3A_186] {strides = array<i32>} : memref<128x64xf32, #tpu.memory_space<vmem>>, vector<1x16xf32>,
      %swap3A_188 = vector.shape_cast %swap3A_187 : vector<1x16xf32> to vector<16xf32>
      %swap3A_189 = vector.shape_cast %add3A_180 : vector<16xf32> to vector<1x16xf32>
      tpu.vector_store %arg11[%swap3A_185, %swap3A_186], %swap3A_189 {strides = array<i32>} : memref<128x64xf32, #tpu.memory_space<vmem>>, vector<1x16xf32>,
      %mul3A_190 = arith.constant 2 : i32
      %mul3A_191 = arith.muli %mul3A_190, %scan3A_84 : i32
      %add3A_192 = arith.constant 1 : i32
      %add3A_193 = arith.addi %mul3A_191, %add3A_192 : i32
      %get3A_194 = arith.index_cast %add3A_193 : i32 to index
      %get3A_195 = arith.constant 0 : index
      %get3A_196 = tpu.vector_load %arg9[%get3A_194, %get3A_195] {strides = array<i32>} : memref<128x128xf32, #tpu.memory_space<vmem>>, vector<1x16xf32>,
      %get3A_197 = vector.shape_cast %get3A_196 : vector<1x16xf32> to vector<16xf32>
      %mul3A_198 = arith.constant 2 : i32
      %mul3A_199 = arith.muli %mul3A_198, %scan3A_84 : i32
      %add3A_200 = arith.constant 1 : i32
      %add3A_201 = arith.addi %mul3A_199, %add3A_200 : i32
      %get3A_202 = arith.index_cast %add3A_201 : i32 to index
      %get3A_203 = arith.constant 0 : index
      %get3A_204 = tpu.vector_load %arg11[%get3A_202, %get3A_203] {strides = array<i32>} : memref<128x64xf32, #tpu.memory_space<vmem>>, vector<1x16xf32>,
      %get3A_205 = vector.shape_cast %get3A_204 : vector<1x16xf32> to vector<16xf32>
      %sub3A_206 = arith.subf %get3A_197, %get3A_205 : vector<16xf32>
      %add3A_207 = arith.addf %get3A_205, %sub3A_206 : vector<16xf32>
      %mul3A_208 = arith.constant 2 : i32
      %mul3A_209 = arith.muli %mul3A_208, %scan3A_84 : i32
      %add3A_210 = arith.constant 1 : i32
      %add3A_211 = arith.addi %mul3A_209, %add3A_210 : i32
      %swap3A_212 = arith.index_cast %add3A_211 : i32 to index
      %swap3A_213 = arith.constant 0 : index
      %swap3A_214 = tpu.vector_load %arg11[%swap3A_212, %swap3A_213] {strides = array<i32>} : memref<128x64xf32, #tpu.memory_space<vmem>>, vector<1x16xf32>,
      %swap3A_215 = vector.shape_cast %swap3A_214 : vector<1x16xf32> to vector<16xf32>
      %swap3A_216 = vector.shape_cast %add3A_207 : vector<16xf32> to vector<1x16xf32>
      tpu.vector_store %arg11[%swap3A_212, %swap3A_213], %swap3A_216 {strides = array<i32>} : memref<128x64xf32, #tpu.memory_space<vmem>>, vector<1x16xf32>,
      %mul3A_217 = arith.constant 2 : i32
      %mul3A_218 = arith.muli %mul3A_217, %scan3A_84 : i32
      %add3A_219 = arith.constant 1 : i32
      %add3A_220 = arith.addi %mul3A_218, %add3A_219 : i32
      %get3A_221 = arith.index_cast %add3A_220 : i32 to index
      %get3A_222 = arith.constant 16 : index
      %get3A_223 = tpu.vector_load %arg9[%get3A_221, %get3A_222] {strides = array<i32>} : memref<128x128xf32, #tpu.memory_space<vmem>>, vector<1x16xf32>,
      %get3A_224 = vector.shape_cast %get3A_223 : vector<1x16xf32> to vector<16xf32>
      %mul3A_225 = arith.constant 2 : i32
      %mul3A_226 = arith.muli %mul3A_225, %scan3A_84 : i32
      %add3A_227 = arith.constant 1 : i32
      %add3A_228 = arith.addi %mul3A_226, %add3A_227 : i32
      %get3A_229 = arith.index_cast %add3A_228 : i32 to index
      %get3A_230 = arith.constant 16 : index
      %get3A_231 = tpu.vector_load %arg11[%get3A_229, %get3A_230] {strides = array<i32>} : memref<128x64xf32, #tpu.memory_space<vmem>>, vector<1x16xf32>,
      %get3A_232 = vector.shape_cast %get3A_231 : vector<1x16xf32> to vector<16xf32>
      %sub3A_233 = arith.subf %get3A_224, %get3A_232 : vector<16xf32>
      %add3A_234 = arith.addf %get3A_232, %sub3A_233 : vector<16xf32>
      %mul3A_235 = arith.constant 2 : i32
      %mul3A_236 = arith.muli %mul3A_235, %scan3A_84 : i32
      %add3A_237 = arith.constant 1 : i32
      %add3A_238 = arith.addi %mul3A_236, %add3A_237 : i32
      %swap3A_239 = arith.index_cast %add3A_238 : i32 to index
      %swap3A_240 = arith.constant 16 : index
      %swap3A_241 = tpu.vector_load %arg11[%swap3A_239, %swap3A_240] {strides = array<i32>} : memref<128x64xf32, #tpu.memory_space<vmem>>, vector<1x16xf32>,
      %swap3A_242 = vector.shape_cast %swap3A_241 : vector<1x16xf32> to vector<16xf32>
      %swap3A_243 = vector.shape_cast %add3A_234 : vector<16xf32> to vector<1x16xf32>
      tpu.vector_store %arg11[%swap3A_239, %swap3A_240], %swap3A_243 {strides = array<i32>} : memref<128x64xf32, #tpu.memory_space<vmem>>, vector<1x16xf32>,
      %mul3A_244 = arith.constant 2 : i32
      %mul3A_245 = arith.muli %mul3A_244, %scan3A_84 : i32
      %add3A_246 = arith.constant 1 : i32
      %add3A_247 = arith.addi %mul3A_245, %add3A_246 : i32
      %get3A_248 = arith.index_cast %add3A_247 : i32 to index
      %get3A_249 = arith.constant 32 : index
      %get3A_250 = tpu.vector_load %arg9[%get3A_248, %get3A_249] {strides = array<i32>} : memref<128x128xf32, #tpu.memory_space<vmem>>, vector<1x16xf32>,
      %get3A_251 = vector.shape_cast %get3A_250 : vector<1x16xf32> to vector<16xf32>
      %mul3A_252 = arith.constant 2 : i32
      %mul3A_253 = arith.muli %mul3A_252, %scan3A_84 : i32
      %add3A_254 = arith.constant 1 : i32
      %add3A_255 = arith.addi %mul3A_253, %add3A_254 : i32
      %get3A_256 = arith.index_cast %add3A_255 : i32 to index
      %get3A_257 = arith.constant 32 : index
      %get3A_258 = tpu.vector_load %arg11[%get3A_256, %get3A_257] {strides = array<i32>} : memref<128x64xf32, #tpu.memory_space<vmem>>, vector<1x16xf32>,
      %get3A_259 = vector.shape_cast %get3A_258 : vector<1x16xf32> to vector<16xf32>
      %sub3A_260 = arith.subf %get3A_251, %get3A_259 : vector<16xf32>
      %add3A_261 = arith.addf %get3A_259, %sub3A_260 : vector<16xf32>
      %mul3A_262 = arith.constant 2 : i32
      %mul3A_263 = arith.muli %mul3A_262, %scan3A_84 : i32
      %add3A_264 = arith.constant 1 : i32
      %add3A_265 = arith.addi %mul3A_263, %add3A_264 : i32
      %swap3A_266 = arith.index_cast %add3A_265 : i32 to index
      %swap3A_267 = arith.constant 32 : index
      %swap3A_268 = tpu.vector_load %arg11[%swap3A_266, %swap3A_267] {strides = array<i32>} : memref<128x64xf32, #tpu.memory_space<vmem>>, vector<1x16xf32>,
      %swap3A_269 = vector.shape_cast %swap3A_268 : vector<1x16xf32> to vector<16xf32>
      %swap3A_270 = vector.shape_cast %add3A_261 : vector<16xf32> to vector<1x16xf32>
      tpu.vector_store %arg11[%swap3A_266, %swap3A_267], %swap3A_270 {strides = array<i32>} : memref<128x64xf32, #tpu.memory_space<vmem>>, vector<1x16xf32>,
      %mul3A_271 = arith.constant 2 : i32
      %mul3A_272 = arith.muli %mul3A_271, %scan3A_84 : i32
      %add3A_273 = arith.constant 1 : i32
      %add3A_274 = arith.addi %mul3A_272, %add3A_273 : i32
      %get3A_275 = arith.index_cast %add3A_274 : i32 to index
      %get3A_276 = arith.constant 48 : index
      %get3A_277 = tpu.vector_load %arg9[%get3A_275, %get3A_276] {strides = array<i32>} : memref<128x128xf32, #tpu.memory_space<vmem>>, vector<1x16xf32>,
      %get3A_278 = vector.shape_cast %get3A_277 : vector<1x16xf32> to vector<16xf32>
      %mul3A_279 = arith.constant 2 : i32
      %mul3A_280 = arith.muli %mul3A_279, %scan3A_84 : i32
      %add3A_281 = arith.constant 1 : i32
      %add3A_282 = arith.addi %mul3A_280, %add3A_281 : i32
      %get3A_283 = arith.index_cast %add3A_282 : i32 to index
      %get3A_284 = arith.constant 48 : index
      %get3A_285 = tpu.vector_load %arg11[%get3A_283, %get3A_284] {strides = array<i32>} : memref<128x64xf32, #tpu.memory_space<vmem>>, vector<1x16xf32>,
      %get3A_286 = vector.shape_cast %get3A_285 : vector<1x16xf32> to vector<16xf32>
      %sub3A_287 = arith.subf %get3A_278, %get3A_286 : vector<16xf32>
      %add3A_288 = arith.addf %get3A_286, %sub3A_287 : vector<16xf32>
      %mul3A_289 = arith.constant 2 : i32
      %mul3A_290 = arith.muli %mul3A_289, %scan3A_84 : i32
      %add3A_291 = arith.constant 1 : i32
      %add3A_292 = arith.addi %mul3A_290, %add3A_291 : i32
      %swap3A_293 = arith.index_cast %add3A_292 : i32 to index
      %swap3A_294 = arith.constant 48 : index
      %swap3A_295 = tpu.vector_load %arg11[%swap3A_293, %swap3A_294] {strides = array<i32>} : memref<128x64xf32, #tpu.memory_space<vmem>>, vector<1x16xf32>,
      %swap3A_296 = vector.shape_cast %swap3A_295 : vector<1x16xf32> to vector<16xf32>
      %swap3A_297 = vector.shape_cast %add3A_288 : vector<16xf32> to vector<1x16xf32>
      tpu.vector_store %arg11[%swap3A_293, %swap3A_294], %swap3A_297 {strides = array<i32>} : memref<128x64xf32, #tpu.memory_space<vmem>>, vector<1x16xf32>,
    }
    %scan3A_65 = arith.constant 64 : i32
    %add3A_66 = arith.constant 128 : i32
    %add3A_67 = arith.addi %add3A_4, %add3A_66 : i32
    %dma_start3A_68 = arith.constant 0 : i32
    %dma_start3A_69 = tpu.memref_slice %arg5[%add3A_67, %dma_start3A_68] : memref<32768x64xf32, #tpu.memory_space<hbm>> -> memref<128x64xf32, #tpu.memory_space<hbm>>
    %dma_start3A_70 = arith.constant 0 : i32
    %dma_start3A_71 = tpu.memref_slice %arg5[%add3A_67, %dma_start3A_70] : memref<32768x64xf32, #tpu.memory_space<hbm>> -> memref<128x64xf32, #tpu.memory_space<hbm>>
    tpu.enqueue_dma source(%arg11 : memref<128x64xf32, #tpu.memory_space<vmem>>) target(%dma_start3A_71 : memref<128x64xf32, #tpu.memory_space<hbm>>) target_semaphore(%arg17 : memref<!tpu.dma_semaphore, #tpu.memory_space<semaphore_mem>>)
    %add3A_72 = arith.constant 0 : i32
    %add3A_73 = arith.addi %add3A_4, %add3A_72 : i32
    %dma_wait3A_74 = arith.constant 0 : i32
    %dma_wait3A_75 = tpu.memref_slice %arg5[%add3A_73, %dma_wait3A_74] : memref<32768x64xf32, #tpu.memory_space<hbm>> -> memref<128x64xf32, #tpu.memory_space<hbm>>
    %dma_wait3A_76 = arith.constant 0 : i32
    %dma_wait3A_77 = tpu.memref_slice %arg5[%add3A_73, %dma_wait3A_76] : memref<32768x64xf32, #tpu.memory_space<hbm>> -> memref<128x64xf32, #tpu.memory_space<hbm>>
    tpu.wait_dma2 semaphore(%arg16 : memref<!tpu.dma_semaphore, #tpu.memory_space<semaphore_mem>>) src(%arg10 : memref<128x64xf32, #tpu.memory_space<vmem>>) dst(%dma_wait3A_77 : memref<128x64xf32, #tpu.memory_space<hbm>>)
    %add3A_78 = arith.constant 128 : i32
    %add3A_79 = arith.addi %add3A_4, %add3A_78 : i32
    %dma_wait3A_80 = arith.constant 0 : i32
    %dma_wait3A_81 = tpu.memref_slice %arg5[%add3A_79, %dma_wait3A_80] : memref<32768x64xf32, #tpu.memory_space<hbm>> -> memref<128x64xf32, #tpu.memory_space<hbm>>
    %dma_wait3A_82 = arith.constant 0 : i32
    %dma_wait3A_83 = tpu.memref_slice %arg5[%add3A_79, %dma_wait3A_82] : memref<32768x64xf32, #tpu.memory_space<hbm>> -> memref<128x64xf32, #tpu.memory_space<hbm>>
    tpu.wait_dma2 semaphore(%arg17 : memref<!tpu.dma_semaphore, #tpu.memory_space<semaphore_mem>>) src(%arg11 : memref<128x64xf32, #tpu.memory_space<vmem>>) dst(%dma_wait3A_83 : memref<128x64xf32, #tpu.memory_space<hbm>>)
    return
  }
}

#map = affine_map<(d0, d1) -> (0, 0)>
#map1 = affine_map<(d0, d1) -> (0)>
module attributes {stable_mosaic.version = 14 : i64} {
  func.func @_sc_gather_st(%arg0: i32, %arg1: i32, %arg2: memref<1024x128xf32, #tpu.memory_space<hbm>>, %arg3: memref<8192xi32, #tpu.memory_space<hbm>>, %arg4: memref<32768x64xf32, #tpu.memory_space<hbm>>, %arg5: memref<32768x64xf32, #tpu.memory_space<hbm>>, %arg6: memref<256xi32, #tpu.memory_space<vmem>>, %arg7: memref<128x128xf32, #tpu.memory_space<vmem>>, %arg8: memref<128x128xf32, #tpu.memory_space<vmem>>, %arg9: memref<128x64xf32, #tpu.memory_space<vmem>>, %arg10: memref<128x64xf32, #tpu.memory_space<vmem>>, %arg11: memref<!tpu.dma_semaphore, #tpu.memory_space<semaphore_mem>>, %arg12: memref<!tpu.dma_semaphore, #tpu.memory_space<semaphore_mem>>, %arg13: memref<!tpu.dma_semaphore, #tpu.memory_space<semaphore_mem>>, %arg14: memref<!tpu.dma_semaphore, #tpu.memory_space<semaphore_mem>>, %arg15: memref<!tpu.dma_semaphore, #tpu.memory_space<semaphore_mem>>, %arg16: memref<!tpu.dma_semaphore, #tpu.memory_space<semaphore_mem>>) attributes {dimension_semantics = [#tpu.dimension_semantics<core_parallel>, #tpu.dimension_semantics<subcore_parallel>], iteration_bounds = array<i64: 2, 16>, scalar_prefetch = 0 : i64, scratch_operands = 11 : i64, tpu.core_type = #tpu.core_type<sc_vector_subcore>, window_params = [{transform_indices = #map}, {transform_indices = #map1}, {transform_indices = #map}, {transform_indices = #map}]} {
    %mul3A = arith.constant 2 : i32
    %mul3A_0 = arith.muli %arg1, %mul3A : i32
    %add3A = arith.addi %mul3A_0, %arg0 : i32
    %mul3A_1 = arith.constant 256 : i32
    %mul3A_2 = arith.muli %add3A, %mul3A_1 : i32
    %add3A_3 = arith.constant 0 : i32
    %add3A_4 = arith.addi %add3A_3, %mul3A_2 : i32
    %mul3A_5 = arith.constant 256 : i32
    %mul3A_6 = arith.muli %add3A, %mul3A_5 : i32
    "tpu.region"() ({
      %run_scoped3A = tpu.sem_alloc : memref<!tpu.dma_semaphore, #tpu.memory_space<semaphore_mem>>
      %dma_start3A_84 = tpu.memref_slice %arg3[%mul3A_6] : memref<8192xi32, #tpu.memory_space<hbm>> -> memref<256xi32, #tpu.memory_space<hbm>>
      %dma_start3A_85 = tpu.memref_slice %arg3[%mul3A_6] : memref<8192xi32, #tpu.memory_space<hbm>> -> memref<256xi32, #tpu.memory_space<hbm>>
      tpu.enqueue_dma source(%dma_start3A_85 : memref<256xi32, #tpu.memory_space<hbm>>) target(%arg6 : memref<256xi32, #tpu.memory_space<vmem>>) target_semaphore(%run_scoped3A : memref<!tpu.dma_semaphore, #tpu.memory_space<semaphore_mem>>)
      %dma_wait3A_86 = tpu.memref_slice %arg3[%mul3A_6] : memref<8192xi32, #tpu.memory_space<hbm>> -> memref<256xi32, #tpu.memory_space<hbm>>
      %dma_wait3A_87 = tpu.memref_slice %arg3[%mul3A_6] : memref<8192xi32, #tpu.memory_space<hbm>> -> memref<256xi32, #tpu.memory_space<hbm>>
      tpu.wait_dma2 semaphore(%run_scoped3A : memref<!tpu.dma_semaphore, #tpu.memory_space<semaphore_mem>>) src(%dma_wait3A_87 : memref<256xi32, #tpu.memory_space<hbm>>) dst(%arg6 : memref<256xi32, #tpu.memory_space<vmem>>)
      tpu.yield
    }) : () -> ()
    %dma_start3A = arith.constant 0 : i32
    %dma_start3A_7 = tpu.memref_slice %arg6[%dma_start3A] : memref<256xi32, #tpu.memory_space<vmem>> -> memref<128xi32, #tpu.memory_space<vmem>>
    %dma_start3A_8 = arith.constant 0 : i32
    %dma_start3A_9 = arith.constant 0 : i32
    %dma_start3A_10 = tpu.memref_slice %arg2[%dma_start3A_8, %dma_start3A_9] : memref<1024x128xf32, #tpu.memory_space<hbm>> -> memref<1024x128xf32, #tpu.memory_space<hbm>>
    tpu.enqueue_indirect_dma source(%dma_start3A_10 : memref<1024x128xf32, #tpu.memory_space<hbm>>) target(%arg7 : memref<128x128xf32, #tpu.memory_space<vmem>>) offsets(%dma_start3A_7 : memref<128xi32, #tpu.memory_space<vmem>>) semaphore(%arg11 : memref<!tpu.dma_semaphore, #tpu.memory_space<semaphore_mem>>)
    %add3A_11 = arith.constant 0 : i32
    %add3A_12 = arith.addi %add3A_4, %add3A_11 : i32
    %dma_start3A_13 = arith.constant 0 : i32
    %dma_start3A_14 = tpu.memref_slice %arg4[%add3A_12, %dma_start3A_13] : memref<32768x64xf32, #tpu.memory_space<hbm>> -> memref<128x64xf32, #tpu.memory_space<hbm>>
    %dma_start3A_15 = arith.constant 0 : i32
    %dma_start3A_16 = tpu.memref_slice %arg4[%add3A_12, %dma_start3A_15] : memref<32768x64xf32, #tpu.memory_space<hbm>> -> memref<128x64xf32, #tpu.memory_space<hbm>>
    tpu.enqueue_dma source(%dma_start3A_16 : memref<128x64xf32, #tpu.memory_space<hbm>>) target(%arg9 : memref<128x64xf32, #tpu.memory_space<vmem>>) target_semaphore(%arg13 : memref<!tpu.dma_semaphore, #tpu.memory_space<semaphore_mem>>)
    %dma_start3A_17 = arith.constant 128 : i32
    %dma_start3A_18 = tpu.memref_slice %arg6[%dma_start3A_17] : memref<256xi32, #tpu.memory_space<vmem>> -> memref<128xi32, #tpu.memory_space<vmem>>
    %dma_start3A_19 = arith.constant 0 : i32
    %dma_start3A_20 = arith.constant 0 : i32
    %dma_start3A_21 = tpu.memref_slice %arg2[%dma_start3A_19, %dma_start3A_20] : memref<1024x128xf32, #tpu.memory_space<hbm>> -> memref<1024x128xf32, #tpu.memory_space<hbm>>
    tpu.enqueue_indirect_dma source(%dma_start3A_21 : memref<1024x128xf32, #tpu.memory_space<hbm>>) target(%arg8 : memref<128x128xf32, #tpu.memory_space<vmem>>) offsets(%dma_start3A_18 : memref<128xi32, #tpu.memory_space<vmem>>) semaphore(%arg12 : memref<!tpu.dma_semaphore, #tpu.memory_space<semaphore_mem>>)
    %add3A_22 = arith.constant 128 : i32
    %add3A_23 = arith.addi %add3A_4, %add3A_22 : i32
    %dma_start3A_24 = arith.constant 0 : i32
    %dma_start3A_25 = tpu.memref_slice %arg4[%add3A_23, %dma_start3A_24] : memref<32768x64xf32, #tpu.memory_space<hbm>> -> memref<128x64xf32, #tpu.memory_space<hbm>>
    %dma_start3A_26 = arith.constant 0 : i32
    %dma_start3A_27 = tpu.memref_slice %arg4[%add3A_23, %dma_start3A_26] : memref<32768x64xf32, #tpu.memory_space<hbm>> -> memref<128x64xf32, #tpu.memory_space<hbm>>
    tpu.enqueue_dma source(%dma_start3A_27 : memref<128x64xf32, #tpu.memory_space<hbm>>) target(%arg10 : memref<128x64xf32, #tpu.memory_space<vmem>>) target_semaphore(%arg14 : memref<!tpu.dma_semaphore, #tpu.memory_space<semaphore_mem>>)
    %dma_wait3A = arith.constant 0 : i32
    %dma_wait3A_28 = tpu.memref_slice %arg6[%dma_wait3A] : memref<256xi32, #tpu.memory_space<vmem>> -> memref<128xi32, #tpu.memory_space<vmem>>
    %dma_wait3A_29 = arith.constant 0 : i32
    %dma_wait3A_30 = arith.constant 0 : i32
    %dma_wait3A_31 = tpu.memref_slice %arg2[%dma_wait3A_29, %dma_wait3A_30] : memref<1024x128xf32, #tpu.memory_space<hbm>> -> memref<1024x128xf32, #tpu.memory_space<hbm>>
    tpu.wait_indirect_dma semaphore(%arg11 : memref<!tpu.dma_semaphore, #tpu.memory_space<semaphore_mem>>) src(%dma_wait3A_31 : memref<1024x128xf32, #tpu.memory_space<hbm>>) dst(%arg7 : memref<128x128xf32, #tpu.memory_space<vmem>>)
    %add3A_32 = arith.constant 0 : i32
    %add3A_33 = arith.addi %add3A_4, %add3A_32 : i32
    %dma_wait3A_34 = arith.constant 0 : i32
    %dma_wait3A_35 = tpu.memref_slice %arg4[%add3A_33, %dma_wait3A_34] : memref<32768x64xf32, #tpu.memory_space<hbm>> -> memref<128x64xf32, #tpu.memory_space<hbm>>
    %dma_wait3A_36 = arith.constant 0 : i32
    %dma_wait3A_37 = tpu.memref_slice %arg4[%add3A_33, %dma_wait3A_36] : memref<32768x64xf32, #tpu.memory_space<hbm>> -> memref<128x64xf32, #tpu.memory_space<hbm>>
    tpu.wait_dma2 semaphore(%arg13 : memref<!tpu.dma_semaphore, #tpu.memory_space<semaphore_mem>>) src(%dma_wait3A_37 : memref<128x64xf32, #tpu.memory_space<hbm>>) dst(%arg9 : memref<128x64xf32, #tpu.memory_space<vmem>>)
    %scan3A = arith.constant 0 : i32
    %scan3A_38 = arith.constant 0 : i32
    %scan3A_39 = arith.constant 64 : i32
    %scan3A_40 = arith.addi %scan3A_38, %scan3A_39 : i32
    %scan3A_41 = arith.constant 1 : i32
    scf.for %scan3A_84 = %scan3A_38 to %scan3A_40 step %scan3A_41  : i32 {
      %mul3A_85 = arith.constant 2 : i32
      %mul3A_86 = arith.muli %mul3A_85, %scan3A_84 : i32
      %add3A_87 = arith.constant 0 : i32
      %add3A_88 = arith.addi %mul3A_86, %add3A_87 : i32
      %get3A = arith.index_cast %add3A_88 : i32 to index
      %get3A_89 = arith.constant 0 : index
      %get3A_90 = tpu.vector_load %arg7[%get3A, %get3A_89] {strides = array<i32>} : memref<128x128xf32, #tpu.memory_space<vmem>>, vector<1x16xf32>,
      %get3A_91 = vector.shape_cast %get3A_90 : vector<1x16xf32> to vector<16xf32>
      %mul3A_92 = arith.constant 2 : i32
      %mul3A_93 = arith.muli %mul3A_92, %scan3A_84 : i32
      %add3A_94 = arith.constant 0 : i32
      %add3A_95 = arith.addi %mul3A_93, %add3A_94 : i32
      %get3A_96 = arith.index_cast %add3A_95 : i32 to index
      %get3A_97 = arith.constant 0 : index
      %get3A_98 = tpu.vector_load %arg9[%get3A_96, %get3A_97] {strides = array<i32>} : memref<128x64xf32, #tpu.memory_space<vmem>>, vector<1x16xf32>,
      %get3A_99 = vector.shape_cast %get3A_98 : vector<1x16xf32> to vector<16xf32>
      %sub3A = arith.subf %get3A_91, %get3A_99 : vector<16xf32>
      %add3A_100 = arith.addf %get3A_99, %sub3A : vector<16xf32>
      %mul3A_101 = arith.constant 2 : i32
      %mul3A_102 = arith.muli %mul3A_101, %scan3A_84 : i32
      %add3A_103 = arith.constant 0 : i32
      %add3A_104 = arith.addi %mul3A_102, %add3A_103 : i32
      %swap3A = arith.index_cast %add3A_104 : i32 to index
      %swap3A_105 = arith.constant 0 : index
      %swap3A_106 = tpu.vector_load %arg9[%swap3A, %swap3A_105] {strides = array<i32>} : memref<128x64xf32, #tpu.memory_space<vmem>>, vector<1x16xf32>,
      %swap3A_107 = vector.shape_cast %swap3A_106 : vector<1x16xf32> to vector<16xf32>
      %swap3A_108 = vector.shape_cast %add3A_100 : vector<16xf32> to vector<1x16xf32>
      tpu.vector_store %arg9[%swap3A, %swap3A_105], %swap3A_108 {strides = array<i32>} : memref<128x64xf32, #tpu.memory_space<vmem>>, vector<1x16xf32>,
      %mul3A_109 = arith.constant 2 : i32
      %mul3A_110 = arith.muli %mul3A_109, %scan3A_84 : i32
      %add3A_111 = arith.constant 0 : i32
      %add3A_112 = arith.addi %mul3A_110, %add3A_111 : i32
      %get3A_113 = arith.index_cast %add3A_112 : i32 to index
      %get3A_114 = arith.constant 16 : index
      %get3A_115 = tpu.vector_load %arg7[%get3A_113, %get3A_114] {strides = array<i32>} : memref<128x128xf32, #tpu.memory_space<vmem>>, vector<1x16xf32>,
      %get3A_116 = vector.shape_cast %get3A_115 : vector<1x16xf32> to vector<16xf32>
      %mul3A_117 = arith.constant 2 : i32
      %mul3A_118 = arith.muli %mul3A_117, %scan3A_84 : i32
      %add3A_119 = arith.constant 0 : i32
      %add3A_120 = arith.addi %mul3A_118, %add3A_119 : i32
      %get3A_121 = arith.index_cast %add3A_120 : i32 to index
      %get3A_122 = arith.constant 16 : index
      %get3A_123 = tpu.vector_load %arg9[%get3A_121, %get3A_122] {strides = array<i32>} : memref<128x64xf32, #tpu.memory_space<vmem>>, vector<1x16xf32>,
      %get3A_124 = vector.shape_cast %get3A_123 : vector<1x16xf32> to vector<16xf32>
      %sub3A_125 = arith.subf %get3A_116, %get3A_124 : vector<16xf32>
      %add3A_126 = arith.addf %get3A_124, %sub3A_125 : vector<16xf32>
      %mul3A_127 = arith.constant 2 : i32
      %mul3A_128 = arith.muli %mul3A_127, %scan3A_84 : i32
      %add3A_129 = arith.constant 0 : i32
      %add3A_130 = arith.addi %mul3A_128, %add3A_129 : i32
      %swap3A_131 = arith.index_cast %add3A_130 : i32 to index
      %swap3A_132 = arith.constant 16 : index
      %swap3A_133 = tpu.vector_load %arg9[%swap3A_131, %swap3A_132] {strides = array<i32>} : memref<128x64xf32, #tpu.memory_space<vmem>>, vector<1x16xf32>,
      %swap3A_134 = vector.shape_cast %swap3A_133 : vector<1x16xf32> to vector<16xf32>
      %swap3A_135 = vector.shape_cast %add3A_126 : vector<16xf32> to vector<1x16xf32>
      tpu.vector_store %arg9[%swap3A_131, %swap3A_132], %swap3A_135 {strides = array<i32>} : memref<128x64xf32, #tpu.memory_space<vmem>>, vector<1x16xf32>,
      %mul3A_136 = arith.constant 2 : i32
      %mul3A_137 = arith.muli %mul3A_136, %scan3A_84 : i32
      %add3A_138 = arith.constant 0 : i32
      %add3A_139 = arith.addi %mul3A_137, %add3A_138 : i32
      %get3A_140 = arith.index_cast %add3A_139 : i32 to index
      %get3A_141 = arith.constant 32 : index
      %get3A_142 = tpu.vector_load %arg7[%get3A_140, %get3A_141] {strides = array<i32>} : memref<128x128xf32, #tpu.memory_space<vmem>>, vector<1x16xf32>,
      %get3A_143 = vector.shape_cast %get3A_142 : vector<1x16xf32> to vector<16xf32>
      %mul3A_144 = arith.constant 2 : i32
      %mul3A_145 = arith.muli %mul3A_144, %scan3A_84 : i32
      %add3A_146 = arith.constant 0 : i32
      %add3A_147 = arith.addi %mul3A_145, %add3A_146 : i32
      %get3A_148 = arith.index_cast %add3A_147 : i32 to index
      %get3A_149 = arith.constant 32 : index
      %get3A_150 = tpu.vector_load %arg9[%get3A_148, %get3A_149] {strides = array<i32>} : memref<128x64xf32, #tpu.memory_space<vmem>>, vector<1x16xf32>,
      %get3A_151 = vector.shape_cast %get3A_150 : vector<1x16xf32> to vector<16xf32>
      %sub3A_152 = arith.subf %get3A_143, %get3A_151 : vector<16xf32>
      %add3A_153 = arith.addf %get3A_151, %sub3A_152 : vector<16xf32>
      %mul3A_154 = arith.constant 2 : i32
      %mul3A_155 = arith.muli %mul3A_154, %scan3A_84 : i32
      %add3A_156 = arith.constant 0 : i32
      %add3A_157 = arith.addi %mul3A_155, %add3A_156 : i32
      %swap3A_158 = arith.index_cast %add3A_157 : i32 to index
      %swap3A_159 = arith.constant 32 : index
      %swap3A_160 = tpu.vector_load %arg9[%swap3A_158, %swap3A_159] {strides = array<i32>} : memref<128x64xf32, #tpu.memory_space<vmem>>, vector<1x16xf32>,
      %swap3A_161 = vector.shape_cast %swap3A_160 : vector<1x16xf32> to vector<16xf32>
      %swap3A_162 = vector.shape_cast %add3A_153 : vector<16xf32> to vector<1x16xf32>
      tpu.vector_store %arg9[%swap3A_158, %swap3A_159], %swap3A_162 {strides = array<i32>} : memref<128x64xf32, #tpu.memory_space<vmem>>, vector<1x16xf32>,
      %mul3A_163 = arith.constant 2 : i32
      %mul3A_164 = arith.muli %mul3A_163, %scan3A_84 : i32
      %add3A_165 = arith.constant 0 : i32
      %add3A_166 = arith.addi %mul3A_164, %add3A_165 : i32
      %get3A_167 = arith.index_cast %add3A_166 : i32 to index
      %get3A_168 = arith.constant 48 : index
      %get3A_169 = tpu.vector_load %arg7[%get3A_167, %get3A_168] {strides = array<i32>} : memref<128x128xf32, #tpu.memory_space<vmem>>, vector<1x16xf32>,
      %get3A_170 = vector.shape_cast %get3A_169 : vector<1x16xf32> to vector<16xf32>
      %mul3A_171 = arith.constant 2 : i32
      %mul3A_172 = arith.muli %mul3A_171, %scan3A_84 : i32
      %add3A_173 = arith.constant 0 : i32
      %add3A_174 = arith.addi %mul3A_172, %add3A_173 : i32
      %get3A_175 = arith.index_cast %add3A_174 : i32 to index
      %get3A_176 = arith.constant 48 : index
      %get3A_177 = tpu.vector_load %arg9[%get3A_175, %get3A_176] {strides = array<i32>} : memref<128x64xf32, #tpu.memory_space<vmem>>, vector<1x16xf32>,
      %get3A_178 = vector.shape_cast %get3A_177 : vector<1x16xf32> to vector<16xf32>
      %sub3A_179 = arith.subf %get3A_170, %get3A_178 : vector<16xf32>
      %add3A_180 = arith.addf %get3A_178, %sub3A_179 : vector<16xf32>
      %mul3A_181 = arith.constant 2 : i32
      %mul3A_182 = arith.muli %mul3A_181, %scan3A_84 : i32
      %add3A_183 = arith.constant 0 : i32
      %add3A_184 = arith.addi %mul3A_182, %add3A_183 : i32
      %swap3A_185 = arith.index_cast %add3A_184 : i32 to index
      %swap3A_186 = arith.constant 48 : index
      %swap3A_187 = tpu.vector_load %arg9[%swap3A_185, %swap3A_186] {strides = array<i32>} : memref<128x64xf32, #tpu.memory_space<vmem>>, vector<1x16xf32>,
      %swap3A_188 = vector.shape_cast %swap3A_187 : vector<1x16xf32> to vector<16xf32>
      %swap3A_189 = vector.shape_cast %add3A_180 : vector<16xf32> to vector<1x16xf32>
      tpu.vector_store %arg9[%swap3A_185, %swap3A_186], %swap3A_189 {strides = array<i32>} : memref<128x64xf32, #tpu.memory_space<vmem>>, vector<1x16xf32>,
      %mul3A_190 = arith.constant 2 : i32
      %mul3A_191 = arith.muli %mul3A_190, %scan3A_84 : i32
      %add3A_192 = arith.constant 1 : i32
      %add3A_193 = arith.addi %mul3A_191, %add3A_192 : i32
      %get3A_194 = arith.index_cast %add3A_193 : i32 to index
      %get3A_195 = arith.constant 0 : index
      %get3A_196 = tpu.vector_load %arg7[%get3A_194, %get3A_195] {strides = array<i32>} : memref<128x128xf32, #tpu.memory_space<vmem>>, vector<1x16xf32>,
      %get3A_197 = vector.shape_cast %get3A_196 : vector<1x16xf32> to vector<16xf32>
      %mul3A_198 = arith.constant 2 : i32
      %mul3A_199 = arith.muli %mul3A_198, %scan3A_84 : i32
      %add3A_200 = arith.constant 1 : i32
      %add3A_201 = arith.addi %mul3A_199, %add3A_200 : i32
      %get3A_202 = arith.index_cast %add3A_201 : i32 to index
      %get3A_203 = arith.constant 0 : index
      %get3A_204 = tpu.vector_load %arg9[%get3A_202, %get3A_203] {strides = array<i32>} : memref<128x64xf32, #tpu.memory_space<vmem>>, vector<1x16xf32>,
      %get3A_205 = vector.shape_cast %get3A_204 : vector<1x16xf32> to vector<16xf32>
      %sub3A_206 = arith.subf %get3A_197, %get3A_205 : vector<16xf32>
      %add3A_207 = arith.addf %get3A_205, %sub3A_206 : vector<16xf32>
      %mul3A_208 = arith.constant 2 : i32
      %mul3A_209 = arith.muli %mul3A_208, %scan3A_84 : i32
      %add3A_210 = arith.constant 1 : i32
      %add3A_211 = arith.addi %mul3A_209, %add3A_210 : i32
      %swap3A_212 = arith.index_cast %add3A_211 : i32 to index
      %swap3A_213 = arith.constant 0 : index
      %swap3A_214 = tpu.vector_load %arg9[%swap3A_212, %swap3A_213] {strides = array<i32>} : memref<128x64xf32, #tpu.memory_space<vmem>>, vector<1x16xf32>,
      %swap3A_215 = vector.shape_cast %swap3A_214 : vector<1x16xf32> to vector<16xf32>
      %swap3A_216 = vector.shape_cast %add3A_207 : vector<16xf32> to vector<1x16xf32>
      tpu.vector_store %arg9[%swap3A_212, %swap3A_213], %swap3A_216 {strides = array<i32>} : memref<128x64xf32, #tpu.memory_space<vmem>>, vector<1x16xf32>,
      %mul3A_217 = arith.constant 2 : i32
      %mul3A_218 = arith.muli %mul3A_217, %scan3A_84 : i32
      %add3A_219 = arith.constant 1 : i32
      %add3A_220 = arith.addi %mul3A_218, %add3A_219 : i32
      %get3A_221 = arith.index_cast %add3A_220 : i32 to index
      %get3A_222 = arith.constant 16 : index
      %get3A_223 = tpu.vector_load %arg7[%get3A_221, %get3A_222] {strides = array<i32>} : memref<128x128xf32, #tpu.memory_space<vmem>>, vector<1x16xf32>,
      %get3A_224 = vector.shape_cast %get3A_223 : vector<1x16xf32> to vector<16xf32>
      %mul3A_225 = arith.constant 2 : i32
      %mul3A_226 = arith.muli %mul3A_225, %scan3A_84 : i32
      %add3A_227 = arith.constant 1 : i32
      %add3A_228 = arith.addi %mul3A_226, %add3A_227 : i32
      %get3A_229 = arith.index_cast %add3A_228 : i32 to index
      %get3A_230 = arith.constant 16 : index
      %get3A_231 = tpu.vector_load %arg9[%get3A_229, %get3A_230] {strides = array<i32>} : memref<128x64xf32, #tpu.memory_space<vmem>>, vector<1x16xf32>,
      %get3A_232 = vector.shape_cast %get3A_231 : vector<1x16xf32> to vector<16xf32>
      %sub3A_233 = arith.subf %get3A_224, %get3A_232 : vector<16xf32>
      %add3A_234 = arith.addf %get3A_232, %sub3A_233 : vector<16xf32>
      %mul3A_235 = arith.constant 2 : i32
      %mul3A_236 = arith.muli %mul3A_235, %scan3A_84 : i32
      %add3A_237 = arith.constant 1 : i32
      %add3A_238 = arith.addi %mul3A_236, %add3A_237 : i32
      %swap3A_239 = arith.index_cast %add3A_238 : i32 to index
      %swap3A_240 = arith.constant 16 : index
      %swap3A_241 = tpu.vector_load %arg9[%swap3A_239, %swap3A_240] {strides = array<i32>} : memref<128x64xf32, #tpu.memory_space<vmem>>, vector<1x16xf32>,
      %swap3A_242 = vector.shape_cast %swap3A_241 : vector<1x16xf32> to vector<16xf32>
      %swap3A_243 = vector.shape_cast %add3A_234 : vector<16xf32> to vector<1x16xf32>
      tpu.vector_store %arg9[%swap3A_239, %swap3A_240], %swap3A_243 {strides = array<i32>} : memref<128x64xf32, #tpu.memory_space<vmem>>, vector<1x16xf32>,
      %mul3A_244 = arith.constant 2 : i32
      %mul3A_245 = arith.muli %mul3A_244, %scan3A_84 : i32
      %add3A_246 = arith.constant 1 : i32
      %add3A_247 = arith.addi %mul3A_245, %add3A_246 : i32
      %get3A_248 = arith.index_cast %add3A_247 : i32 to index
      %get3A_249 = arith.constant 32 : index
      %get3A_250 = tpu.vector_load %arg7[%get3A_248, %get3A_249] {strides = array<i32>} : memref<128x128xf32, #tpu.memory_space<vmem>>, vector<1x16xf32>,
      %get3A_251 = vector.shape_cast %get3A_250 : vector<1x16xf32> to vector<16xf32>
      %mul3A_252 = arith.constant 2 : i32
      %mul3A_253 = arith.muli %mul3A_252, %scan3A_84 : i32
      %add3A_254 = arith.constant 1 : i32
      %add3A_255 = arith.addi %mul3A_253, %add3A_254 : i32
      %get3A_256 = arith.index_cast %add3A_255 : i32 to index
      %get3A_257 = arith.constant 32 : index
      %get3A_258 = tpu.vector_load %arg9[%get3A_256, %get3A_257] {strides = array<i32>} : memref<128x64xf32, #tpu.memory_space<vmem>>, vector<1x16xf32>,
      %get3A_259 = vector.shape_cast %get3A_258 : vector<1x16xf32> to vector<16xf32>
      %sub3A_260 = arith.subf %get3A_251, %get3A_259 : vector<16xf32>
      %add3A_261 = arith.addf %get3A_259, %sub3A_260 : vector<16xf32>
      %mul3A_262 = arith.constant 2 : i32
      %mul3A_263 = arith.muli %mul3A_262, %scan3A_84 : i32
      %add3A_264 = arith.constant 1 : i32
      %add3A_265 = arith.addi %mul3A_263, %add3A_264 : i32
      %swap3A_266 = arith.index_cast %add3A_265 : i32 to index
      %swap3A_267 = arith.constant 32 : index
      %swap3A_268 = tpu.vector_load %arg9[%swap3A_266, %swap3A_267] {strides = array<i32>} : memref<128x64xf32, #tpu.memory_space<vmem>>, vector<1x16xf32>,
      %swap3A_269 = vector.shape_cast %swap3A_268 : vector<1x16xf32> to vector<16xf32>
      %swap3A_270 = vector.shape_cast %add3A_261 : vector<16xf32> to vector<1x16xf32>
      tpu.vector_store %arg9[%swap3A_266, %swap3A_267], %swap3A_270 {strides = array<i32>} : memref<128x64xf32, #tpu.memory_space<vmem>>, vector<1x16xf32>,
      %mul3A_271 = arith.constant 2 : i32
      %mul3A_272 = arith.muli %mul3A_271, %scan3A_84 : i32
      %add3A_273 = arith.constant 1 : i32
      %add3A_274 = arith.addi %mul3A_272, %add3A_273 : i32
      %get3A_275 = arith.index_cast %add3A_274 : i32 to index
      %get3A_276 = arith.constant 48 : index
      %get3A_277 = tpu.vector_load %arg7[%get3A_275, %get3A_276] {strides = array<i32>} : memref<128x128xf32, #tpu.memory_space<vmem>>, vector<1x16xf32>,
      %get3A_278 = vector.shape_cast %get3A_277 : vector<1x16xf32> to vector<16xf32>
      %mul3A_279 = arith.constant 2 : i32
      %mul3A_280 = arith.muli %mul3A_279, %scan3A_84 : i32
      %add3A_281 = arith.constant 1 : i32
      %add3A_282 = arith.addi %mul3A_280, %add3A_281 : i32
      %get3A_283 = arith.index_cast %add3A_282 : i32 to index
      %get3A_284 = arith.constant 48 : index
      %get3A_285 = tpu.vector_load %arg9[%get3A_283, %get3A_284] {strides = array<i32>} : memref<128x64xf32, #tpu.memory_space<vmem>>, vector<1x16xf32>,
      %get3A_286 = vector.shape_cast %get3A_285 : vector<1x16xf32> to vector<16xf32>
      %sub3A_287 = arith.subf %get3A_278, %get3A_286 : vector<16xf32>
      %add3A_288 = arith.addf %get3A_286, %sub3A_287 : vector<16xf32>
      %mul3A_289 = arith.constant 2 : i32
      %mul3A_290 = arith.muli %mul3A_289, %scan3A_84 : i32
      %add3A_291 = arith.constant 1 : i32
      %add3A_292 = arith.addi %mul3A_290, %add3A_291 : i32
      %swap3A_293 = arith.index_cast %add3A_292 : i32 to index
      %swap3A_294 = arith.constant 48 : index
      %swap3A_295 = tpu.vector_load %arg9[%swap3A_293, %swap3A_294] {strides = array<i32>} : memref<128x64xf32, #tpu.memory_space<vmem>>, vector<1x16xf32>,
      %swap3A_296 = vector.shape_cast %swap3A_295 : vector<1x16xf32> to vector<16xf32>
      %swap3A_297 = vector.shape_cast %add3A_288 : vector<16xf32> to vector<1x16xf32>
      tpu.vector_store %arg9[%swap3A_293, %swap3A_294], %swap3A_297 {strides = array<i32>} : memref<128x64xf32, #tpu.memory_space<vmem>>, vector<1x16xf32>,
    }
    %scan3A_42 = arith.constant 64 : i32
    %add3A_43 = arith.constant 0 : i32
    %add3A_44 = arith.addi %add3A_4, %add3A_43 : i32
    %dma_start3A_45 = arith.constant 0 : i32
    %dma_start3A_46 = tpu.memref_slice %arg5[%add3A_44, %dma_start3A_45] : memref<32768x64xf32, #tpu.memory_space<hbm>> -> memref<128x64xf32, #tpu.memory_space<hbm>>
    %dma_start3A_47 = arith.constant 0 : i32
    %dma_start3A_48 = tpu.memref_slice %arg5[%add3A_44, %dma_start3A_47] : memref<32768x64xf32, #tpu.memory_space<hbm>> -> memref<128x64xf32, #tpu.memory_space<hbm>>
    tpu.enqueue_dma source(%arg9 : memref<128x64xf32, #tpu.memory_space<vmem>>) target(%dma_start3A_48 : memref<128x64xf32, #tpu.memory_space<hbm>>) target_semaphore(%arg15 : memref<!tpu.dma_semaphore, #tpu.memory_space<semaphore_mem>>)
    %dma_wait3A_49 = arith.constant 128 : i32
    %dma_wait3A_50 = tpu.memref_slice %arg6[%dma_wait3A_49] : memref<256xi32, #tpu.memory_space<vmem>> -> memref<128xi32, #tpu.memory_space<vmem>>
    %dma_wait3A_51 = arith.constant 0 : i32
    %dma_wait3A_52 = arith.constant 0 : i32
    %dma_wait3A_53 = tpu.memref_slice %arg2[%dma_wait3A_51, %dma_wait3A_52] : memref<1024x128xf32, #tpu.memory_space<hbm>> -> memref<1024x128xf32, #tpu.memory_space<hbm>>
    tpu.wait_indirect_dma semaphore(%arg12 : memref<!tpu.dma_semaphore, #tpu.memory_space<semaphore_mem>>) src(%dma_wait3A_53 : memref<1024x128xf32, #tpu.memory_space<hbm>>) dst(%arg8 : memref<128x128xf32, #tpu.memory_space<vmem>>)
    %add3A_54 = arith.constant 128 : i32
    %add3A_55 = arith.addi %add3A_4, %add3A_54 : i32
    %dma_wait3A_56 = arith.constant 0 : i32
    %dma_wait3A_57 = tpu.memref_slice %arg4[%add3A_55, %dma_wait3A_56] : memref<32768x64xf32, #tpu.memory_space<hbm>> -> memref<128x64xf32, #tpu.memory_space<hbm>>
    %dma_wait3A_58 = arith.constant 0 : i32
    %dma_wait3A_59 = tpu.memref_slice %arg4[%add3A_55, %dma_wait3A_58] : memref<32768x64xf32, #tpu.memory_space<hbm>> -> memref<128x64xf32, #tpu.memory_space<hbm>>
    tpu.wait_dma2 semaphore(%arg14 : memref<!tpu.dma_semaphore, #tpu.memory_space<semaphore_mem>>) src(%dma_wait3A_59 : memref<128x64xf32, #tpu.memory_space<hbm>>) dst(%arg10 : memref<128x64xf32, #tpu.memory_space<vmem>>)
    %scan3A_60 = arith.constant 0 : i32
    %scan3A_61 = arith.constant 0 : i32
    %scan3A_62 = arith.constant 64 : i32
    %scan3A_63 = arith.addi %scan3A_61, %scan3A_62 : i32
    %scan3A_64 = arith.constant 1 : i32
    scf.for %scan3A_84 = %scan3A_61 to %scan3A_63 step %scan3A_64  : i32 {
      %mul3A_85 = arith.constant 2 : i32
      %mul3A_86 = arith.muli %mul3A_85, %scan3A_84 : i32
      %add3A_87 = arith.constant 0 : i32
      %add3A_88 = arith.addi %mul3A_86, %add3A_87 : i32
      %get3A = arith.index_cast %add3A_88 : i32 to index
      %get3A_89 = arith.constant 0 : index
      %get3A_90 = tpu.vector_load %arg8[%get3A, %get3A_89] {strides = array<i32>} : memref<128x128xf32, #tpu.memory_space<vmem>>, vector<1x16xf32>,
      %get3A_91 = vector.shape_cast %get3A_90 : vector<1x16xf32> to vector<16xf32>
      %mul3A_92 = arith.constant 2 : i32
      %mul3A_93 = arith.muli %mul3A_92, %scan3A_84 : i32
      %add3A_94 = arith.constant 0 : i32
      %add3A_95 = arith.addi %mul3A_93, %add3A_94 : i32
      %get3A_96 = arith.index_cast %add3A_95 : i32 to index
      %get3A_97 = arith.constant 0 : index
      %get3A_98 = tpu.vector_load %arg10[%get3A_96, %get3A_97] {strides = array<i32>} : memref<128x64xf32, #tpu.memory_space<vmem>>, vector<1x16xf32>,
      %get3A_99 = vector.shape_cast %get3A_98 : vector<1x16xf32> to vector<16xf32>
      %sub3A = arith.subf %get3A_91, %get3A_99 : vector<16xf32>
      %add3A_100 = arith.addf %get3A_99, %sub3A : vector<16xf32>
      %mul3A_101 = arith.constant 2 : i32
      %mul3A_102 = arith.muli %mul3A_101, %scan3A_84 : i32
      %add3A_103 = arith.constant 0 : i32
      %add3A_104 = arith.addi %mul3A_102, %add3A_103 : i32
      %swap3A = arith.index_cast %add3A_104 : i32 to index
      %swap3A_105 = arith.constant 0 : index
      %swap3A_106 = tpu.vector_load %arg10[%swap3A, %swap3A_105] {strides = array<i32>} : memref<128x64xf32, #tpu.memory_space<vmem>>, vector<1x16xf32>,
      %swap3A_107 = vector.shape_cast %swap3A_106 : vector<1x16xf32> to vector<16xf32>
      %swap3A_108 = vector.shape_cast %add3A_100 : vector<16xf32> to vector<1x16xf32>
      tpu.vector_store %arg10[%swap3A, %swap3A_105], %swap3A_108 {strides = array<i32>} : memref<128x64xf32, #tpu.memory_space<vmem>>, vector<1x16xf32>,
      %mul3A_109 = arith.constant 2 : i32
      %mul3A_110 = arith.muli %mul3A_109, %scan3A_84 : i32
      %add3A_111 = arith.constant 0 : i32
      %add3A_112 = arith.addi %mul3A_110, %add3A_111 : i32
      %get3A_113 = arith.index_cast %add3A_112 : i32 to index
      %get3A_114 = arith.constant 16 : index
      %get3A_115 = tpu.vector_load %arg8[%get3A_113, %get3A_114] {strides = array<i32>} : memref<128x128xf32, #tpu.memory_space<vmem>>, vector<1x16xf32>,
      %get3A_116 = vector.shape_cast %get3A_115 : vector<1x16xf32> to vector<16xf32>
      %mul3A_117 = arith.constant 2 : i32
      %mul3A_118 = arith.muli %mul3A_117, %scan3A_84 : i32
      %add3A_119 = arith.constant 0 : i32
      %add3A_120 = arith.addi %mul3A_118, %add3A_119 : i32
      %get3A_121 = arith.index_cast %add3A_120 : i32 to index
      %get3A_122 = arith.constant 16 : index
      %get3A_123 = tpu.vector_load %arg10[%get3A_121, %get3A_122] {strides = array<i32>} : memref<128x64xf32, #tpu.memory_space<vmem>>, vector<1x16xf32>,
      %get3A_124 = vector.shape_cast %get3A_123 : vector<1x16xf32> to vector<16xf32>
      %sub3A_125 = arith.subf %get3A_116, %get3A_124 : vector<16xf32>
      %add3A_126 = arith.addf %get3A_124, %sub3A_125 : vector<16xf32>
      %mul3A_127 = arith.constant 2 : i32
      %mul3A_128 = arith.muli %mul3A_127, %scan3A_84 : i32
      %add3A_129 = arith.constant 0 : i32
      %add3A_130 = arith.addi %mul3A_128, %add3A_129 : i32
      %swap3A_131 = arith.index_cast %add3A_130 : i32 to index
      %swap3A_132 = arith.constant 16 : index
      %swap3A_133 = tpu.vector_load %arg10[%swap3A_131, %swap3A_132] {strides = array<i32>} : memref<128x64xf32, #tpu.memory_space<vmem>>, vector<1x16xf32>,
      %swap3A_134 = vector.shape_cast %swap3A_133 : vector<1x16xf32> to vector<16xf32>
      %swap3A_135 = vector.shape_cast %add3A_126 : vector<16xf32> to vector<1x16xf32>
      tpu.vector_store %arg10[%swap3A_131, %swap3A_132], %swap3A_135 {strides = array<i32>} : memref<128x64xf32, #tpu.memory_space<vmem>>, vector<1x16xf32>,
      %mul3A_136 = arith.constant 2 : i32
      %mul3A_137 = arith.muli %mul3A_136, %scan3A_84 : i32
      %add3A_138 = arith.constant 0 : i32
      %add3A_139 = arith.addi %mul3A_137, %add3A_138 : i32
      %get3A_140 = arith.index_cast %add3A_139 : i32 to index
      %get3A_141 = arith.constant 32 : index
      %get3A_142 = tpu.vector_load %arg8[%get3A_140, %get3A_141] {strides = array<i32>} : memref<128x128xf32, #tpu.memory_space<vmem>>, vector<1x16xf32>,
      %get3A_143 = vector.shape_cast %get3A_142 : vector<1x16xf32> to vector<16xf32>
      %mul3A_144 = arith.constant 2 : i32
      %mul3A_145 = arith.muli %mul3A_144, %scan3A_84 : i32
      %add3A_146 = arith.constant 0 : i32
      %add3A_147 = arith.addi %mul3A_145, %add3A_146 : i32
      %get3A_148 = arith.index_cast %add3A_147 : i32 to index
      %get3A_149 = arith.constant 32 : index
      %get3A_150 = tpu.vector_load %arg10[%get3A_148, %get3A_149] {strides = array<i32>} : memref<128x64xf32, #tpu.memory_space<vmem>>, vector<1x16xf32>,
      %get3A_151 = vector.shape_cast %get3A_150 : vector<1x16xf32> to vector<16xf32>
      %sub3A_152 = arith.subf %get3A_143, %get3A_151 : vector<16xf32>
      %add3A_153 = arith.addf %get3A_151, %sub3A_152 : vector<16xf32>
      %mul3A_154 = arith.constant 2 : i32
      %mul3A_155 = arith.muli %mul3A_154, %scan3A_84 : i32
      %add3A_156 = arith.constant 0 : i32
      %add3A_157 = arith.addi %mul3A_155, %add3A_156 : i32
      %swap3A_158 = arith.index_cast %add3A_157 : i32 to index
      %swap3A_159 = arith.constant 32 : index
      %swap3A_160 = tpu.vector_load %arg10[%swap3A_158, %swap3A_159] {strides = array<i32>} : memref<128x64xf32, #tpu.memory_space<vmem>>, vector<1x16xf32>,
      %swap3A_161 = vector.shape_cast %swap3A_160 : vector<1x16xf32> to vector<16xf32>
      %swap3A_162 = vector.shape_cast %add3A_153 : vector<16xf32> to vector<1x16xf32>
      tpu.vector_store %arg10[%swap3A_158, %swap3A_159], %swap3A_162 {strides = array<i32>} : memref<128x64xf32, #tpu.memory_space<vmem>>, vector<1x16xf32>,
      %mul3A_163 = arith.constant 2 : i32
      %mul3A_164 = arith.muli %mul3A_163, %scan3A_84 : i32
      %add3A_165 = arith.constant 0 : i32
      %add3A_166 = arith.addi %mul3A_164, %add3A_165 : i32
      %get3A_167 = arith.index_cast %add3A_166 : i32 to index
      %get3A_168 = arith.constant 48 : index
      %get3A_169 = tpu.vector_load %arg8[%get3A_167, %get3A_168] {strides = array<i32>} : memref<128x128xf32, #tpu.memory_space<vmem>>, vector<1x16xf32>,
      %get3A_170 = vector.shape_cast %get3A_169 : vector<1x16xf32> to vector<16xf32>
      %mul3A_171 = arith.constant 2 : i32
      %mul3A_172 = arith.muli %mul3A_171, %scan3A_84 : i32
      %add3A_173 = arith.constant 0 : i32
      %add3A_174 = arith.addi %mul3A_172, %add3A_173 : i32
      %get3A_175 = arith.index_cast %add3A_174 : i32 to index
      %get3A_176 = arith.constant 48 : index
      %get3A_177 = tpu.vector_load %arg10[%get3A_175, %get3A_176] {strides = array<i32>} : memref<128x64xf32, #tpu.memory_space<vmem>>, vector<1x16xf32>,
      %get3A_178 = vector.shape_cast %get3A_177 : vector<1x16xf32> to vector<16xf32>
      %sub3A_179 = arith.subf %get3A_170, %get3A_178 : vector<16xf32>
      %add3A_180 = arith.addf %get3A_178, %sub3A_179 : vector<16xf32>
      %mul3A_181 = arith.constant 2 : i32
      %mul3A_182 = arith.muli %mul3A_181, %scan3A_84 : i32
      %add3A_183 = arith.constant 0 : i32
      %add3A_184 = arith.addi %mul3A_182, %add3A_183 : i32
      %swap3A_185 = arith.index_cast %add3A_184 : i32 to index
      %swap3A_186 = arith.constant 48 : index
      %swap3A_187 = tpu.vector_load %arg10[%swap3A_185, %swap3A_186] {strides = array<i32>} : memref<128x64xf32, #tpu.memory_space<vmem>>, vector<1x16xf32>,
      %swap3A_188 = vector.shape_cast %swap3A_187 : vector<1x16xf32> to vector<16xf32>
      %swap3A_189 = vector.shape_cast %add3A_180 : vector<16xf32> to vector<1x16xf32>
      tpu.vector_store %arg10[%swap3A_185, %swap3A_186], %swap3A_189 {strides = array<i32>} : memref<128x64xf32, #tpu.memory_space<vmem>>, vector<1x16xf32>,
      %mul3A_190 = arith.constant 2 : i32
      %mul3A_191 = arith.muli %mul3A_190, %scan3A_84 : i32
      %add3A_192 = arith.constant 1 : i32
      %add3A_193 = arith.addi %mul3A_191, %add3A_192 : i32
      %get3A_194 = arith.index_cast %add3A_193 : i32 to index
      %get3A_195 = arith.constant 0 : index
      %get3A_196 = tpu.vector_load %arg8[%get3A_194, %get3A_195] {strides = array<i32>} : memref<128x128xf32, #tpu.memory_space<vmem>>, vector<1x16xf32>,
      %get3A_197 = vector.shape_cast %get3A_196 : vector<1x16xf32> to vector<16xf32>
      %mul3A_198 = arith.constant 2 : i32
      %mul3A_199 = arith.muli %mul3A_198, %scan3A_84 : i32
      %add3A_200 = arith.constant 1 : i32
      %add3A_201 = arith.addi %mul3A_199, %add3A_200 : i32
      %get3A_202 = arith.index_cast %add3A_201 : i32 to index
      %get3A_203 = arith.constant 0 : index
      %get3A_204 = tpu.vector_load %arg10[%get3A_202, %get3A_203] {strides = array<i32>} : memref<128x64xf32, #tpu.memory_space<vmem>>, vector<1x16xf32>,
      %get3A_205 = vector.shape_cast %get3A_204 : vector<1x16xf32> to vector<16xf32>
      %sub3A_206 = arith.subf %get3A_197, %get3A_205 : vector<16xf32>
      %add3A_207 = arith.addf %get3A_205, %sub3A_206 : vector<16xf32>
      %mul3A_208 = arith.constant 2 : i32
      %mul3A_209 = arith.muli %mul3A_208, %scan3A_84 : i32
      %add3A_210 = arith.constant 1 : i32
      %add3A_211 = arith.addi %mul3A_209, %add3A_210 : i32
      %swap3A_212 = arith.index_cast %add3A_211 : i32 to index
      %swap3A_213 = arith.constant 0 : index
      %swap3A_214 = tpu.vector_load %arg10[%swap3A_212, %swap3A_213] {strides = array<i32>} : memref<128x64xf32, #tpu.memory_space<vmem>>, vector<1x16xf32>,
      %swap3A_215 = vector.shape_cast %swap3A_214 : vector<1x16xf32> to vector<16xf32>
      %swap3A_216 = vector.shape_cast %add3A_207 : vector<16xf32> to vector<1x16xf32>
      tpu.vector_store %arg10[%swap3A_212, %swap3A_213], %swap3A_216 {strides = array<i32>} : memref<128x64xf32, #tpu.memory_space<vmem>>, vector<1x16xf32>,
      %mul3A_217 = arith.constant 2 : i32
      %mul3A_218 = arith.muli %mul3A_217, %scan3A_84 : i32
      %add3A_219 = arith.constant 1 : i32
      %add3A_220 = arith.addi %mul3A_218, %add3A_219 : i32
      %get3A_221 = arith.index_cast %add3A_220 : i32 to index
      %get3A_222 = arith.constant 16 : index
      %get3A_223 = tpu.vector_load %arg8[%get3A_221, %get3A_222] {strides = array<i32>} : memref<128x128xf32, #tpu.memory_space<vmem>>, vector<1x16xf32>,
      %get3A_224 = vector.shape_cast %get3A_223 : vector<1x16xf32> to vector<16xf32>
      %mul3A_225 = arith.constant 2 : i32
      %mul3A_226 = arith.muli %mul3A_225, %scan3A_84 : i32
      %add3A_227 = arith.constant 1 : i32
      %add3A_228 = arith.addi %mul3A_226, %add3A_227 : i32
      %get3A_229 = arith.index_cast %add3A_228 : i32 to index
      %get3A_230 = arith.constant 16 : index
      %get3A_231 = tpu.vector_load %arg10[%get3A_229, %get3A_230] {strides = array<i32>} : memref<128x64xf32, #tpu.memory_space<vmem>>, vector<1x16xf32>,
      %get3A_232 = vector.shape_cast %get3A_231 : vector<1x16xf32> to vector<16xf32>
      %sub3A_233 = arith.subf %get3A_224, %get3A_232 : vector<16xf32>
      %add3A_234 = arith.addf %get3A_232, %sub3A_233 : vector<16xf32>
      %mul3A_235 = arith.constant 2 : i32
      %mul3A_236 = arith.muli %mul3A_235, %scan3A_84 : i32
      %add3A_237 = arith.constant 1 : i32
      %add3A_238 = arith.addi %mul3A_236, %add3A_237 : i32
      %swap3A_239 = arith.index_cast %add3A_238 : i32 to index
      %swap3A_240 = arith.constant 16 : index
      %swap3A_241 = tpu.vector_load %arg10[%swap3A_239, %swap3A_240] {strides = array<i32>} : memref<128x64xf32, #tpu.memory_space<vmem>>, vector<1x16xf32>,
      %swap3A_242 = vector.shape_cast %swap3A_241 : vector<1x16xf32> to vector<16xf32>
      %swap3A_243 = vector.shape_cast %add3A_234 : vector<16xf32> to vector<1x16xf32>
      tpu.vector_store %arg10[%swap3A_239, %swap3A_240], %swap3A_243 {strides = array<i32>} : memref<128x64xf32, #tpu.memory_space<vmem>>, vector<1x16xf32>,
      %mul3A_244 = arith.constant 2 : i32
      %mul3A_245 = arith.muli %mul3A_244, %scan3A_84 : i32
      %add3A_246 = arith.constant 1 : i32
      %add3A_247 = arith.addi %mul3A_245, %add3A_246 : i32
      %get3A_248 = arith.index_cast %add3A_247 : i32 to index
      %get3A_249 = arith.constant 32 : index
      %get3A_250 = tpu.vector_load %arg8[%get3A_248, %get3A_249] {strides = array<i32>} : memref<128x128xf32, #tpu.memory_space<vmem>>, vector<1x16xf32>,
      %get3A_251 = vector.shape_cast %get3A_250 : vector<1x16xf32> to vector<16xf32>
      %mul3A_252 = arith.constant 2 : i32
      %mul3A_253 = arith.muli %mul3A_252, %scan3A_84 : i32
      %add3A_254 = arith.constant 1 : i32
      %add3A_255 = arith.addi %mul3A_253, %add3A_254 : i32
      %get3A_256 = arith.index_cast %add3A_255 : i32 to index
      %get3A_257 = arith.constant 32 : index
      %get3A_258 = tpu.vector_load %arg10[%get3A_256, %get3A_257] {strides = array<i32>} : memref<128x64xf32, #tpu.memory_space<vmem>>, vector<1x16xf32>,
      %get3A_259 = vector.shape_cast %get3A_258 : vector<1x16xf32> to vector<16xf32>
      %sub3A_260 = arith.subf %get3A_251, %get3A_259 : vector<16xf32>
      %add3A_261 = arith.addf %get3A_259, %sub3A_260 : vector<16xf32>
      %mul3A_262 = arith.constant 2 : i32
      %mul3A_263 = arith.muli %mul3A_262, %scan3A_84 : i32
      %add3A_264 = arith.constant 1 : i32
      %add3A_265 = arith.addi %mul3A_263, %add3A_264 : i32
      %swap3A_266 = arith.index_cast %add3A_265 : i32 to index
      %swap3A_267 = arith.constant 32 : index
      %swap3A_268 = tpu.vector_load %arg10[%swap3A_266, %swap3A_267] {strides = array<i32>} : memref<128x64xf32, #tpu.memory_space<vmem>>, vector<1x16xf32>,
      %swap3A_269 = vector.shape_cast %swap3A_268 : vector<1x16xf32> to vector<16xf32>
      %swap3A_270 = vector.shape_cast %add3A_261 : vector<16xf32> to vector<1x16xf32>
      tpu.vector_store %arg10[%swap3A_266, %swap3A_267], %swap3A_270 {strides = array<i32>} : memref<128x64xf32, #tpu.memory_space<vmem>>, vector<1x16xf32>,
      %mul3A_271 = arith.constant 2 : i32
      %mul3A_272 = arith.muli %mul3A_271, %scan3A_84 : i32
      %add3A_273 = arith.constant 1 : i32
      %add3A_274 = arith.addi %mul3A_272, %add3A_273 : i32
      %get3A_275 = arith.index_cast %add3A_274 : i32 to index
      %get3A_276 = arith.constant 48 : index
      %get3A_277 = tpu.vector_load %arg8[%get3A_275, %get3A_276] {strides = array<i32>} : memref<128x128xf32, #tpu.memory_space<vmem>>, vector<1x16xf32>,
      %get3A_278 = vector.shape_cast %get3A_277 : vector<1x16xf32> to vector<16xf32>
      %mul3A_279 = arith.constant 2 : i32
      %mul3A_280 = arith.muli %mul3A_279, %scan3A_84 : i32
      %add3A_281 = arith.constant 1 : i32
      %add3A_282 = arith.addi %mul3A_280, %add3A_281 : i32
      %get3A_283 = arith.index_cast %add3A_282 : i32 to index
      %get3A_284 = arith.constant 48 : index
      %get3A_285 = tpu.vector_load %arg10[%get3A_283, %get3A_284] {strides = array<i32>} : memref<128x64xf32, #tpu.memory_space<vmem>>, vector<1x16xf32>,
      %get3A_286 = vector.shape_cast %get3A_285 : vector<1x16xf32> to vector<16xf32>
      %sub3A_287 = arith.subf %get3A_278, %get3A_286 : vector<16xf32>
      %add3A_288 = arith.addf %get3A_286, %sub3A_287 : vector<16xf32>
      %mul3A_289 = arith.constant 2 : i32
      %mul3A_290 = arith.muli %mul3A_289, %scan3A_84 : i32
      %add3A_291 = arith.constant 1 : i32
      %add3A_292 = arith.addi %mul3A_290, %add3A_291 : i32
      %swap3A_293 = arith.index_cast %add3A_292 : i32 to index
      %swap3A_294 = arith.constant 48 : index
      %swap3A_295 = tpu.vector_load %arg10[%swap3A_293, %swap3A_294] {strides = array<i32>} : memref<128x64xf32, #tpu.memory_space<vmem>>, vector<1x16xf32>,
      %swap3A_296 = vector.shape_cast %swap3A_295 : vector<1x16xf32> to vector<16xf32>
      %swap3A_297 = vector.shape_cast %add3A_288 : vector<16xf32> to vector<1x16xf32>
      tpu.vector_store %arg10[%swap3A_293, %swap3A_294], %swap3A_297 {strides = array<i32>} : memref<128x64xf32, #tpu.memory_space<vmem>>, vector<1x16xf32>,
    }
    %scan3A_65 = arith.constant 64 : i32
    %add3A_66 = arith.constant 128 : i32
    %add3A_67 = arith.addi %add3A_4, %add3A_66 : i32
    %dma_start3A_68 = arith.constant 0 : i32
    %dma_start3A_69 = tpu.memref_slice %arg5[%add3A_67, %dma_start3A_68] : memref<32768x64xf32, #tpu.memory_space<hbm>> -> memref<128x64xf32, #tpu.memory_space<hbm>>
    %dma_start3A_70 = arith.constant 0 : i32
    %dma_start3A_71 = tpu.memref_slice %arg5[%add3A_67, %dma_start3A_70] : memref<32768x64xf32, #tpu.memory_space<hbm>> -> memref<128x64xf32, #tpu.memory_space<hbm>>
    tpu.enqueue_dma source(%arg10 : memref<128x64xf32, #tpu.memory_space<vmem>>) target(%dma_start3A_71 : memref<128x64xf32, #tpu.memory_space<hbm>>) target_semaphore(%arg16 : memref<!tpu.dma_semaphore, #tpu.memory_space<semaphore_mem>>)
    %add3A_72 = arith.constant 0 : i32
    %add3A_73 = arith.addi %add3A_4, %add3A_72 : i32
    %dma_wait3A_74 = arith.constant 0 : i32
    %dma_wait3A_75 = tpu.memref_slice %arg5[%add3A_73, %dma_wait3A_74] : memref<32768x64xf32, #tpu.memory_space<hbm>> -> memref<128x64xf32, #tpu.memory_space<hbm>>
    %dma_wait3A_76 = arith.constant 0 : i32
    %dma_wait3A_77 = tpu.memref_slice %arg5[%add3A_73, %dma_wait3A_76] : memref<32768x64xf32, #tpu.memory_space<hbm>> -> memref<128x64xf32, #tpu.memory_space<hbm>>
    tpu.wait_dma2 semaphore(%arg15 : memref<!tpu.dma_semaphore, #tpu.memory_space<semaphore_mem>>) src(%arg9 : memref<128x64xf32, #tpu.memory_space<vmem>>) dst(%dma_wait3A_77 : memref<128x64xf32, #tpu.memory_space<hbm>>)
    %add3A_78 = arith.constant 128 : i32
    %add3A_79 = arith.addi %add3A_4, %add3A_78 : i32
    %dma_wait3A_80 = arith.constant 0 : i32
    %dma_wait3A_81 = tpu.memref_slice %arg5[%add3A_79, %dma_wait3A_80] : memref<32768x64xf32, #tpu.memory_space<hbm>> -> memref<128x64xf32, #tpu.memory_space<hbm>>
    %dma_wait3A_82 = arith.constant 0 : i32
    %dma_wait3A_83 = tpu.memref_slice %arg5[%add3A_79, %dma_wait3A_82] : memref<32768x64xf32, #tpu.memory_space<hbm>> -> memref<128x64xf32, #tpu.memory_space<hbm>>
    tpu.wait_dma2 semaphore(%arg16 : memref<!tpu.dma_semaphore, #tpu.memory_space<semaphore_mem>>) src(%arg10 : memref<128x64xf32, #tpu.memory_space<vmem>>) dst(%dma_wait3A_83 : memref<128x64xf32, #tpu.memory_space<hbm>>)
    return
  }
}

#map = affine_map<(d0, d1) -> (0, 0)>
#map1 = affine_map<(d0, d1) -> (0)>
module attributes {stable_mosaic.version = 14 : i64} {
  func.func @new_body(%arg0: i32, %arg1: i32, %arg2: memref<1024x128xf32, #tpu.memory_space<hbm>>, %arg3: memref<8192xi32, #tpu.memory_space<hbm>>, %arg4: memref<32768x64xf32, #tpu.memory_space<hbm>>, %arg5: memref<32768x64xf32, #tpu.memory_space<hbm>>, %arg6: memref<32768x64xf32, #tpu.memory_space<hbm>>, %arg7: memref<256xi32, #tpu.memory_space<vmem>>, %arg8: memref<128x128xf32, #tpu.memory_space<vmem>>, %arg9: memref<128x128xf32, #tpu.memory_space<vmem>>, %arg10: memref<128x64xf32, #tpu.memory_space<vmem>>, %arg11: memref<128x64xf32, #tpu.memory_space<vmem>>, %arg12: memref<!tpu.dma_semaphore, #tpu.memory_space<semaphore_mem>>, %arg13: memref<!tpu.dma_semaphore, #tpu.memory_space<semaphore_mem>>, %arg14: memref<!tpu.dma_semaphore, #tpu.memory_space<semaphore_mem>>, %arg15: memref<!tpu.dma_semaphore, #tpu.memory_space<semaphore_mem>>, %arg16: memref<!tpu.dma_semaphore, #tpu.memory_space<semaphore_mem>>, %arg17: memref<!tpu.dma_semaphore, #tpu.memory_space<semaphore_mem>>) attributes {dimension_semantics = [#tpu.dimension_semantics<core_parallel>, #tpu.dimension_semantics<subcore_parallel>], iteration_bounds = array<i64: 2, 16>, scalar_prefetch = 0 : i64, scratch_operands = 11 : i64, tpu.core_type = #tpu.core_type<sc_vector_subcore>, window_params = [{transform_indices = #map}, {transform_indices = #map1}, {transform_indices = #map}, {transform_indices = #map}, {transform_indices = #map}]} {
    %mul3A = arith.constant 2 : i32
    %mul3A_0 = arith.muli %arg1, %mul3A : i32
    %add3A = arith.addi %mul3A_0, %arg0 : i32
    %mul3A_1 = arith.constant 256 : i32
    %mul3A_2 = arith.muli %add3A, %mul3A_1 : i32
    %add3A_3 = arith.constant 24576 : i32
    %add3A_4 = arith.addi %add3A_3, %mul3A_2 : i32
    %mul3A_5 = arith.constant 256 : i32
    %mul3A_6 = arith.muli %add3A, %mul3A_5 : i32
    "tpu.region"() ({
      %run_scoped3A = tpu.sem_alloc : memref<!tpu.dma_semaphore, #tpu.memory_space<semaphore_mem>>
      %dma_start3A_84 = tpu.memref_slice %arg3[%mul3A_6] : memref<8192xi32, #tpu.memory_space<hbm>> -> memref<256xi32, #tpu.memory_space<hbm>>
      %dma_start3A_85 = tpu.memref_slice %arg3[%mul3A_6] : memref<8192xi32, #tpu.memory_space<hbm>> -> memref<256xi32, #tpu.memory_space<hbm>>
      tpu.enqueue_dma source(%dma_start3A_85 : memref<256xi32, #tpu.memory_space<hbm>>) target(%arg7 : memref<256xi32, #tpu.memory_space<vmem>>) target_semaphore(%run_scoped3A : memref<!tpu.dma_semaphore, #tpu.memory_space<semaphore_mem>>)
      %dma_wait3A_86 = tpu.memref_slice %arg3[%mul3A_6] : memref<8192xi32, #tpu.memory_space<hbm>> -> memref<256xi32, #tpu.memory_space<hbm>>
      %dma_wait3A_87 = tpu.memref_slice %arg3[%mul3A_6] : memref<8192xi32, #tpu.memory_space<hbm>> -> memref<256xi32, #tpu.memory_space<hbm>>
      tpu.wait_dma2 semaphore(%run_scoped3A : memref<!tpu.dma_semaphore, #tpu.memory_space<semaphore_mem>>) src(%dma_wait3A_87 : memref<256xi32, #tpu.memory_space<hbm>>) dst(%arg7 : memref<256xi32, #tpu.memory_space<vmem>>)
      tpu.yield
    }) : () -> ()
    %dma_start3A = arith.constant 0 : i32
    %dma_start3A_7 = tpu.memref_slice %arg7[%dma_start3A] : memref<256xi32, #tpu.memory_space<vmem>> -> memref<128xi32, #tpu.memory_space<vmem>>
    %dma_start3A_8 = arith.constant 0 : i32
    %dma_start3A_9 = arith.constant 0 : i32
    %dma_start3A_10 = tpu.memref_slice %arg2[%dma_start3A_8, %dma_start3A_9] : memref<1024x128xf32, #tpu.memory_space<hbm>> -> memref<1024x128xf32, #tpu.memory_space<hbm>>
    tpu.enqueue_indirect_dma source(%dma_start3A_10 : memref<1024x128xf32, #tpu.memory_space<hbm>>) target(%arg8 : memref<128x128xf32, #tpu.memory_space<vmem>>) offsets(%dma_start3A_7 : memref<128xi32, #tpu.memory_space<vmem>>) semaphore(%arg12 : memref<!tpu.dma_semaphore, #tpu.memory_space<semaphore_mem>>)
    %add3A_11 = arith.constant 0 : i32
    %add3A_12 = arith.addi %add3A_4, %add3A_11 : i32
    %dma_start3A_13 = arith.constant 0 : i32
    %dma_start3A_14 = tpu.memref_slice %arg4[%add3A_12, %dma_start3A_13] : memref<32768x64xf32, #tpu.memory_space<hbm>> -> memref<128x64xf32, #tpu.memory_space<hbm>>
    %dma_start3A_15 = arith.constant 0 : i32
    %dma_start3A_16 = tpu.memref_slice %arg4[%add3A_12, %dma_start3A_15] : memref<32768x64xf32, #tpu.memory_space<hbm>> -> memref<128x64xf32, #tpu.memory_space<hbm>>
    tpu.enqueue_dma source(%dma_start3A_16 : memref<128x64xf32, #tpu.memory_space<hbm>>) target(%arg10 : memref<128x64xf32, #tpu.memory_space<vmem>>) target_semaphore(%arg14 : memref<!tpu.dma_semaphore, #tpu.memory_space<semaphore_mem>>)
    %dma_start3A_17 = arith.constant 128 : i32
    %dma_start3A_18 = tpu.memref_slice %arg7[%dma_start3A_17] : memref<256xi32, #tpu.memory_space<vmem>> -> memref<128xi32, #tpu.memory_space<vmem>>
    %dma_start3A_19 = arith.constant 0 : i32
    %dma_start3A_20 = arith.constant 0 : i32
    %dma_start3A_21 = tpu.memref_slice %arg2[%dma_start3A_19, %dma_start3A_20] : memref<1024x128xf32, #tpu.memory_space<hbm>> -> memref<1024x128xf32, #tpu.memory_space<hbm>>
    tpu.enqueue_indirect_dma source(%dma_start3A_21 : memref<1024x128xf32, #tpu.memory_space<hbm>>) target(%arg9 : memref<128x128xf32, #tpu.memory_space<vmem>>) offsets(%dma_start3A_18 : memref<128xi32, #tpu.memory_space<vmem>>) semaphore(%arg13 : memref<!tpu.dma_semaphore, #tpu.memory_space<semaphore_mem>>)
    %add3A_22 = arith.constant 128 : i32
    %add3A_23 = arith.addi %add3A_4, %add3A_22 : i32
    %dma_start3A_24 = arith.constant 0 : i32
    %dma_start3A_25 = tpu.memref_slice %arg4[%add3A_23, %dma_start3A_24] : memref<32768x64xf32, #tpu.memory_space<hbm>> -> memref<128x64xf32, #tpu.memory_space<hbm>>
    %dma_start3A_26 = arith.constant 0 : i32
    %dma_start3A_27 = tpu.memref_slice %arg4[%add3A_23, %dma_start3A_26] : memref<32768x64xf32, #tpu.memory_space<hbm>> -> memref<128x64xf32, #tpu.memory_space<hbm>>
    tpu.enqueue_dma source(%dma_start3A_27 : memref<128x64xf32, #tpu.memory_space<hbm>>) target(%arg11 : memref<128x64xf32, #tpu.memory_space<vmem>>) target_semaphore(%arg15 : memref<!tpu.dma_semaphore, #tpu.memory_space<semaphore_mem>>)
    %dma_wait3A = arith.constant 0 : i32
    %dma_wait3A_28 = tpu.memref_slice %arg7[%dma_wait3A] : memref<256xi32, #tpu.memory_space<vmem>> -> memref<128xi32, #tpu.memory_space<vmem>>
    %dma_wait3A_29 = arith.constant 0 : i32
    %dma_wait3A_30 = arith.constant 0 : i32
    %dma_wait3A_31 = tpu.memref_slice %arg2[%dma_wait3A_29, %dma_wait3A_30] : memref<1024x128xf32, #tpu.memory_space<hbm>> -> memref<1024x128xf32, #tpu.memory_space<hbm>>
    tpu.wait_indirect_dma semaphore(%arg12 : memref<!tpu.dma_semaphore, #tpu.memory_space<semaphore_mem>>) src(%dma_wait3A_31 : memref<1024x128xf32, #tpu.memory_space<hbm>>) dst(%arg8 : memref<128x128xf32, #tpu.memory_space<vmem>>)
    %add3A_32 = arith.constant 0 : i32
    %add3A_33 = arith.addi %add3A_4, %add3A_32 : i32
    %dma_wait3A_34 = arith.constant 0 : i32
    %dma_wait3A_35 = tpu.memref_slice %arg4[%add3A_33, %dma_wait3A_34] : memref<32768x64xf32, #tpu.memory_space<hbm>> -> memref<128x64xf32, #tpu.memory_space<hbm>>
    %dma_wait3A_36 = arith.constant 0 : i32
    %dma_wait3A_37 = tpu.memref_slice %arg4[%add3A_33, %dma_wait3A_36] : memref<32768x64xf32, #tpu.memory_space<hbm>> -> memref<128x64xf32, #tpu.memory_space<hbm>>
    tpu.wait_dma2 semaphore(%arg14 : memref<!tpu.dma_semaphore, #tpu.memory_space<semaphore_mem>>) src(%dma_wait3A_37 : memref<128x64xf32, #tpu.memory_space<hbm>>) dst(%arg10 : memref<128x64xf32, #tpu.memory_space<vmem>>)
    %scan3A = arith.constant 0 : i32
    %scan3A_38 = arith.constant 0 : i32
    %scan3A_39 = arith.constant 64 : i32
    %scan3A_40 = arith.addi %scan3A_38, %scan3A_39 : i32
    %scan3A_41 = arith.constant 1 : i32
    scf.for %scan3A_84 = %scan3A_38 to %scan3A_40 step %scan3A_41  : i32 {
      %mul3A_85 = arith.constant 2 : i32
      %mul3A_86 = arith.muli %mul3A_85, %scan3A_84 : i32
      %add3A_87 = arith.constant 0 : i32
      %add3A_88 = arith.addi %mul3A_86, %add3A_87 : i32
      %get3A = arith.index_cast %add3A_88 : i32 to index
      %get3A_89 = arith.constant 0 : index
      %get3A_90 = tpu.vector_load %arg8[%get3A, %get3A_89] {strides = array<i32>} : memref<128x128xf32, #tpu.memory_space<vmem>>, vector<1x16xf32>,
      %get3A_91 = vector.shape_cast %get3A_90 : vector<1x16xf32> to vector<16xf32>
      %mul3A_92 = arith.constant 2 : i32
      %mul3A_93 = arith.muli %mul3A_92, %scan3A_84 : i32
      %add3A_94 = arith.constant 0 : i32
      %add3A_95 = arith.addi %mul3A_93, %add3A_94 : i32
      %get3A_96 = arith.index_cast %add3A_95 : i32 to index
      %get3A_97 = arith.constant 0 : index
      %get3A_98 = tpu.vector_load %arg10[%get3A_96, %get3A_97] {strides = array<i32>} : memref<128x64xf32, #tpu.memory_space<vmem>>, vector<1x16xf32>,
      %get3A_99 = vector.shape_cast %get3A_98 : vector<1x16xf32> to vector<16xf32>
      %sub3A = arith.subf %get3A_91, %get3A_99 : vector<16xf32>
      %add3A_100 = arith.addf %get3A_99, %sub3A : vector<16xf32>
      %mul3A_101 = arith.constant 2 : i32
      %mul3A_102 = arith.muli %mul3A_101, %scan3A_84 : i32
      %add3A_103 = arith.constant 0 : i32
      %add3A_104 = arith.addi %mul3A_102, %add3A_103 : i32
      %swap3A = arith.index_cast %add3A_104 : i32 to index
      %swap3A_105 = arith.constant 0 : index
      %swap3A_106 = tpu.vector_load %arg10[%swap3A, %swap3A_105] {strides = array<i32>} : memref<128x64xf32, #tpu.memory_space<vmem>>, vector<1x16xf32>,
      %swap3A_107 = vector.shape_cast %swap3A_106 : vector<1x16xf32> to vector<16xf32>
      %swap3A_108 = vector.shape_cast %add3A_100 : vector<16xf32> to vector<1x16xf32>
      tpu.vector_store %arg10[%swap3A, %swap3A_105], %swap3A_108 {strides = array<i32>} : memref<128x64xf32, #tpu.memory_space<vmem>>, vector<1x16xf32>,
      %mul3A_109 = arith.constant 2 : i32
      %mul3A_110 = arith.muli %mul3A_109, %scan3A_84 : i32
      %add3A_111 = arith.constant 0 : i32
      %add3A_112 = arith.addi %mul3A_110, %add3A_111 : i32
      %get3A_113 = arith.index_cast %add3A_112 : i32 to index
      %get3A_114 = arith.constant 16 : index
      %get3A_115 = tpu.vector_load %arg8[%get3A_113, %get3A_114] {strides = array<i32>} : memref<128x128xf32, #tpu.memory_space<vmem>>, vector<1x16xf32>,
      %get3A_116 = vector.shape_cast %get3A_115 : vector<1x16xf32> to vector<16xf32>
      %mul3A_117 = arith.constant 2 : i32
      %mul3A_118 = arith.muli %mul3A_117, %scan3A_84 : i32
      %add3A_119 = arith.constant 0 : i32
      %add3A_120 = arith.addi %mul3A_118, %add3A_119 : i32
      %get3A_121 = arith.index_cast %add3A_120 : i32 to index
      %get3A_122 = arith.constant 16 : index
      %get3A_123 = tpu.vector_load %arg10[%get3A_121, %get3A_122] {strides = array<i32>} : memref<128x64xf32, #tpu.memory_space<vmem>>, vector<1x16xf32>,
      %get3A_124 = vector.shape_cast %get3A_123 : vector<1x16xf32> to vector<16xf32>
      %sub3A_125 = arith.subf %get3A_116, %get3A_124 : vector<16xf32>
      %add3A_126 = arith.addf %get3A_124, %sub3A_125 : vector<16xf32>
      %mul3A_127 = arith.constant 2 : i32
      %mul3A_128 = arith.muli %mul3A_127, %scan3A_84 : i32
      %add3A_129 = arith.constant 0 : i32
      %add3A_130 = arith.addi %mul3A_128, %add3A_129 : i32
      %swap3A_131 = arith.index_cast %add3A_130 : i32 to index
      %swap3A_132 = arith.constant 16 : index
      %swap3A_133 = tpu.vector_load %arg10[%swap3A_131, %swap3A_132] {strides = array<i32>} : memref<128x64xf32, #tpu.memory_space<vmem>>, vector<1x16xf32>,
      %swap3A_134 = vector.shape_cast %swap3A_133 : vector<1x16xf32> to vector<16xf32>
      %swap3A_135 = vector.shape_cast %add3A_126 : vector<16xf32> to vector<1x16xf32>
      tpu.vector_store %arg10[%swap3A_131, %swap3A_132], %swap3A_135 {strides = array<i32>} : memref<128x64xf32, #tpu.memory_space<vmem>>, vector<1x16xf32>,
      %mul3A_136 = arith.constant 2 : i32
      %mul3A_137 = arith.muli %mul3A_136, %scan3A_84 : i32
      %add3A_138 = arith.constant 0 : i32
      %add3A_139 = arith.addi %mul3A_137, %add3A_138 : i32
      %get3A_140 = arith.index_cast %add3A_139 : i32 to index
      %get3A_141 = arith.constant 32 : index
      %get3A_142 = tpu.vector_load %arg8[%get3A_140, %get3A_141] {strides = array<i32>} : memref<128x128xf32, #tpu.memory_space<vmem>>, vector<1x16xf32>,
      %get3A_143 = vector.shape_cast %get3A_142 : vector<1x16xf32> to vector<16xf32>
      %mul3A_144 = arith.constant 2 : i32
      %mul3A_145 = arith.muli %mul3A_144, %scan3A_84 : i32
      %add3A_146 = arith.constant 0 : i32
      %add3A_147 = arith.addi %mul3A_145, %add3A_146 : i32
      %get3A_148 = arith.index_cast %add3A_147 : i32 to index
      %get3A_149 = arith.constant 32 : index
      %get3A_150 = tpu.vector_load %arg10[%get3A_148, %get3A_149] {strides = array<i32>} : memref<128x64xf32, #tpu.memory_space<vmem>>, vector<1x16xf32>,
      %get3A_151 = vector.shape_cast %get3A_150 : vector<1x16xf32> to vector<16xf32>
      %sub3A_152 = arith.subf %get3A_143, %get3A_151 : vector<16xf32>
      %add3A_153 = arith.addf %get3A_151, %sub3A_152 : vector<16xf32>
      %mul3A_154 = arith.constant 2 : i32
      %mul3A_155 = arith.muli %mul3A_154, %scan3A_84 : i32
      %add3A_156 = arith.constant 0 : i32
      %add3A_157 = arith.addi %mul3A_155, %add3A_156 : i32
      %swap3A_158 = arith.index_cast %add3A_157 : i32 to index
      %swap3A_159 = arith.constant 32 : index
      %swap3A_160 = tpu.vector_load %arg10[%swap3A_158, %swap3A_159] {strides = array<i32>} : memref<128x64xf32, #tpu.memory_space<vmem>>, vector<1x16xf32>,
      %swap3A_161 = vector.shape_cast %swap3A_160 : vector<1x16xf32> to vector<16xf32>
      %swap3A_162 = vector.shape_cast %add3A_153 : vector<16xf32> to vector<1x16xf32>
      tpu.vector_store %arg10[%swap3A_158, %swap3A_159], %swap3A_162 {strides = array<i32>} : memref<128x64xf32, #tpu.memory_space<vmem>>, vector<1x16xf32>,
      %mul3A_163 = arith.constant 2 : i32
      %mul3A_164 = arith.muli %mul3A_163, %scan3A_84 : i32
      %add3A_165 = arith.constant 0 : i32
      %add3A_166 = arith.addi %mul3A_164, %add3A_165 : i32
      %get3A_167 = arith.index_cast %add3A_166 : i32 to index
      %get3A_168 = arith.constant 48 : index
      %get3A_169 = tpu.vector_load %arg8[%get3A_167, %get3A_168] {strides = array<i32>} : memref<128x128xf32, #tpu.memory_space<vmem>>, vector<1x16xf32>,
      %get3A_170 = vector.shape_cast %get3A_169 : vector<1x16xf32> to vector<16xf32>
      %mul3A_171 = arith.constant 2 : i32
      %mul3A_172 = arith.muli %mul3A_171, %scan3A_84 : i32
      %add3A_173 = arith.constant 0 : i32
      %add3A_174 = arith.addi %mul3A_172, %add3A_173 : i32
      %get3A_175 = arith.index_cast %add3A_174 : i32 to index
      %get3A_176 = arith.constant 48 : index
      %get3A_177 = tpu.vector_load %arg10[%get3A_175, %get3A_176] {strides = array<i32>} : memref<128x64xf32, #tpu.memory_space<vmem>>, vector<1x16xf32>,
      %get3A_178 = vector.shape_cast %get3A_177 : vector<1x16xf32> to vector<16xf32>
      %sub3A_179 = arith.subf %get3A_170, %get3A_178 : vector<16xf32>
      %add3A_180 = arith.addf %get3A_178, %sub3A_179 : vector<16xf32>
      %mul3A_181 = arith.constant 2 : i32
      %mul3A_182 = arith.muli %mul3A_181, %scan3A_84 : i32
      %add3A_183 = arith.constant 0 : i32
      %add3A_184 = arith.addi %mul3A_182, %add3A_183 : i32
      %swap3A_185 = arith.index_cast %add3A_184 : i32 to index
      %swap3A_186 = arith.constant 48 : index
      %swap3A_187 = tpu.vector_load %arg10[%swap3A_185, %swap3A_186] {strides = array<i32>} : memref<128x64xf32, #tpu.memory_space<vmem>>, vector<1x16xf32>,
      %swap3A_188 = vector.shape_cast %swap3A_187 : vector<1x16xf32> to vector<16xf32>
      %swap3A_189 = vector.shape_cast %add3A_180 : vector<16xf32> to vector<1x16xf32>
      tpu.vector_store %arg10[%swap3A_185, %swap3A_186], %swap3A_189 {strides = array<i32>} : memref<128x64xf32, #tpu.memory_space<vmem>>, vector<1x16xf32>,
      %mul3A_190 = arith.constant 2 : i32
      %mul3A_191 = arith.muli %mul3A_190, %scan3A_84 : i32
      %add3A_192 = arith.constant 1 : i32
      %add3A_193 = arith.addi %mul3A_191, %add3A_192 : i32
      %get3A_194 = arith.index_cast %add3A_193 : i32 to index
      %get3A_195 = arith.constant 0 : index
      %get3A_196 = tpu.vector_load %arg8[%get3A_194, %get3A_195] {strides = array<i32>} : memref<128x128xf32, #tpu.memory_space<vmem>>, vector<1x16xf32>,
      %get3A_197 = vector.shape_cast %get3A_196 : vector<1x16xf32> to vector<16xf32>
      %mul3A_198 = arith.constant 2 : i32
      %mul3A_199 = arith.muli %mul3A_198, %scan3A_84 : i32
      %add3A_200 = arith.constant 1 : i32
      %add3A_201 = arith.addi %mul3A_199, %add3A_200 : i32
      %get3A_202 = arith.index_cast %add3A_201 : i32 to index
      %get3A_203 = arith.constant 0 : index
      %get3A_204 = tpu.vector_load %arg10[%get3A_202, %get3A_203] {strides = array<i32>} : memref<128x64xf32, #tpu.memory_space<vmem>>, vector<1x16xf32>,
      %get3A_205 = vector.shape_cast %get3A_204 : vector<1x16xf32> to vector<16xf32>
      %sub3A_206 = arith.subf %get3A_197, %get3A_205 : vector<16xf32>
      %add3A_207 = arith.addf %get3A_205, %sub3A_206 : vector<16xf32>
      %mul3A_208 = arith.constant 2 : i32
      %mul3A_209 = arith.muli %mul3A_208, %scan3A_84 : i32
      %add3A_210 = arith.constant 1 : i32
      %add3A_211 = arith.addi %mul3A_209, %add3A_210 : i32
      %swap3A_212 = arith.index_cast %add3A_211 : i32 to index
      %swap3A_213 = arith.constant 0 : index
      %swap3A_214 = tpu.vector_load %arg10[%swap3A_212, %swap3A_213] {strides = array<i32>} : memref<128x64xf32, #tpu.memory_space<vmem>>, vector<1x16xf32>,
      %swap3A_215 = vector.shape_cast %swap3A_214 : vector<1x16xf32> to vector<16xf32>
      %swap3A_216 = vector.shape_cast %add3A_207 : vector<16xf32> to vector<1x16xf32>
      tpu.vector_store %arg10[%swap3A_212, %swap3A_213], %swap3A_216 {strides = array<i32>} : memref<128x64xf32, #tpu.memory_space<vmem>>, vector<1x16xf32>,
      %mul3A_217 = arith.constant 2 : i32
      %mul3A_218 = arith.muli %mul3A_217, %scan3A_84 : i32
      %add3A_219 = arith.constant 1 : i32
      %add3A_220 = arith.addi %mul3A_218, %add3A_219 : i32
      %get3A_221 = arith.index_cast %add3A_220 : i32 to index
      %get3A_222 = arith.constant 16 : index
      %get3A_223 = tpu.vector_load %arg8[%get3A_221, %get3A_222] {strides = array<i32>} : memref<128x128xf32, #tpu.memory_space<vmem>>, vector<1x16xf32>,
      %get3A_224 = vector.shape_cast %get3A_223 : vector<1x16xf32> to vector<16xf32>
      %mul3A_225 = arith.constant 2 : i32
      %mul3A_226 = arith.muli %mul3A_225, %scan3A_84 : i32
      %add3A_227 = arith.constant 1 : i32
      %add3A_228 = arith.addi %mul3A_226, %add3A_227 : i32
      %get3A_229 = arith.index_cast %add3A_228 : i32 to index
      %get3A_230 = arith.constant 16 : index
      %get3A_231 = tpu.vector_load %arg10[%get3A_229, %get3A_230] {strides = array<i32>} : memref<128x64xf32, #tpu.memory_space<vmem>>, vector<1x16xf32>,
      %get3A_232 = vector.shape_cast %get3A_231 : vector<1x16xf32> to vector<16xf32>
      %sub3A_233 = arith.subf %get3A_224, %get3A_232 : vector<16xf32>
      %add3A_234 = arith.addf %get3A_232, %sub3A_233 : vector<16xf32>
      %mul3A_235 = arith.constant 2 : i32
      %mul3A_236 = arith.muli %mul3A_235, %scan3A_84 : i32
      %add3A_237 = arith.constant 1 : i32
      %add3A_238 = arith.addi %mul3A_236, %add3A_237 : i32
      %swap3A_239 = arith.index_cast %add3A_238 : i32 to index
      %swap3A_240 = arith.constant 16 : index
      %swap3A_241 = tpu.vector_load %arg10[%swap3A_239, %swap3A_240] {strides = array<i32>} : memref<128x64xf32, #tpu.memory_space<vmem>>, vector<1x16xf32>,
      %swap3A_242 = vector.shape_cast %swap3A_241 : vector<1x16xf32> to vector<16xf32>
      %swap3A_243 = vector.shape_cast %add3A_234 : vector<16xf32> to vector<1x16xf32>
      tpu.vector_store %arg10[%swap3A_239, %swap3A_240], %swap3A_243 {strides = array<i32>} : memref<128x64xf32, #tpu.memory_space<vmem>>, vector<1x16xf32>,
      %mul3A_244 = arith.constant 2 : i32
      %mul3A_245 = arith.muli %mul3A_244, %scan3A_84 : i32
      %add3A_246 = arith.constant 1 : i32
      %add3A_247 = arith.addi %mul3A_245, %add3A_246 : i32
      %get3A_248 = arith.index_cast %add3A_247 : i32 to index
      %get3A_249 = arith.constant 32 : index
      %get3A_250 = tpu.vector_load %arg8[%get3A_248, %get3A_249] {strides = array<i32>} : memref<128x128xf32, #tpu.memory_space<vmem>>, vector<1x16xf32>,
      %get3A_251 = vector.shape_cast %get3A_250 : vector<1x16xf32> to vector<16xf32>
      %mul3A_252 = arith.constant 2 : i32
      %mul3A_253 = arith.muli %mul3A_252, %scan3A_84 : i32
      %add3A_254 = arith.constant 1 : i32
      %add3A_255 = arith.addi %mul3A_253, %add3A_254 : i32
      %get3A_256 = arith.index_cast %add3A_255 : i32 to index
      %get3A_257 = arith.constant 32 : index
      %get3A_258 = tpu.vector_load %arg10[%get3A_256, %get3A_257] {strides = array<i32>} : memref<128x64xf32, #tpu.memory_space<vmem>>, vector<1x16xf32>,
      %get3A_259 = vector.shape_cast %get3A_258 : vector<1x16xf32> to vector<16xf32>
      %sub3A_260 = arith.subf %get3A_251, %get3A_259 : vector<16xf32>
      %add3A_261 = arith.addf %get3A_259, %sub3A_260 : vector<16xf32>
      %mul3A_262 = arith.constant 2 : i32
      %mul3A_263 = arith.muli %mul3A_262, %scan3A_84 : i32
      %add3A_264 = arith.constant 1 : i32
      %add3A_265 = arith.addi %mul3A_263, %add3A_264 : i32
      %swap3A_266 = arith.index_cast %add3A_265 : i32 to index
      %swap3A_267 = arith.constant 32 : index
      %swap3A_268 = tpu.vector_load %arg10[%swap3A_266, %swap3A_267] {strides = array<i32>} : memref<128x64xf32, #tpu.memory_space<vmem>>, vector<1x16xf32>,
      %swap3A_269 = vector.shape_cast %swap3A_268 : vector<1x16xf32> to vector<16xf32>
      %swap3A_270 = vector.shape_cast %add3A_261 : vector<16xf32> to vector<1x16xf32>
      tpu.vector_store %arg10[%swap3A_266, %swap3A_267], %swap3A_270 {strides = array<i32>} : memref<128x64xf32, #tpu.memory_space<vmem>>, vector<1x16xf32>,
      %mul3A_271 = arith.constant 2 : i32
      %mul3A_272 = arith.muli %mul3A_271, %scan3A_84 : i32
      %add3A_273 = arith.constant 1 : i32
      %add3A_274 = arith.addi %mul3A_272, %add3A_273 : i32
      %get3A_275 = arith.index_cast %add3A_274 : i32 to index
      %get3A_276 = arith.constant 48 : index
      %get3A_277 = tpu.vector_load %arg8[%get3A_275, %get3A_276] {strides = array<i32>} : memref<128x128xf32, #tpu.memory_space<vmem>>, vector<1x16xf32>,
      %get3A_278 = vector.shape_cast %get3A_277 : vector<1x16xf32> to vector<16xf32>
      %mul3A_279 = arith.constant 2 : i32
      %mul3A_280 = arith.muli %mul3A_279, %scan3A_84 : i32
      %add3A_281 = arith.constant 1 : i32
      %add3A_282 = arith.addi %mul3A_280, %add3A_281 : i32
      %get3A_283 = arith.index_cast %add3A_282 : i32 to index
      %get3A_284 = arith.constant 48 : index
      %get3A_285 = tpu.vector_load %arg10[%get3A_283, %get3A_284] {strides = array<i32>} : memref<128x64xf32, #tpu.memory_space<vmem>>, vector<1x16xf32>,
      %get3A_286 = vector.shape_cast %get3A_285 : vector<1x16xf32> to vector<16xf32>
      %sub3A_287 = arith.subf %get3A_278, %get3A_286 : vector<16xf32>
      %add3A_288 = arith.addf %get3A_286, %sub3A_287 : vector<16xf32>
      %mul3A_289 = arith.constant 2 : i32
      %mul3A_290 = arith.muli %mul3A_289, %scan3A_84 : i32
      %add3A_291 = arith.constant 1 : i32
      %add3A_292 = arith.addi %mul3A_290, %add3A_291 : i32
      %swap3A_293 = arith.index_cast %add3A_292 : i32 to index
      %swap3A_294 = arith.constant 48 : index
      %swap3A_295 = tpu.vector_load %arg10[%swap3A_293, %swap3A_294] {strides = array<i32>} : memref<128x64xf32, #tpu.memory_space<vmem>>, vector<1x16xf32>,
      %swap3A_296 = vector.shape_cast %swap3A_295 : vector<1x16xf32> to vector<16xf32>
      %swap3A_297 = vector.shape_cast %add3A_288 : vector<16xf32> to vector<1x16xf32>
      tpu.vector_store %arg10[%swap3A_293, %swap3A_294], %swap3A_297 {strides = array<i32>} : memref<128x64xf32, #tpu.memory_space<vmem>>, vector<1x16xf32>,
    }
    %scan3A_42 = arith.constant 64 : i32
    %add3A_43 = arith.constant 0 : i32
    %add3A_44 = arith.addi %add3A_4, %add3A_43 : i32
    %dma_start3A_45 = arith.constant 0 : i32
    %dma_start3A_46 = tpu.memref_slice %arg5[%add3A_44, %dma_start3A_45] : memref<32768x64xf32, #tpu.memory_space<hbm>> -> memref<128x64xf32, #tpu.memory_space<hbm>>
    %dma_start3A_47 = arith.constant 0 : i32
    %dma_start3A_48 = tpu.memref_slice %arg5[%add3A_44, %dma_start3A_47] : memref<32768x64xf32, #tpu.memory_space<hbm>> -> memref<128x64xf32, #tpu.memory_space<hbm>>
    tpu.enqueue_dma source(%arg10 : memref<128x64xf32, #tpu.memory_space<vmem>>) target(%dma_start3A_48 : memref<128x64xf32, #tpu.memory_space<hbm>>) target_semaphore(%arg16 : memref<!tpu.dma_semaphore, #tpu.memory_space<semaphore_mem>>)
    %dma_wait3A_49 = arith.constant 128 : i32
    %dma_wait3A_50 = tpu.memref_slice %arg7[%dma_wait3A_49] : memref<256xi32, #tpu.memory_space<vmem>> -> memref<128xi32, #tpu.memory_space<vmem>>
    %dma_wait3A_51 = arith.constant 0 : i32
    %dma_wait3A_52 = arith.constant 0 : i32
    %dma_wait3A_53 = tpu.memref_slice %arg2[%dma_wait3A_51, %dma_wait3A_52] : memref<1024x128xf32, #tpu.memory_space<hbm>> -> memref<1024x128xf32, #tpu.memory_space<hbm>>
    tpu.wait_indirect_dma semaphore(%arg13 : memref<!tpu.dma_semaphore, #tpu.memory_space<semaphore_mem>>) src(%dma_wait3A_53 : memref<1024x128xf32, #tpu.memory_space<hbm>>) dst(%arg9 : memref<128x128xf32, #tpu.memory_space<vmem>>)
    %add3A_54 = arith.constant 128 : i32
    %add3A_55 = arith.addi %add3A_4, %add3A_54 : i32
    %dma_wait3A_56 = arith.constant 0 : i32
    %dma_wait3A_57 = tpu.memref_slice %arg4[%add3A_55, %dma_wait3A_56] : memref<32768x64xf32, #tpu.memory_space<hbm>> -> memref<128x64xf32, #tpu.memory_space<hbm>>
    %dma_wait3A_58 = arith.constant 0 : i32
    %dma_wait3A_59 = tpu.memref_slice %arg4[%add3A_55, %dma_wait3A_58] : memref<32768x64xf32, #tpu.memory_space<hbm>> -> memref<128x64xf32, #tpu.memory_space<hbm>>
    tpu.wait_dma2 semaphore(%arg15 : memref<!tpu.dma_semaphore, #tpu.memory_space<semaphore_mem>>) src(%dma_wait3A_59 : memref<128x64xf32, #tpu.memory_space<hbm>>) dst(%arg11 : memref<128x64xf32, #tpu.memory_space<vmem>>)
    %scan3A_60 = arith.constant 0 : i32
    %scan3A_61 = arith.constant 0 : i32
    %scan3A_62 = arith.constant 64 : i32
    %scan3A_63 = arith.addi %scan3A_61, %scan3A_62 : i32
    %scan3A_64 = arith.constant 1 : i32
    scf.for %scan3A_84 = %scan3A_61 to %scan3A_63 step %scan3A_64  : i32 {
      %mul3A_85 = arith.constant 2 : i32
      %mul3A_86 = arith.muli %mul3A_85, %scan3A_84 : i32
      %add3A_87 = arith.constant 0 : i32
      %add3A_88 = arith.addi %mul3A_86, %add3A_87 : i32
      %get3A = arith.index_cast %add3A_88 : i32 to index
      %get3A_89 = arith.constant 0 : index
      %get3A_90 = tpu.vector_load %arg9[%get3A, %get3A_89] {strides = array<i32>} : memref<128x128xf32, #tpu.memory_space<vmem>>, vector<1x16xf32>,
      %get3A_91 = vector.shape_cast %get3A_90 : vector<1x16xf32> to vector<16xf32>
      %mul3A_92 = arith.constant 2 : i32
      %mul3A_93 = arith.muli %mul3A_92, %scan3A_84 : i32
      %add3A_94 = arith.constant 0 : i32
      %add3A_95 = arith.addi %mul3A_93, %add3A_94 : i32
      %get3A_96 = arith.index_cast %add3A_95 : i32 to index
      %get3A_97 = arith.constant 0 : index
      %get3A_98 = tpu.vector_load %arg11[%get3A_96, %get3A_97] {strides = array<i32>} : memref<128x64xf32, #tpu.memory_space<vmem>>, vector<1x16xf32>,
      %get3A_99 = vector.shape_cast %get3A_98 : vector<1x16xf32> to vector<16xf32>
      %sub3A = arith.subf %get3A_91, %get3A_99 : vector<16xf32>
      %add3A_100 = arith.addf %get3A_99, %sub3A : vector<16xf32>
      %mul3A_101 = arith.constant 2 : i32
      %mul3A_102 = arith.muli %mul3A_101, %scan3A_84 : i32
      %add3A_103 = arith.constant 0 : i32
      %add3A_104 = arith.addi %mul3A_102, %add3A_103 : i32
      %swap3A = arith.index_cast %add3A_104 : i32 to index
      %swap3A_105 = arith.constant 0 : index
      %swap3A_106 = tpu.vector_load %arg11[%swap3A, %swap3A_105] {strides = array<i32>} : memref<128x64xf32, #tpu.memory_space<vmem>>, vector<1x16xf32>,
      %swap3A_107 = vector.shape_cast %swap3A_106 : vector<1x16xf32> to vector<16xf32>
      %swap3A_108 = vector.shape_cast %add3A_100 : vector<16xf32> to vector<1x16xf32>
      tpu.vector_store %arg11[%swap3A, %swap3A_105], %swap3A_108 {strides = array<i32>} : memref<128x64xf32, #tpu.memory_space<vmem>>, vector<1x16xf32>,
      %mul3A_109 = arith.constant 2 : i32
      %mul3A_110 = arith.muli %mul3A_109, %scan3A_84 : i32
      %add3A_111 = arith.constant 0 : i32
      %add3A_112 = arith.addi %mul3A_110, %add3A_111 : i32
      %get3A_113 = arith.index_cast %add3A_112 : i32 to index
      %get3A_114 = arith.constant 16 : index
      %get3A_115 = tpu.vector_load %arg9[%get3A_113, %get3A_114] {strides = array<i32>} : memref<128x128xf32, #tpu.memory_space<vmem>>, vector<1x16xf32>,
      %get3A_116 = vector.shape_cast %get3A_115 : vector<1x16xf32> to vector<16xf32>
      %mul3A_117 = arith.constant 2 : i32
      %mul3A_118 = arith.muli %mul3A_117, %scan3A_84 : i32
      %add3A_119 = arith.constant 0 : i32
      %add3A_120 = arith.addi %mul3A_118, %add3A_119 : i32
      %get3A_121 = arith.index_cast %add3A_120 : i32 to index
      %get3A_122 = arith.constant 16 : index
      %get3A_123 = tpu.vector_load %arg11[%get3A_121, %get3A_122] {strides = array<i32>} : memref<128x64xf32, #tpu.memory_space<vmem>>, vector<1x16xf32>,
      %get3A_124 = vector.shape_cast %get3A_123 : vector<1x16xf32> to vector<16xf32>
      %sub3A_125 = arith.subf %get3A_116, %get3A_124 : vector<16xf32>
      %add3A_126 = arith.addf %get3A_124, %sub3A_125 : vector<16xf32>
      %mul3A_127 = arith.constant 2 : i32
      %mul3A_128 = arith.muli %mul3A_127, %scan3A_84 : i32
      %add3A_129 = arith.constant 0 : i32
      %add3A_130 = arith.addi %mul3A_128, %add3A_129 : i32
      %swap3A_131 = arith.index_cast %add3A_130 : i32 to index
      %swap3A_132 = arith.constant 16 : index
      %swap3A_133 = tpu.vector_load %arg11[%swap3A_131, %swap3A_132] {strides = array<i32>} : memref<128x64xf32, #tpu.memory_space<vmem>>, vector<1x16xf32>,
      %swap3A_134 = vector.shape_cast %swap3A_133 : vector<1x16xf32> to vector<16xf32>
      %swap3A_135 = vector.shape_cast %add3A_126 : vector<16xf32> to vector<1x16xf32>
      tpu.vector_store %arg11[%swap3A_131, %swap3A_132], %swap3A_135 {strides = array<i32>} : memref<128x64xf32, #tpu.memory_space<vmem>>, vector<1x16xf32>,
      %mul3A_136 = arith.constant 2 : i32
      %mul3A_137 = arith.muli %mul3A_136, %scan3A_84 : i32
      %add3A_138 = arith.constant 0 : i32
      %add3A_139 = arith.addi %mul3A_137, %add3A_138 : i32
      %get3A_140 = arith.index_cast %add3A_139 : i32 to index
      %get3A_141 = arith.constant 32 : index
      %get3A_142 = tpu.vector_load %arg9[%get3A_140, %get3A_141] {strides = array<i32>} : memref<128x128xf32, #tpu.memory_space<vmem>>, vector<1x16xf32>,
      %get3A_143 = vector.shape_cast %get3A_142 : vector<1x16xf32> to vector<16xf32>
      %mul3A_144 = arith.constant 2 : i32
      %mul3A_145 = arith.muli %mul3A_144, %scan3A_84 : i32
      %add3A_146 = arith.constant 0 : i32
      %add3A_147 = arith.addi %mul3A_145, %add3A_146 : i32
      %get3A_148 = arith.index_cast %add3A_147 : i32 to index
      %get3A_149 = arith.constant 32 : index
      %get3A_150 = tpu.vector_load %arg11[%get3A_148, %get3A_149] {strides = array<i32>} : memref<128x64xf32, #tpu.memory_space<vmem>>, vector<1x16xf32>,
      %get3A_151 = vector.shape_cast %get3A_150 : vector<1x16xf32> to vector<16xf32>
      %sub3A_152 = arith.subf %get3A_143, %get3A_151 : vector<16xf32>
      %add3A_153 = arith.addf %get3A_151, %sub3A_152 : vector<16xf32>
      %mul3A_154 = arith.constant 2 : i32
      %mul3A_155 = arith.muli %mul3A_154, %scan3A_84 : i32
      %add3A_156 = arith.constant 0 : i32
      %add3A_157 = arith.addi %mul3A_155, %add3A_156 : i32
      %swap3A_158 = arith.index_cast %add3A_157 : i32 to index
      %swap3A_159 = arith.constant 32 : index
      %swap3A_160 = tpu.vector_load %arg11[%swap3A_158, %swap3A_159] {strides = array<i32>} : memref<128x64xf32, #tpu.memory_space<vmem>>, vector<1x16xf32>,
      %swap3A_161 = vector.shape_cast %swap3A_160 : vector<1x16xf32> to vector<16xf32>
      %swap3A_162 = vector.shape_cast %add3A_153 : vector<16xf32> to vector<1x16xf32>
      tpu.vector_store %arg11[%swap3A_158, %swap3A_159], %swap3A_162 {strides = array<i32>} : memref<128x64xf32, #tpu.memory_space<vmem>>, vector<1x16xf32>,
      %mul3A_163 = arith.constant 2 : i32
      %mul3A_164 = arith.muli %mul3A_163, %scan3A_84 : i32
      %add3A_165 = arith.constant 0 : i32
      %add3A_166 = arith.addi %mul3A_164, %add3A_165 : i32
      %get3A_167 = arith.index_cast %add3A_166 : i32 to index
      %get3A_168 = arith.constant 48 : index
      %get3A_169 = tpu.vector_load %arg9[%get3A_167, %get3A_168] {strides = array<i32>} : memref<128x128xf32, #tpu.memory_space<vmem>>, vector<1x16xf32>,
      %get3A_170 = vector.shape_cast %get3A_169 : vector<1x16xf32> to vector<16xf32>
      %mul3A_171 = arith.constant 2 : i32
      %mul3A_172 = arith.muli %mul3A_171, %scan3A_84 : i32
      %add3A_173 = arith.constant 0 : i32
      %add3A_174 = arith.addi %mul3A_172, %add3A_173 : i32
      %get3A_175 = arith.index_cast %add3A_174 : i32 to index
      %get3A_176 = arith.constant 48 : index
      %get3A_177 = tpu.vector_load %arg11[%get3A_175, %get3A_176] {strides = array<i32>} : memref<128x64xf32, #tpu.memory_space<vmem>>, vector<1x16xf32>,
      %get3A_178 = vector.shape_cast %get3A_177 : vector<1x16xf32> to vector<16xf32>
      %sub3A_179 = arith.subf %get3A_170, %get3A_178 : vector<16xf32>
      %add3A_180 = arith.addf %get3A_178, %sub3A_179 : vector<16xf32>
      %mul3A_181 = arith.constant 2 : i32
      %mul3A_182 = arith.muli %mul3A_181, %scan3A_84 : i32
      %add3A_183 = arith.constant 0 : i32
      %add3A_184 = arith.addi %mul3A_182, %add3A_183 : i32
      %swap3A_185 = arith.index_cast %add3A_184 : i32 to index
      %swap3A_186 = arith.constant 48 : index
      %swap3A_187 = tpu.vector_load %arg11[%swap3A_185, %swap3A_186] {strides = array<i32>} : memref<128x64xf32, #tpu.memory_space<vmem>>, vector<1x16xf32>,
      %swap3A_188 = vector.shape_cast %swap3A_187 : vector<1x16xf32> to vector<16xf32>
      %swap3A_189 = vector.shape_cast %add3A_180 : vector<16xf32> to vector<1x16xf32>
      tpu.vector_store %arg11[%swap3A_185, %swap3A_186], %swap3A_189 {strides = array<i32>} : memref<128x64xf32, #tpu.memory_space<vmem>>, vector<1x16xf32>,
      %mul3A_190 = arith.constant 2 : i32
      %mul3A_191 = arith.muli %mul3A_190, %scan3A_84 : i32
      %add3A_192 = arith.constant 1 : i32
      %add3A_193 = arith.addi %mul3A_191, %add3A_192 : i32
      %get3A_194 = arith.index_cast %add3A_193 : i32 to index
      %get3A_195 = arith.constant 0 : index
      %get3A_196 = tpu.vector_load %arg9[%get3A_194, %get3A_195] {strides = array<i32>} : memref<128x128xf32, #tpu.memory_space<vmem>>, vector<1x16xf32>,
      %get3A_197 = vector.shape_cast %get3A_196 : vector<1x16xf32> to vector<16xf32>
      %mul3A_198 = arith.constant 2 : i32
      %mul3A_199 = arith.muli %mul3A_198, %scan3A_84 : i32
      %add3A_200 = arith.constant 1 : i32
      %add3A_201 = arith.addi %mul3A_199, %add3A_200 : i32
      %get3A_202 = arith.index_cast %add3A_201 : i32 to index
      %get3A_203 = arith.constant 0 : index
      %get3A_204 = tpu.vector_load %arg11[%get3A_202, %get3A_203] {strides = array<i32>} : memref<128x64xf32, #tpu.memory_space<vmem>>, vector<1x16xf32>,
      %get3A_205 = vector.shape_cast %get3A_204 : vector<1x16xf32> to vector<16xf32>
      %sub3A_206 = arith.subf %get3A_197, %get3A_205 : vector<16xf32>
      %add3A_207 = arith.addf %get3A_205, %sub3A_206 : vector<16xf32>
      %mul3A_208 = arith.constant 2 : i32
      %mul3A_209 = arith.muli %mul3A_208, %scan3A_84 : i32
      %add3A_210 = arith.constant 1 : i32
      %add3A_211 = arith.addi %mul3A_209, %add3A_210 : i32
      %swap3A_212 = arith.index_cast %add3A_211 : i32 to index
      %swap3A_213 = arith.constant 0 : index
      %swap3A_214 = tpu.vector_load %arg11[%swap3A_212, %swap3A_213] {strides = array<i32>} : memref<128x64xf32, #tpu.memory_space<vmem>>, vector<1x16xf32>,
      %swap3A_215 = vector.shape_cast %swap3A_214 : vector<1x16xf32> to vector<16xf32>
      %swap3A_216 = vector.shape_cast %add3A_207 : vector<16xf32> to vector<1x16xf32>
      tpu.vector_store %arg11[%swap3A_212, %swap3A_213], %swap3A_216 {strides = array<i32>} : memref<128x64xf32, #tpu.memory_space<vmem>>, vector<1x16xf32>,
      %mul3A_217 = arith.constant 2 : i32
      %mul3A_218 = arith.muli %mul3A_217, %scan3A_84 : i32
      %add3A_219 = arith.constant 1 : i32
      %add3A_220 = arith.addi %mul3A_218, %add3A_219 : i32
      %get3A_221 = arith.index_cast %add3A_220 : i32 to index
      %get3A_222 = arith.constant 16 : index
      %get3A_223 = tpu.vector_load %arg9[%get3A_221, %get3A_222] {strides = array<i32>} : memref<128x128xf32, #tpu.memory_space<vmem>>, vector<1x16xf32>,
      %get3A_224 = vector.shape_cast %get3A_223 : vector<1x16xf32> to vector<16xf32>
      %mul3A_225 = arith.constant 2 : i32
      %mul3A_226 = arith.muli %mul3A_225, %scan3A_84 : i32
      %add3A_227 = arith.constant 1 : i32
      %add3A_228 = arith.addi %mul3A_226, %add3A_227 : i32
      %get3A_229 = arith.index_cast %add3A_228 : i32 to index
      %get3A_230 = arith.constant 16 : index
      %get3A_231 = tpu.vector_load %arg11[%get3A_229, %get3A_230] {strides = array<i32>} : memref<128x64xf32, #tpu.memory_space<vmem>>, vector<1x16xf32>,
      %get3A_232 = vector.shape_cast %get3A_231 : vector<1x16xf32> to vector<16xf32>
      %sub3A_233 = arith.subf %get3A_224, %get3A_232 : vector<16xf32>
      %add3A_234 = arith.addf %get3A_232, %sub3A_233 : vector<16xf32>
      %mul3A_235 = arith.constant 2 : i32
      %mul3A_236 = arith.muli %mul3A_235, %scan3A_84 : i32
      %add3A_237 = arith.constant 1 : i32
      %add3A_238 = arith.addi %mul3A_236, %add3A_237 : i32
      %swap3A_239 = arith.index_cast %add3A_238 : i32 to index
      %swap3A_240 = arith.constant 16 : index
      %swap3A_241 = tpu.vector_load %arg11[%swap3A_239, %swap3A_240] {strides = array<i32>} : memref<128x64xf32, #tpu.memory_space<vmem>>, vector<1x16xf32>,
      %swap3A_242 = vector.shape_cast %swap3A_241 : vector<1x16xf32> to vector<16xf32>
      %swap3A_243 = vector.shape_cast %add3A_234 : vector<16xf32> to vector<1x16xf32>
      tpu.vector_store %arg11[%swap3A_239, %swap3A_240], %swap3A_243 {strides = array<i32>} : memref<128x64xf32, #tpu.memory_space<vmem>>, vector<1x16xf32>,
      %mul3A_244 = arith.constant 2 : i32
      %mul3A_245 = arith.muli %mul3A_244, %scan3A_84 : i32
      %add3A_246 = arith.constant 1 : i32
      %add3A_247 = arith.addi %mul3A_245, %add3A_246 : i32
      %get3A_248 = arith.index_cast %add3A_247 : i32 to index
      %get3A_249 = arith.constant 32 : index
      %get3A_250 = tpu.vector_load %arg9[%get3A_248, %get3A_249] {strides = array<i32>} : memref<128x128xf32, #tpu.memory_space<vmem>>, vector<1x16xf32>,
      %get3A_251 = vector.shape_cast %get3A_250 : vector<1x16xf32> to vector<16xf32>
      %mul3A_252 = arith.constant 2 : i32
      %mul3A_253 = arith.muli %mul3A_252, %scan3A_84 : i32
      %add3A_254 = arith.constant 1 : i32
      %add3A_255 = arith.addi %mul3A_253, %add3A_254 : i32
      %get3A_256 = arith.index_cast %add3A_255 : i32 to index
      %get3A_257 = arith.constant 32 : index
      %get3A_258 = tpu.vector_load %arg11[%get3A_256, %get3A_257] {strides = array<i32>} : memref<128x64xf32, #tpu.memory_space<vmem>>, vector<1x16xf32>,
      %get3A_259 = vector.shape_cast %get3A_258 : vector<1x16xf32> to vector<16xf32>
      %sub3A_260 = arith.subf %get3A_251, %get3A_259 : vector<16xf32>
      %add3A_261 = arith.addf %get3A_259, %sub3A_260 : vector<16xf32>
      %mul3A_262 = arith.constant 2 : i32
      %mul3A_263 = arith.muli %mul3A_262, %scan3A_84 : i32
      %add3A_264 = arith.constant 1 : i32
      %add3A_265 = arith.addi %mul3A_263, %add3A_264 : i32
      %swap3A_266 = arith.index_cast %add3A_265 : i32 to index
      %swap3A_267 = arith.constant 32 : index
      %swap3A_268 = tpu.vector_load %arg11[%swap3A_266, %swap3A_267] {strides = array<i32>} : memref<128x64xf32, #tpu.memory_space<vmem>>, vector<1x16xf32>,
      %swap3A_269 = vector.shape_cast %swap3A_268 : vector<1x16xf32> to vector<16xf32>
      %swap3A_270 = vector.shape_cast %add3A_261 : vector<16xf32> to vector<1x16xf32>
      tpu.vector_store %arg11[%swap3A_266, %swap3A_267], %swap3A_270 {strides = array<i32>} : memref<128x64xf32, #tpu.memory_space<vmem>>, vector<1x16xf32>,
      %mul3A_271 = arith.constant 2 : i32
      %mul3A_272 = arith.muli %mul3A_271, %scan3A_84 : i32
      %add3A_273 = arith.constant 1 : i32
      %add3A_274 = arith.addi %mul3A_272, %add3A_273 : i32
      %get3A_275 = arith.index_cast %add3A_274 : i32 to index
      %get3A_276 = arith.constant 48 : index
      %get3A_277 = tpu.vector_load %arg9[%get3A_275, %get3A_276] {strides = array<i32>} : memref<128x128xf32, #tpu.memory_space<vmem>>, vector<1x16xf32>,
      %get3A_278 = vector.shape_cast %get3A_277 : vector<1x16xf32> to vector<16xf32>
      %mul3A_279 = arith.constant 2 : i32
      %mul3A_280 = arith.muli %mul3A_279, %scan3A_84 : i32
      %add3A_281 = arith.constant 1 : i32
      %add3A_282 = arith.addi %mul3A_280, %add3A_281 : i32
      %get3A_283 = arith.index_cast %add3A_282 : i32 to index
      %get3A_284 = arith.constant 48 : index
      %get3A_285 = tpu.vector_load %arg11[%get3A_283, %get3A_284] {strides = array<i32>} : memref<128x64xf32, #tpu.memory_space<vmem>>, vector<1x16xf32>,
      %get3A_286 = vector.shape_cast %get3A_285 : vector<1x16xf32> to vector<16xf32>
      %sub3A_287 = arith.subf %get3A_278, %get3A_286 : vector<16xf32>
      %add3A_288 = arith.addf %get3A_286, %sub3A_287 : vector<16xf32>
      %mul3A_289 = arith.constant 2 : i32
      %mul3A_290 = arith.muli %mul3A_289, %scan3A_84 : i32
      %add3A_291 = arith.constant 1 : i32
      %add3A_292 = arith.addi %mul3A_290, %add3A_291 : i32
      %swap3A_293 = arith.index_cast %add3A_292 : i32 to index
      %swap3A_294 = arith.constant 48 : index
      %swap3A_295 = tpu.vector_load %arg11[%swap3A_293, %swap3A_294] {strides = array<i32>} : memref<128x64xf32, #tpu.memory_space<vmem>>, vector<1x16xf32>,
      %swap3A_296 = vector.shape_cast %swap3A_295 : vector<1x16xf32> to vector<16xf32>
      %swap3A_297 = vector.shape_cast %add3A_288 : vector<16xf32> to vector<1x16xf32>
      tpu.vector_store %arg11[%swap3A_293, %swap3A_294], %swap3A_297 {strides = array<i32>} : memref<128x64xf32, #tpu.memory_space<vmem>>, vector<1x16xf32>,
    }
    %scan3A_65 = arith.constant 64 : i32
    %add3A_66 = arith.constant 128 : i32
    %add3A_67 = arith.addi %add3A_4, %add3A_66 : i32
    %dma_start3A_68 = arith.constant 0 : i32
    %dma_start3A_69 = tpu.memref_slice %arg5[%add3A_67, %dma_start3A_68] : memref<32768x64xf32, #tpu.memory_space<hbm>> -> memref<128x64xf32, #tpu.memory_space<hbm>>
    %dma_start3A_70 = arith.constant 0 : i32
    %dma_start3A_71 = tpu.memref_slice %arg5[%add3A_67, %dma_start3A_70] : memref<32768x64xf32, #tpu.memory_space<hbm>> -> memref<128x64xf32, #tpu.memory_space<hbm>>
    tpu.enqueue_dma source(%arg11 : memref<128x64xf32, #tpu.memory_space<vmem>>) target(%dma_start3A_71 : memref<128x64xf32, #tpu.memory_space<hbm>>) target_semaphore(%arg17 : memref<!tpu.dma_semaphore, #tpu.memory_space<semaphore_mem>>)
    %add3A_72 = arith.constant 0 : i32
    %add3A_73 = arith.addi %add3A_4, %add3A_72 : i32
    %dma_wait3A_74 = arith.constant 0 : i32
    %dma_wait3A_75 = tpu.memref_slice %arg5[%add3A_73, %dma_wait3A_74] : memref<32768x64xf32, #tpu.memory_space<hbm>> -> memref<128x64xf32, #tpu.memory_space<hbm>>
    %dma_wait3A_76 = arith.constant 0 : i32
    %dma_wait3A_77 = tpu.memref_slice %arg5[%add3A_73, %dma_wait3A_76] : memref<32768x64xf32, #tpu.memory_space<hbm>> -> memref<128x64xf32, #tpu.memory_space<hbm>>
    tpu.wait_dma2 semaphore(%arg16 : memref<!tpu.dma_semaphore, #tpu.memory_space<semaphore_mem>>) src(%arg10 : memref<128x64xf32, #tpu.memory_space<vmem>>) dst(%dma_wait3A_77 : memref<128x64xf32, #tpu.memory_space<hbm>>)
    %add3A_78 = arith.constant 128 : i32
    %add3A_79 = arith.addi %add3A_4, %add3A_78 : i32
    %dma_wait3A_80 = arith.constant 0 : i32
    %dma_wait3A_81 = tpu.memref_slice %arg5[%add3A_79, %dma_wait3A_80] : memref<32768x64xf32, #tpu.memory_space<hbm>> -> memref<128x64xf32, #tpu.memory_space<hbm>>
    %dma_wait3A_82 = arith.constant 0 : i32
    %dma_wait3A_83 = tpu.memref_slice %arg5[%add3A_79, %dma_wait3A_82] : memref<32768x64xf32, #tpu.memory_space<hbm>> -> memref<128x64xf32, #tpu.memory_space<hbm>>
    tpu.wait_dma2 semaphore(%arg17 : memref<!tpu.dma_semaphore, #tpu.memory_space<semaphore_mem>>) src(%arg11 : memref<128x64xf32, #tpu.memory_space<vmem>>) dst(%dma_wait3A_83 : memref<128x64xf32, #tpu.memory_space<hbm>>)
    return
  }
}

#map = affine_map<(d0, d1) -> (0, 0)>
#map1 = affine_map<(d0, d1) -> (0)>
module attributes {stable_mosaic.version = 14 : i64} {
  func.func @new_body(%arg0: i32, %arg1: i32, %arg2: memref<1024x128xf32, #tpu.memory_space<hbm>>, %arg3: memref<8192xi32, #tpu.memory_space<hbm>>, %arg4: memref<32768x64xf32, #tpu.memory_space<hbm>>, %arg5: memref<32768x64xf32, #tpu.memory_space<hbm>>, %arg6: memref<32768x64xf32, #tpu.memory_space<hbm>>, %arg7: memref<256xi32, #tpu.memory_space<vmem>>, %arg8: memref<128x128xf32, #tpu.memory_space<vmem>>, %arg9: memref<128x128xf32, #tpu.memory_space<vmem>>, %arg10: memref<128x64xf32, #tpu.memory_space<vmem>>, %arg11: memref<128x64xf32, #tpu.memory_space<vmem>>, %arg12: memref<!tpu.dma_semaphore, #tpu.memory_space<semaphore_mem>>, %arg13: memref<!tpu.dma_semaphore, #tpu.memory_space<semaphore_mem>>, %arg14: memref<!tpu.dma_semaphore, #tpu.memory_space<semaphore_mem>>, %arg15: memref<!tpu.dma_semaphore, #tpu.memory_space<semaphore_mem>>, %arg16: memref<!tpu.dma_semaphore, #tpu.memory_space<semaphore_mem>>, %arg17: memref<!tpu.dma_semaphore, #tpu.memory_space<semaphore_mem>>) attributes {dimension_semantics = [#tpu.dimension_semantics<core_parallel>, #tpu.dimension_semantics<subcore_parallel>], iteration_bounds = array<i64: 2, 16>, scalar_prefetch = 0 : i64, scratch_operands = 11 : i64, tpu.core_type = #tpu.core_type<sc_vector_subcore>, window_params = [{transform_indices = #map}, {transform_indices = #map1}, {transform_indices = #map}, {transform_indices = #map}, {transform_indices = #map}]} {
    %mul3A = arith.constant 2 : i32
    %mul3A_0 = arith.muli %arg1, %mul3A : i32
    %add3A = arith.addi %mul3A_0, %arg0 : i32
    %mul3A_1 = arith.constant 256 : i32
    %mul3A_2 = arith.muli %add3A, %mul3A_1 : i32
    %add3A_3 = arith.constant 8192 : i32
    %add3A_4 = arith.addi %add3A_3, %mul3A_2 : i32
    %mul3A_5 = arith.constant 256 : i32
    %mul3A_6 = arith.muli %add3A, %mul3A_5 : i32
    "tpu.region"() ({
      %run_scoped3A = tpu.sem_alloc : memref<!tpu.dma_semaphore, #tpu.memory_space<semaphore_mem>>
      %dma_start3A_84 = tpu.memref_slice %arg3[%mul3A_6] : memref<8192xi32, #tpu.memory_space<hbm>> -> memref<256xi32, #tpu.memory_space<hbm>>
      %dma_start3A_85 = tpu.memref_slice %arg3[%mul3A_6] : memref<8192xi32, #tpu.memory_space<hbm>> -> memref<256xi32, #tpu.memory_space<hbm>>
      tpu.enqueue_dma source(%dma_start3A_85 : memref<256xi32, #tpu.memory_space<hbm>>) target(%arg7 : memref<256xi32, #tpu.memory_space<vmem>>) target_semaphore(%run_scoped3A : memref<!tpu.dma_semaphore, #tpu.memory_space<semaphore_mem>>)
      %dma_wait3A_86 = tpu.memref_slice %arg3[%mul3A_6] : memref<8192xi32, #tpu.memory_space<hbm>> -> memref<256xi32, #tpu.memory_space<hbm>>
      %dma_wait3A_87 = tpu.memref_slice %arg3[%mul3A_6] : memref<8192xi32, #tpu.memory_space<hbm>> -> memref<256xi32, #tpu.memory_space<hbm>>
      tpu.wait_dma2 semaphore(%run_scoped3A : memref<!tpu.dma_semaphore, #tpu.memory_space<semaphore_mem>>) src(%dma_wait3A_87 : memref<256xi32, #tpu.memory_space<hbm>>) dst(%arg7 : memref<256xi32, #tpu.memory_space<vmem>>)
      tpu.yield
    }) : () -> ()
    %dma_start3A = arith.constant 0 : i32
    %dma_start3A_7 = tpu.memref_slice %arg7[%dma_start3A] : memref<256xi32, #tpu.memory_space<vmem>> -> memref<128xi32, #tpu.memory_space<vmem>>
    %dma_start3A_8 = arith.constant 0 : i32
    %dma_start3A_9 = arith.constant 0 : i32
    %dma_start3A_10 = tpu.memref_slice %arg2[%dma_start3A_8, %dma_start3A_9] : memref<1024x128xf32, #tpu.memory_space<hbm>> -> memref<1024x128xf32, #tpu.memory_space<hbm>>
    tpu.enqueue_indirect_dma source(%dma_start3A_10 : memref<1024x128xf32, #tpu.memory_space<hbm>>) target(%arg8 : memref<128x128xf32, #tpu.memory_space<vmem>>) offsets(%dma_start3A_7 : memref<128xi32, #tpu.memory_space<vmem>>) semaphore(%arg12 : memref<!tpu.dma_semaphore, #tpu.memory_space<semaphore_mem>>)
    %add3A_11 = arith.constant 0 : i32
    %add3A_12 = arith.addi %add3A_4, %add3A_11 : i32
    %dma_start3A_13 = arith.constant 0 : i32
    %dma_start3A_14 = tpu.memref_slice %arg4[%add3A_12, %dma_start3A_13] : memref<32768x64xf32, #tpu.memory_space<hbm>> -> memref<128x64xf32, #tpu.memory_space<hbm>>
    %dma_start3A_15 = arith.constant 0 : i32
    %dma_start3A_16 = tpu.memref_slice %arg4[%add3A_12, %dma_start3A_15] : memref<32768x64xf32, #tpu.memory_space<hbm>> -> memref<128x64xf32, #tpu.memory_space<hbm>>
    tpu.enqueue_dma source(%dma_start3A_16 : memref<128x64xf32, #tpu.memory_space<hbm>>) target(%arg10 : memref<128x64xf32, #tpu.memory_space<vmem>>) target_semaphore(%arg14 : memref<!tpu.dma_semaphore, #tpu.memory_space<semaphore_mem>>)
    %dma_start3A_17 = arith.constant 128 : i32
    %dma_start3A_18 = tpu.memref_slice %arg7[%dma_start3A_17] : memref<256xi32, #tpu.memory_space<vmem>> -> memref<128xi32, #tpu.memory_space<vmem>>
    %dma_start3A_19 = arith.constant 0 : i32
    %dma_start3A_20 = arith.constant 0 : i32
    %dma_start3A_21 = tpu.memref_slice %arg2[%dma_start3A_19, %dma_start3A_20] : memref<1024x128xf32, #tpu.memory_space<hbm>> -> memref<1024x128xf32, #tpu.memory_space<hbm>>
    tpu.enqueue_indirect_dma source(%dma_start3A_21 : memref<1024x128xf32, #tpu.memory_space<hbm>>) target(%arg9 : memref<128x128xf32, #tpu.memory_space<vmem>>) offsets(%dma_start3A_18 : memref<128xi32, #tpu.memory_space<vmem>>) semaphore(%arg13 : memref<!tpu.dma_semaphore, #tpu.memory_space<semaphore_mem>>)
    %add3A_22 = arith.constant 128 : i32
    %add3A_23 = arith.addi %add3A_4, %add3A_22 : i32
    %dma_start3A_24 = arith.constant 0 : i32
    %dma_start3A_25 = tpu.memref_slice %arg4[%add3A_23, %dma_start3A_24] : memref<32768x64xf32, #tpu.memory_space<hbm>> -> memref<128x64xf32, #tpu.memory_space<hbm>>
    %dma_start3A_26 = arith.constant 0 : i32
    %dma_start3A_27 = tpu.memref_slice %arg4[%add3A_23, %dma_start3A_26] : memref<32768x64xf32, #tpu.memory_space<hbm>> -> memref<128x64xf32, #tpu.memory_space<hbm>>
    tpu.enqueue_dma source(%dma_start3A_27 : memref<128x64xf32, #tpu.memory_space<hbm>>) target(%arg11 : memref<128x64xf32, #tpu.memory_space<vmem>>) target_semaphore(%arg15 : memref<!tpu.dma_semaphore, #tpu.memory_space<semaphore_mem>>)
    %dma_wait3A = arith.constant 0 : i32
    %dma_wait3A_28 = tpu.memref_slice %arg7[%dma_wait3A] : memref<256xi32, #tpu.memory_space<vmem>> -> memref<128xi32, #tpu.memory_space<vmem>>
    %dma_wait3A_29 = arith.constant 0 : i32
    %dma_wait3A_30 = arith.constant 0 : i32
    %dma_wait3A_31 = tpu.memref_slice %arg2[%dma_wait3A_29, %dma_wait3A_30] : memref<1024x128xf32, #tpu.memory_space<hbm>> -> memref<1024x128xf32, #tpu.memory_space<hbm>>
    tpu.wait_indirect_dma semaphore(%arg12 : memref<!tpu.dma_semaphore, #tpu.memory_space<semaphore_mem>>) src(%dma_wait3A_31 : memref<1024x128xf32, #tpu.memory_space<hbm>>) dst(%arg8 : memref<128x128xf32, #tpu.memory_space<vmem>>)
    %add3A_32 = arith.constant 0 : i32
    %add3A_33 = arith.addi %add3A_4, %add3A_32 : i32
    %dma_wait3A_34 = arith.constant 0 : i32
    %dma_wait3A_35 = tpu.memref_slice %arg4[%add3A_33, %dma_wait3A_34] : memref<32768x64xf32, #tpu.memory_space<hbm>> -> memref<128x64xf32, #tpu.memory_space<hbm>>
    %dma_wait3A_36 = arith.constant 0 : i32
    %dma_wait3A_37 = tpu.memref_slice %arg4[%add3A_33, %dma_wait3A_36] : memref<32768x64xf32, #tpu.memory_space<hbm>> -> memref<128x64xf32, #tpu.memory_space<hbm>>
    tpu.wait_dma2 semaphore(%arg14 : memref<!tpu.dma_semaphore, #tpu.memory_space<semaphore_mem>>) src(%dma_wait3A_37 : memref<128x64xf32, #tpu.memory_space<hbm>>) dst(%arg10 : memref<128x64xf32, #tpu.memory_space<vmem>>)
    %scan3A = arith.constant 0 : i32
    %scan3A_38 = arith.constant 0 : i32
    %scan3A_39 = arith.constant 64 : i32
    %scan3A_40 = arith.addi %scan3A_38, %scan3A_39 : i32
    %scan3A_41 = arith.constant 1 : i32
    scf.for %scan3A_84 = %scan3A_38 to %scan3A_40 step %scan3A_41  : i32 {
      %mul3A_85 = arith.constant 2 : i32
      %mul3A_86 = arith.muli %mul3A_85, %scan3A_84 : i32
      %add3A_87 = arith.constant 0 : i32
      %add3A_88 = arith.addi %mul3A_86, %add3A_87 : i32
      %get3A = arith.index_cast %add3A_88 : i32 to index
      %get3A_89 = arith.constant 0 : index
      %get3A_90 = tpu.vector_load %arg8[%get3A, %get3A_89] {strides = array<i32>} : memref<128x128xf32, #tpu.memory_space<vmem>>, vector<1x16xf32>,
      %get3A_91 = vector.shape_cast %get3A_90 : vector<1x16xf32> to vector<16xf32>
      %mul3A_92 = arith.constant 2 : i32
      %mul3A_93 = arith.muli %mul3A_92, %scan3A_84 : i32
      %add3A_94 = arith.constant 0 : i32
      %add3A_95 = arith.addi %mul3A_93, %add3A_94 : i32
      %get3A_96 = arith.index_cast %add3A_95 : i32 to index
      %get3A_97 = arith.constant 0 : index
      %get3A_98 = tpu.vector_load %arg10[%get3A_96, %get3A_97] {strides = array<i32>} : memref<128x64xf32, #tpu.memory_space<vmem>>, vector<1x16xf32>,
      %get3A_99 = vector.shape_cast %get3A_98 : vector<1x16xf32> to vector<16xf32>
      %sub3A = arith.subf %get3A_91, %get3A_99 : vector<16xf32>
      %add3A_100 = arith.addf %get3A_99, %sub3A : vector<16xf32>
      %mul3A_101 = arith.constant 2 : i32
      %mul3A_102 = arith.muli %mul3A_101, %scan3A_84 : i32
      %add3A_103 = arith.constant 0 : i32
      %add3A_104 = arith.addi %mul3A_102, %add3A_103 : i32
      %swap3A = arith.index_cast %add3A_104 : i32 to index
      %swap3A_105 = arith.constant 0 : index
      %swap3A_106 = tpu.vector_load %arg10[%swap3A, %swap3A_105] {strides = array<i32>} : memref<128x64xf32, #tpu.memory_space<vmem>>, vector<1x16xf32>,
      %swap3A_107 = vector.shape_cast %swap3A_106 : vector<1x16xf32> to vector<16xf32>
      %swap3A_108 = vector.shape_cast %add3A_100 : vector<16xf32> to vector<1x16xf32>
      tpu.vector_store %arg10[%swap3A, %swap3A_105], %swap3A_108 {strides = array<i32>} : memref<128x64xf32, #tpu.memory_space<vmem>>, vector<1x16xf32>,
      %mul3A_109 = arith.constant 2 : i32
      %mul3A_110 = arith.muli %mul3A_109, %scan3A_84 : i32
      %add3A_111 = arith.constant 0 : i32
      %add3A_112 = arith.addi %mul3A_110, %add3A_111 : i32
      %get3A_113 = arith.index_cast %add3A_112 : i32 to index
      %get3A_114 = arith.constant 16 : index
      %get3A_115 = tpu.vector_load %arg8[%get3A_113, %get3A_114] {strides = array<i32>} : memref<128x128xf32, #tpu.memory_space<vmem>>, vector<1x16xf32>,
      %get3A_116 = vector.shape_cast %get3A_115 : vector<1x16xf32> to vector<16xf32>
      %mul3A_117 = arith.constant 2 : i32
      %mul3A_118 = arith.muli %mul3A_117, %scan3A_84 : i32
      %add3A_119 = arith.constant 0 : i32
      %add3A_120 = arith.addi %mul3A_118, %add3A_119 : i32
      %get3A_121 = arith.index_cast %add3A_120 : i32 to index
      %get3A_122 = arith.constant 16 : index
      %get3A_123 = tpu.vector_load %arg10[%get3A_121, %get3A_122] {strides = array<i32>} : memref<128x64xf32, #tpu.memory_space<vmem>>, vector<1x16xf32>,
      %get3A_124 = vector.shape_cast %get3A_123 : vector<1x16xf32> to vector<16xf32>
      %sub3A_125 = arith.subf %get3A_116, %get3A_124 : vector<16xf32>
      %add3A_126 = arith.addf %get3A_124, %sub3A_125 : vector<16xf32>
      %mul3A_127 = arith.constant 2 : i32
      %mul3A_128 = arith.muli %mul3A_127, %scan3A_84 : i32
      %add3A_129 = arith.constant 0 : i32
      %add3A_130 = arith.addi %mul3A_128, %add3A_129 : i32
      %swap3A_131 = arith.index_cast %add3A_130 : i32 to index
      %swap3A_132 = arith.constant 16 : index
      %swap3A_133 = tpu.vector_load %arg10[%swap3A_131, %swap3A_132] {strides = array<i32>} : memref<128x64xf32, #tpu.memory_space<vmem>>, vector<1x16xf32>,
      %swap3A_134 = vector.shape_cast %swap3A_133 : vector<1x16xf32> to vector<16xf32>
      %swap3A_135 = vector.shape_cast %add3A_126 : vector<16xf32> to vector<1x16xf32>
      tpu.vector_store %arg10[%swap3A_131, %swap3A_132], %swap3A_135 {strides = array<i32>} : memref<128x64xf32, #tpu.memory_space<vmem>>, vector<1x16xf32>,
      %mul3A_136 = arith.constant 2 : i32
      %mul3A_137 = arith.muli %mul3A_136, %scan3A_84 : i32
      %add3A_138 = arith.constant 0 : i32
      %add3A_139 = arith.addi %mul3A_137, %add3A_138 : i32
      %get3A_140 = arith.index_cast %add3A_139 : i32 to index
      %get3A_141 = arith.constant 32 : index
      %get3A_142 = tpu.vector_load %arg8[%get3A_140, %get3A_141] {strides = array<i32>} : memref<128x128xf32, #tpu.memory_space<vmem>>, vector<1x16xf32>,
      %get3A_143 = vector.shape_cast %get3A_142 : vector<1x16xf32> to vector<16xf32>
      %mul3A_144 = arith.constant 2 : i32
      %mul3A_145 = arith.muli %mul3A_144, %scan3A_84 : i32
      %add3A_146 = arith.constant 0 : i32
      %add3A_147 = arith.addi %mul3A_145, %add3A_146 : i32
      %get3A_148 = arith.index_cast %add3A_147 : i32 to index
      %get3A_149 = arith.constant 32 : index
      %get3A_150 = tpu.vector_load %arg10[%get3A_148, %get3A_149] {strides = array<i32>} : memref<128x64xf32, #tpu.memory_space<vmem>>, vector<1x16xf32>,
      %get3A_151 = vector.shape_cast %get3A_150 : vector<1x16xf32> to vector<16xf32>
      %sub3A_152 = arith.subf %get3A_143, %get3A_151 : vector<16xf32>
      %add3A_153 = arith.addf %get3A_151, %sub3A_152 : vector<16xf32>
      %mul3A_154 = arith.constant 2 : i32
      %mul3A_155 = arith.muli %mul3A_154, %scan3A_84 : i32
      %add3A_156 = arith.constant 0 : i32
      %add3A_157 = arith.addi %mul3A_155, %add3A_156 : i32
      %swap3A_158 = arith.index_cast %add3A_157 : i32 to index
      %swap3A_159 = arith.constant 32 : index
      %swap3A_160 = tpu.vector_load %arg10[%swap3A_158, %swap3A_159] {strides = array<i32>} : memref<128x64xf32, #tpu.memory_space<vmem>>, vector<1x16xf32>,
      %swap3A_161 = vector.shape_cast %swap3A_160 : vector<1x16xf32> to vector<16xf32>
      %swap3A_162 = vector.shape_cast %add3A_153 : vector<16xf32> to vector<1x16xf32>
      tpu.vector_store %arg10[%swap3A_158, %swap3A_159], %swap3A_162 {strides = array<i32>} : memref<128x64xf32, #tpu.memory_space<vmem>>, vector<1x16xf32>,
      %mul3A_163 = arith.constant 2 : i32
      %mul3A_164 = arith.muli %mul3A_163, %scan3A_84 : i32
      %add3A_165 = arith.constant 0 : i32
      %add3A_166 = arith.addi %mul3A_164, %add3A_165 : i32
      %get3A_167 = arith.index_cast %add3A_166 : i32 to index
      %get3A_168 = arith.constant 48 : index
      %get3A_169 = tpu.vector_load %arg8[%get3A_167, %get3A_168] {strides = array<i32>} : memref<128x128xf32, #tpu.memory_space<vmem>>, vector<1x16xf32>,
      %get3A_170 = vector.shape_cast %get3A_169 : vector<1x16xf32> to vector<16xf32>
      %mul3A_171 = arith.constant 2 : i32
      %mul3A_172 = arith.muli %mul3A_171, %scan3A_84 : i32
      %add3A_173 = arith.constant 0 : i32
      %add3A_174 = arith.addi %mul3A_172, %add3A_173 : i32
      %get3A_175 = arith.index_cast %add3A_174 : i32 to index
      %get3A_176 = arith.constant 48 : index
      %get3A_177 = tpu.vector_load %arg10[%get3A_175, %get3A_176] {strides = array<i32>} : memref<128x64xf32, #tpu.memory_space<vmem>>, vector<1x16xf32>,
      %get3A_178 = vector.shape_cast %get3A_177 : vector<1x16xf32> to vector<16xf32>
      %sub3A_179 = arith.subf %get3A_170, %get3A_178 : vector<16xf32>
      %add3A_180 = arith.addf %get3A_178, %sub3A_179 : vector<16xf32>
      %mul3A_181 = arith.constant 2 : i32
      %mul3A_182 = arith.muli %mul3A_181, %scan3A_84 : i32
      %add3A_183 = arith.constant 0 : i32
      %add3A_184 = arith.addi %mul3A_182, %add3A_183 : i32
      %swap3A_185 = arith.index_cast %add3A_184 : i32 to index
      %swap3A_186 = arith.constant 48 : index
      %swap3A_187 = tpu.vector_load %arg10[%swap3A_185, %swap3A_186] {strides = array<i32>} : memref<128x64xf32, #tpu.memory_space<vmem>>, vector<1x16xf32>,
      %swap3A_188 = vector.shape_cast %swap3A_187 : vector<1x16xf32> to vector<16xf32>
      %swap3A_189 = vector.shape_cast %add3A_180 : vector<16xf32> to vector<1x16xf32>
      tpu.vector_store %arg10[%swap3A_185, %swap3A_186], %swap3A_189 {strides = array<i32>} : memref<128x64xf32, #tpu.memory_space<vmem>>, vector<1x16xf32>,
      %mul3A_190 = arith.constant 2 : i32
      %mul3A_191 = arith.muli %mul3A_190, %scan3A_84 : i32
      %add3A_192 = arith.constant 1 : i32
      %add3A_193 = arith.addi %mul3A_191, %add3A_192 : i32
      %get3A_194 = arith.index_cast %add3A_193 : i32 to index
      %get3A_195 = arith.constant 0 : index
      %get3A_196 = tpu.vector_load %arg8[%get3A_194, %get3A_195] {strides = array<i32>} : memref<128x128xf32, #tpu.memory_space<vmem>>, vector<1x16xf32>,
      %get3A_197 = vector.shape_cast %get3A_196 : vector<1x16xf32> to vector<16xf32>
      %mul3A_198 = arith.constant 2 : i32
      %mul3A_199 = arith.muli %mul3A_198, %scan3A_84 : i32
      %add3A_200 = arith.constant 1 : i32
      %add3A_201 = arith.addi %mul3A_199, %add3A_200 : i32
      %get3A_202 = arith.index_cast %add3A_201 : i32 to index
      %get3A_203 = arith.constant 0 : index
      %get3A_204 = tpu.vector_load %arg10[%get3A_202, %get3A_203] {strides = array<i32>} : memref<128x64xf32, #tpu.memory_space<vmem>>, vector<1x16xf32>,
      %get3A_205 = vector.shape_cast %get3A_204 : vector<1x16xf32> to vector<16xf32>
      %sub3A_206 = arith.subf %get3A_197, %get3A_205 : vector<16xf32>
      %add3A_207 = arith.addf %get3A_205, %sub3A_206 : vector<16xf32>
      %mul3A_208 = arith.constant 2 : i32
      %mul3A_209 = arith.muli %mul3A_208, %scan3A_84 : i32
      %add3A_210 = arith.constant 1 : i32
      %add3A_211 = arith.addi %mul3A_209, %add3A_210 : i32
      %swap3A_212 = arith.index_cast %add3A_211 : i32 to index
      %swap3A_213 = arith.constant 0 : index
      %swap3A_214 = tpu.vector_load %arg10[%swap3A_212, %swap3A_213] {strides = array<i32>} : memref<128x64xf32, #tpu.memory_space<vmem>>, vector<1x16xf32>,
      %swap3A_215 = vector.shape_cast %swap3A_214 : vector<1x16xf32> to vector<16xf32>
      %swap3A_216 = vector.shape_cast %add3A_207 : vector<16xf32> to vector<1x16xf32>
      tpu.vector_store %arg10[%swap3A_212, %swap3A_213], %swap3A_216 {strides = array<i32>} : memref<128x64xf32, #tpu.memory_space<vmem>>, vector<1x16xf32>,
      %mul3A_217 = arith.constant 2 : i32
      %mul3A_218 = arith.muli %mul3A_217, %scan3A_84 : i32
      %add3A_219 = arith.constant 1 : i32
      %add3A_220 = arith.addi %mul3A_218, %add3A_219 : i32
      %get3A_221 = arith.index_cast %add3A_220 : i32 to index
      %get3A_222 = arith.constant 16 : index
      %get3A_223 = tpu.vector_load %arg8[%get3A_221, %get3A_222] {strides = array<i32>} : memref<128x128xf32, #tpu.memory_space<vmem>>, vector<1x16xf32>,
      %get3A_224 = vector.shape_cast %get3A_223 : vector<1x16xf32> to vector<16xf32>
      %mul3A_225 = arith.constant 2 : i32
      %mul3A_226 = arith.muli %mul3A_225, %scan3A_84 : i32
      %add3A_227 = arith.constant 1 : i32
      %add3A_228 = arith.addi %mul3A_226, %add3A_227 : i32
      %get3A_229 = arith.index_cast %add3A_228 : i32 to index
      %get3A_230 = arith.constant 16 : index
      %get3A_231 = tpu.vector_load %arg10[%get3A_229, %get3A_230] {strides = array<i32>} : memref<128x64xf32, #tpu.memory_space<vmem>>, vector<1x16xf32>,
      %get3A_232 = vector.shape_cast %get3A_231 : vector<1x16xf32> to vector<16xf32>
      %sub3A_233 = arith.subf %get3A_224, %get3A_232 : vector<16xf32>
      %add3A_234 = arith.addf %get3A_232, %sub3A_233 : vector<16xf32>
      %mul3A_235 = arith.constant 2 : i32
      %mul3A_236 = arith.muli %mul3A_235, %scan3A_84 : i32
      %add3A_237 = arith.constant 1 : i32
      %add3A_238 = arith.addi %mul3A_236, %add3A_237 : i32
      %swap3A_239 = arith.index_cast %add3A_238 : i32 to index
      %swap3A_240 = arith.constant 16 : index
      %swap3A_241 = tpu.vector_load %arg10[%swap3A_239, %swap3A_240] {strides = array<i32>} : memref<128x64xf32, #tpu.memory_space<vmem>>, vector<1x16xf32>,
      %swap3A_242 = vector.shape_cast %swap3A_241 : vector<1x16xf32> to vector<16xf32>
      %swap3A_243 = vector.shape_cast %add3A_234 : vector<16xf32> to vector<1x16xf32>
      tpu.vector_store %arg10[%swap3A_239, %swap3A_240], %swap3A_243 {strides = array<i32>} : memref<128x64xf32, #tpu.memory_space<vmem>>, vector<1x16xf32>,
      %mul3A_244 = arith.constant 2 : i32
      %mul3A_245 = arith.muli %mul3A_244, %scan3A_84 : i32
      %add3A_246 = arith.constant 1 : i32
      %add3A_247 = arith.addi %mul3A_245, %add3A_246 : i32
      %get3A_248 = arith.index_cast %add3A_247 : i32 to index
      %get3A_249 = arith.constant 32 : index
      %get3A_250 = tpu.vector_load %arg8[%get3A_248, %get3A_249] {strides = array<i32>} : memref<128x128xf32, #tpu.memory_space<vmem>>, vector<1x16xf32>,
      %get3A_251 = vector.shape_cast %get3A_250 : vector<1x16xf32> to vector<16xf32>
      %mul3A_252 = arith.constant 2 : i32
      %mul3A_253 = arith.muli %mul3A_252, %scan3A_84 : i32
      %add3A_254 = arith.constant 1 : i32
      %add3A_255 = arith.addi %mul3A_253, %add3A_254 : i32
      %get3A_256 = arith.index_cast %add3A_255 : i32 to index
      %get3A_257 = arith.constant 32 : index
      %get3A_258 = tpu.vector_load %arg10[%get3A_256, %get3A_257] {strides = array<i32>} : memref<128x64xf32, #tpu.memory_space<vmem>>, vector<1x16xf32>,
      %get3A_259 = vector.shape_cast %get3A_258 : vector<1x16xf32> to vector<16xf32>
      %sub3A_260 = arith.subf %get3A_251, %get3A_259 : vector<16xf32>
      %add3A_261 = arith.addf %get3A_259, %sub3A_260 : vector<16xf32>
      %mul3A_262 = arith.constant 2 : i32
      %mul3A_263 = arith.muli %mul3A_262, %scan3A_84 : i32
      %add3A_264 = arith.constant 1 : i32
      %add3A_265 = arith.addi %mul3A_263, %add3A_264 : i32
      %swap3A_266 = arith.index_cast %add3A_265 : i32 to index
      %swap3A_267 = arith.constant 32 : index
      %swap3A_268 = tpu.vector_load %arg10[%swap3A_266, %swap3A_267] {strides = array<i32>} : memref<128x64xf32, #tpu.memory_space<vmem>>, vector<1x16xf32>,
      %swap3A_269 = vector.shape_cast %swap3A_268 : vector<1x16xf32> to vector<16xf32>
      %swap3A_270 = vector.shape_cast %add3A_261 : vector<16xf32> to vector<1x16xf32>
      tpu.vector_store %arg10[%swap3A_266, %swap3A_267], %swap3A_270 {strides = array<i32>} : memref<128x64xf32, #tpu.memory_space<vmem>>, vector<1x16xf32>,
      %mul3A_271 = arith.constant 2 : i32
      %mul3A_272 = arith.muli %mul3A_271, %scan3A_84 : i32
      %add3A_273 = arith.constant 1 : i32
      %add3A_274 = arith.addi %mul3A_272, %add3A_273 : i32
      %get3A_275 = arith.index_cast %add3A_274 : i32 to index
      %get3A_276 = arith.constant 48 : index
      %get3A_277 = tpu.vector_load %arg8[%get3A_275, %get3A_276] {strides = array<i32>} : memref<128x128xf32, #tpu.memory_space<vmem>>, vector<1x16xf32>,
      %get3A_278 = vector.shape_cast %get3A_277 : vector<1x16xf32> to vector<16xf32>
      %mul3A_279 = arith.constant 2 : i32
      %mul3A_280 = arith.muli %mul3A_279, %scan3A_84 : i32
      %add3A_281 = arith.constant 1 : i32
      %add3A_282 = arith.addi %mul3A_280, %add3A_281 : i32
      %get3A_283 = arith.index_cast %add3A_282 : i32 to index
      %get3A_284 = arith.constant 48 : index
      %get3A_285 = tpu.vector_load %arg10[%get3A_283, %get3A_284] {strides = array<i32>} : memref<128x64xf32, #tpu.memory_space<vmem>>, vector<1x16xf32>,
      %get3A_286 = vector.shape_cast %get3A_285 : vector<1x16xf32> to vector<16xf32>
      %sub3A_287 = arith.subf %get3A_278, %get3A_286 : vector<16xf32>
      %add3A_288 = arith.addf %get3A_286, %sub3A_287 : vector<16xf32>
      %mul3A_289 = arith.constant 2 : i32
      %mul3A_290 = arith.muli %mul3A_289, %scan3A_84 : i32
      %add3A_291 = arith.constant 1 : i32
      %add3A_292 = arith.addi %mul3A_290, %add3A_291 : i32
      %swap3A_293 = arith.index_cast %add3A_292 : i32 to index
      %swap3A_294 = arith.constant 48 : index
      %swap3A_295 = tpu.vector_load %arg10[%swap3A_293, %swap3A_294] {strides = array<i32>} : memref<128x64xf32, #tpu.memory_space<vmem>>, vector<1x16xf32>,
      %swap3A_296 = vector.shape_cast %swap3A_295 : vector<1x16xf32> to vector<16xf32>
      %swap3A_297 = vector.shape_cast %add3A_288 : vector<16xf32> to vector<1x16xf32>
      tpu.vector_store %arg10[%swap3A_293, %swap3A_294], %swap3A_297 {strides = array<i32>} : memref<128x64xf32, #tpu.memory_space<vmem>>, vector<1x16xf32>,
    }
    %scan3A_42 = arith.constant 64 : i32
    %add3A_43 = arith.constant 0 : i32
    %add3A_44 = arith.addi %add3A_4, %add3A_43 : i32
    %dma_start3A_45 = arith.constant 0 : i32
    %dma_start3A_46 = tpu.memref_slice %arg5[%add3A_44, %dma_start3A_45] : memref<32768x64xf32, #tpu.memory_space<hbm>> -> memref<128x64xf32, #tpu.memory_space<hbm>>
    %dma_start3A_47 = arith.constant 0 : i32
    %dma_start3A_48 = tpu.memref_slice %arg5[%add3A_44, %dma_start3A_47] : memref<32768x64xf32, #tpu.memory_space<hbm>> -> memref<128x64xf32, #tpu.memory_space<hbm>>
    tpu.enqueue_dma source(%arg10 : memref<128x64xf32, #tpu.memory_space<vmem>>) target(%dma_start3A_48 : memref<128x64xf32, #tpu.memory_space<hbm>>) target_semaphore(%arg16 : memref<!tpu.dma_semaphore, #tpu.memory_space<semaphore_mem>>)
    %dma_wait3A_49 = arith.constant 128 : i32
    %dma_wait3A_50 = tpu.memref_slice %arg7[%dma_wait3A_49] : memref<256xi32, #tpu.memory_space<vmem>> -> memref<128xi32, #tpu.memory_space<vmem>>
    %dma_wait3A_51 = arith.constant 0 : i32
    %dma_wait3A_52 = arith.constant 0 : i32
    %dma_wait3A_53 = tpu.memref_slice %arg2[%dma_wait3A_51, %dma_wait3A_52] : memref<1024x128xf32, #tpu.memory_space<hbm>> -> memref<1024x128xf32, #tpu.memory_space<hbm>>
    tpu.wait_indirect_dma semaphore(%arg13 : memref<!tpu.dma_semaphore, #tpu.memory_space<semaphore_mem>>) src(%dma_wait3A_53 : memref<1024x128xf32, #tpu.memory_space<hbm>>) dst(%arg9 : memref<128x128xf32, #tpu.memory_space<vmem>>)
    %add3A_54 = arith.constant 128 : i32
    %add3A_55 = arith.addi %add3A_4, %add3A_54 : i32
    %dma_wait3A_56 = arith.constant 0 : i32
    %dma_wait3A_57 = tpu.memref_slice %arg4[%add3A_55, %dma_wait3A_56] : memref<32768x64xf32, #tpu.memory_space<hbm>> -> memref<128x64xf32, #tpu.memory_space<hbm>>
    %dma_wait3A_58 = arith.constant 0 : i32
    %dma_wait3A_59 = tpu.memref_slice %arg4[%add3A_55, %dma_wait3A_58] : memref<32768x64xf32, #tpu.memory_space<hbm>> -> memref<128x64xf32, #tpu.memory_space<hbm>>
    tpu.wait_dma2 semaphore(%arg15 : memref<!tpu.dma_semaphore, #tpu.memory_space<semaphore_mem>>) src(%dma_wait3A_59 : memref<128x64xf32, #tpu.memory_space<hbm>>) dst(%arg11 : memref<128x64xf32, #tpu.memory_space<vmem>>)
    %scan3A_60 = arith.constant 0 : i32
    %scan3A_61 = arith.constant 0 : i32
    %scan3A_62 = arith.constant 64 : i32
    %scan3A_63 = arith.addi %scan3A_61, %scan3A_62 : i32
    %scan3A_64 = arith.constant 1 : i32
    scf.for %scan3A_84 = %scan3A_61 to %scan3A_63 step %scan3A_64  : i32 {
      %mul3A_85 = arith.constant 2 : i32
      %mul3A_86 = arith.muli %mul3A_85, %scan3A_84 : i32
      %add3A_87 = arith.constant 0 : i32
      %add3A_88 = arith.addi %mul3A_86, %add3A_87 : i32
      %get3A = arith.index_cast %add3A_88 : i32 to index
      %get3A_89 = arith.constant 0 : index
      %get3A_90 = tpu.vector_load %arg9[%get3A, %get3A_89] {strides = array<i32>} : memref<128x128xf32, #tpu.memory_space<vmem>>, vector<1x16xf32>,
      %get3A_91 = vector.shape_cast %get3A_90 : vector<1x16xf32> to vector<16xf32>
      %mul3A_92 = arith.constant 2 : i32
      %mul3A_93 = arith.muli %mul3A_92, %scan3A_84 : i32
      %add3A_94 = arith.constant 0 : i32
      %add3A_95 = arith.addi %mul3A_93, %add3A_94 : i32
      %get3A_96 = arith.index_cast %add3A_95 : i32 to index
      %get3A_97 = arith.constant 0 : index
      %get3A_98 = tpu.vector_load %arg11[%get3A_96, %get3A_97] {strides = array<i32>} : memref<128x64xf32, #tpu.memory_space<vmem>>, vector<1x16xf32>,
      %get3A_99 = vector.shape_cast %get3A_98 : vector<1x16xf32> to vector<16xf32>
      %sub3A = arith.subf %get3A_91, %get3A_99 : vector<16xf32>
      %add3A_100 = arith.addf %get3A_99, %sub3A : vector<16xf32>
      %mul3A_101 = arith.constant 2 : i32
      %mul3A_102 = arith.muli %mul3A_101, %scan3A_84 : i32
      %add3A_103 = arith.constant 0 : i32
      %add3A_104 = arith.addi %mul3A_102, %add3A_103 : i32
      %swap3A = arith.index_cast %add3A_104 : i32 to index
      %swap3A_105 = arith.constant 0 : index
      %swap3A_106 = tpu.vector_load %arg11[%swap3A, %swap3A_105] {strides = array<i32>} : memref<128x64xf32, #tpu.memory_space<vmem>>, vector<1x16xf32>,
      %swap3A_107 = vector.shape_cast %swap3A_106 : vector<1x16xf32> to vector<16xf32>
      %swap3A_108 = vector.shape_cast %add3A_100 : vector<16xf32> to vector<1x16xf32>
      tpu.vector_store %arg11[%swap3A, %swap3A_105], %swap3A_108 {strides = array<i32>} : memref<128x64xf32, #tpu.memory_space<vmem>>, vector<1x16xf32>,
      %mul3A_109 = arith.constant 2 : i32
      %mul3A_110 = arith.muli %mul3A_109, %scan3A_84 : i32
      %add3A_111 = arith.constant 0 : i32
      %add3A_112 = arith.addi %mul3A_110, %add3A_111 : i32
      %get3A_113 = arith.index_cast %add3A_112 : i32 to index
      %get3A_114 = arith.constant 16 : index
      %get3A_115 = tpu.vector_load %arg9[%get3A_113, %get3A_114] {strides = array<i32>} : memref<128x128xf32, #tpu.memory_space<vmem>>, vector<1x16xf32>,
      %get3A_116 = vector.shape_cast %get3A_115 : vector<1x16xf32> to vector<16xf32>
      %mul3A_117 = arith.constant 2 : i32
      %mul3A_118 = arith.muli %mul3A_117, %scan3A_84 : i32
      %add3A_119 = arith.constant 0 : i32
      %add3A_120 = arith.addi %mul3A_118, %add3A_119 : i32
      %get3A_121 = arith.index_cast %add3A_120 : i32 to index
      %get3A_122 = arith.constant 16 : index
      %get3A_123 = tpu.vector_load %arg11[%get3A_121, %get3A_122] {strides = array<i32>} : memref<128x64xf32, #tpu.memory_space<vmem>>, vector<1x16xf32>,
      %get3A_124 = vector.shape_cast %get3A_123 : vector<1x16xf32> to vector<16xf32>
      %sub3A_125 = arith.subf %get3A_116, %get3A_124 : vector<16xf32>
      %add3A_126 = arith.addf %get3A_124, %sub3A_125 : vector<16xf32>
      %mul3A_127 = arith.constant 2 : i32
      %mul3A_128 = arith.muli %mul3A_127, %scan3A_84 : i32
      %add3A_129 = arith.constant 0 : i32
      %add3A_130 = arith.addi %mul3A_128, %add3A_129 : i32
      %swap3A_131 = arith.index_cast %add3A_130 : i32 to index
      %swap3A_132 = arith.constant 16 : index
      %swap3A_133 = tpu.vector_load %arg11[%swap3A_131, %swap3A_132] {strides = array<i32>} : memref<128x64xf32, #tpu.memory_space<vmem>>, vector<1x16xf32>,
      %swap3A_134 = vector.shape_cast %swap3A_133 : vector<1x16xf32> to vector<16xf32>
      %swap3A_135 = vector.shape_cast %add3A_126 : vector<16xf32> to vector<1x16xf32>
      tpu.vector_store %arg11[%swap3A_131, %swap3A_132], %swap3A_135 {strides = array<i32>} : memref<128x64xf32, #tpu.memory_space<vmem>>, vector<1x16xf32>,
      %mul3A_136 = arith.constant 2 : i32
      %mul3A_137 = arith.muli %mul3A_136, %scan3A_84 : i32
      %add3A_138 = arith.constant 0 : i32
      %add3A_139 = arith.addi %mul3A_137, %add3A_138 : i32
      %get3A_140 = arith.index_cast %add3A_139 : i32 to index
      %get3A_141 = arith.constant 32 : index
      %get3A_142 = tpu.vector_load %arg9[%get3A_140, %get3A_141] {strides = array<i32>} : memref<128x128xf32, #tpu.memory_space<vmem>>, vector<1x16xf32>,
      %get3A_143 = vector.shape_cast %get3A_142 : vector<1x16xf32> to vector<16xf32>
      %mul3A_144 = arith.constant 2 : i32
      %mul3A_145 = arith.muli %mul3A_144, %scan3A_84 : i32
      %add3A_146 = arith.constant 0 : i32
      %add3A_147 = arith.addi %mul3A_145, %add3A_146 : i32
      %get3A_148 = arith.index_cast %add3A_147 : i32 to index
      %get3A_149 = arith.constant 32 : index
      %get3A_150 = tpu.vector_load %arg11[%get3A_148, %get3A_149] {strides = array<i32>} : memref<128x64xf32, #tpu.memory_space<vmem>>, vector<1x16xf32>,
      %get3A_151 = vector.shape_cast %get3A_150 : vector<1x16xf32> to vector<16xf32>
      %sub3A_152 = arith.subf %get3A_143, %get3A_151 : vector<16xf32>
      %add3A_153 = arith.addf %get3A_151, %sub3A_152 : vector<16xf32>
      %mul3A_154 = arith.constant 2 : i32
      %mul3A_155 = arith.muli %mul3A_154, %scan3A_84 : i32
      %add3A_156 = arith.constant 0 : i32
      %add3A_157 = arith.addi %mul3A_155, %add3A_156 : i32
      %swap3A_158 = arith.index_cast %add3A_157 : i32 to index
      %swap3A_159 = arith.constant 32 : index
      %swap3A_160 = tpu.vector_load %arg11[%swap3A_158, %swap3A_159] {strides = array<i32>} : memref<128x64xf32, #tpu.memory_space<vmem>>, vector<1x16xf32>,
      %swap3A_161 = vector.shape_cast %swap3A_160 : vector<1x16xf32> to vector<16xf32>
      %swap3A_162 = vector.shape_cast %add3A_153 : vector<16xf32> to vector<1x16xf32>
      tpu.vector_store %arg11[%swap3A_158, %swap3A_159], %swap3A_162 {strides = array<i32>} : memref<128x64xf32, #tpu.memory_space<vmem>>, vector<1x16xf32>,
      %mul3A_163 = arith.constant 2 : i32
      %mul3A_164 = arith.muli %mul3A_163, %scan3A_84 : i32
      %add3A_165 = arith.constant 0 : i32
      %add3A_166 = arith.addi %mul3A_164, %add3A_165 : i32
      %get3A_167 = arith.index_cast %add3A_166 : i32 to index
      %get3A_168 = arith.constant 48 : index
      %get3A_169 = tpu.vector_load %arg9[%get3A_167, %get3A_168] {strides = array<i32>} : memref<128x128xf32, #tpu.memory_space<vmem>>, vector<1x16xf32>,
      %get3A_170 = vector.shape_cast %get3A_169 : vector<1x16xf32> to vector<16xf32>
      %mul3A_171 = arith.constant 2 : i32
      %mul3A_172 = arith.muli %mul3A_171, %scan3A_84 : i32
      %add3A_173 = arith.constant 0 : i32
      %add3A_174 = arith.addi %mul3A_172, %add3A_173 : i32
      %get3A_175 = arith.index_cast %add3A_174 : i32 to index
      %get3A_176 = arith.constant 48 : index
      %get3A_177 = tpu.vector_load %arg11[%get3A_175, %get3A_176] {strides = array<i32>} : memref<128x64xf32, #tpu.memory_space<vmem>>, vector<1x16xf32>,
      %get3A_178 = vector.shape_cast %get3A_177 : vector<1x16xf32> to vector<16xf32>
      %sub3A_179 = arith.subf %get3A_170, %get3A_178 : vector<16xf32>
      %add3A_180 = arith.addf %get3A_178, %sub3A_179 : vector<16xf32>
      %mul3A_181 = arith.constant 2 : i32
      %mul3A_182 = arith.muli %mul3A_181, %scan3A_84 : i32
      %add3A_183 = arith.constant 0 : i32
      %add3A_184 = arith.addi %mul3A_182, %add3A_183 : i32
      %swap3A_185 = arith.index_cast %add3A_184 : i32 to index
      %swap3A_186 = arith.constant 48 : index
      %swap3A_187 = tpu.vector_load %arg11[%swap3A_185, %swap3A_186] {strides = array<i32>} : memref<128x64xf32, #tpu.memory_space<vmem>>, vector<1x16xf32>,
      %swap3A_188 = vector.shape_cast %swap3A_187 : vector<1x16xf32> to vector<16xf32>
      %swap3A_189 = vector.shape_cast %add3A_180 : vector<16xf32> to vector<1x16xf32>
      tpu.vector_store %arg11[%swap3A_185, %swap3A_186], %swap3A_189 {strides = array<i32>} : memref<128x64xf32, #tpu.memory_space<vmem>>, vector<1x16xf32>,
      %mul3A_190 = arith.constant 2 : i32
      %mul3A_191 = arith.muli %mul3A_190, %scan3A_84 : i32
      %add3A_192 = arith.constant 1 : i32
      %add3A_193 = arith.addi %mul3A_191, %add3A_192 : i32
      %get3A_194 = arith.index_cast %add3A_193 : i32 to index
      %get3A_195 = arith.constant 0 : index
      %get3A_196 = tpu.vector_load %arg9[%get3A_194, %get3A_195] {strides = array<i32>} : memref<128x128xf32, #tpu.memory_space<vmem>>, vector<1x16xf32>,
      %get3A_197 = vector.shape_cast %get3A_196 : vector<1x16xf32> to vector<16xf32>
      %mul3A_198 = arith.constant 2 : i32
      %mul3A_199 = arith.muli %mul3A_198, %scan3A_84 : i32
      %add3A_200 = arith.constant 1 : i32
      %add3A_201 = arith.addi %mul3A_199, %add3A_200 : i32
      %get3A_202 = arith.index_cast %add3A_201 : i32 to index
      %get3A_203 = arith.constant 0 : index
      %get3A_204 = tpu.vector_load %arg11[%get3A_202, %get3A_203] {strides = array<i32>} : memref<128x64xf32, #tpu.memory_space<vmem>>, vector<1x16xf32>,
      %get3A_205 = vector.shape_cast %get3A_204 : vector<1x16xf32> to vector<16xf32>
      %sub3A_206 = arith.subf %get3A_197, %get3A_205 : vector<16xf32>
      %add3A_207 = arith.addf %get3A_205, %sub3A_206 : vector<16xf32>
      %mul3A_208 = arith.constant 2 : i32
      %mul3A_209 = arith.muli %mul3A_208, %scan3A_84 : i32
      %add3A_210 = arith.constant 1 : i32
      %add3A_211 = arith.addi %mul3A_209, %add3A_210 : i32
      %swap3A_212 = arith.index_cast %add3A_211 : i32 to index
      %swap3A_213 = arith.constant 0 : index
      %swap3A_214 = tpu.vector_load %arg11[%swap3A_212, %swap3A_213] {strides = array<i32>} : memref<128x64xf32, #tpu.memory_space<vmem>>, vector<1x16xf32>,
      %swap3A_215 = vector.shape_cast %swap3A_214 : vector<1x16xf32> to vector<16xf32>
      %swap3A_216 = vector.shape_cast %add3A_207 : vector<16xf32> to vector<1x16xf32>
      tpu.vector_store %arg11[%swap3A_212, %swap3A_213], %swap3A_216 {strides = array<i32>} : memref<128x64xf32, #tpu.memory_space<vmem>>, vector<1x16xf32>,
      %mul3A_217 = arith.constant 2 : i32
      %mul3A_218 = arith.muli %mul3A_217, %scan3A_84 : i32
      %add3A_219 = arith.constant 1 : i32
      %add3A_220 = arith.addi %mul3A_218, %add3A_219 : i32
      %get3A_221 = arith.index_cast %add3A_220 : i32 to index
      %get3A_222 = arith.constant 16 : index
      %get3A_223 = tpu.vector_load %arg9[%get3A_221, %get3A_222] {strides = array<i32>} : memref<128x128xf32, #tpu.memory_space<vmem>>, vector<1x16xf32>,
      %get3A_224 = vector.shape_cast %get3A_223 : vector<1x16xf32> to vector<16xf32>
      %mul3A_225 = arith.constant 2 : i32
      %mul3A_226 = arith.muli %mul3A_225, %scan3A_84 : i32
      %add3A_227 = arith.constant 1 : i32
      %add3A_228 = arith.addi %mul3A_226, %add3A_227 : i32
      %get3A_229 = arith.index_cast %add3A_228 : i32 to index
      %get3A_230 = arith.constant 16 : index
      %get3A_231 = tpu.vector_load %arg11[%get3A_229, %get3A_230] {strides = array<i32>} : memref<128x64xf32, #tpu.memory_space<vmem>>, vector<1x16xf32>,
      %get3A_232 = vector.shape_cast %get3A_231 : vector<1x16xf32> to vector<16xf32>
      %sub3A_233 = arith.subf %get3A_224, %get3A_232 : vector<16xf32>
      %add3A_234 = arith.addf %get3A_232, %sub3A_233 : vector<16xf32>
      %mul3A_235 = arith.constant 2 : i32
      %mul3A_236 = arith.muli %mul3A_235, %scan3A_84 : i32
      %add3A_237 = arith.constant 1 : i32
      %add3A_238 = arith.addi %mul3A_236, %add3A_237 : i32
      %swap3A_239 = arith.index_cast %add3A_238 : i32 to index
      %swap3A_240 = arith.constant 16 : index
      %swap3A_241 = tpu.vector_load %arg11[%swap3A_239, %swap3A_240] {strides = array<i32>} : memref<128x64xf32, #tpu.memory_space<vmem>>, vector<1x16xf32>,
      %swap3A_242 = vector.shape_cast %swap3A_241 : vector<1x16xf32> to vector<16xf32>
      %swap3A_243 = vector.shape_cast %add3A_234 : vector<16xf32> to vector<1x16xf32>
      tpu.vector_store %arg11[%swap3A_239, %swap3A_240], %swap3A_243 {strides = array<i32>} : memref<128x64xf32, #tpu.memory_space<vmem>>, vector<1x16xf32>,
      %mul3A_244 = arith.constant 2 : i32
      %mul3A_245 = arith.muli %mul3A_244, %scan3A_84 : i32
      %add3A_246 = arith.constant 1 : i32
      %add3A_247 = arith.addi %mul3A_245, %add3A_246 : i32
      %get3A_248 = arith.index_cast %add3A_247 : i32 to index
      %get3A_249 = arith.constant 32 : index
      %get3A_250 = tpu.vector_load %arg9[%get3A_248, %get3A_249] {strides = array<i32>} : memref<128x128xf32, #tpu.memory_space<vmem>>, vector<1x16xf32>,
      %get3A_251 = vector.shape_cast %get3A_250 : vector<1x16xf32> to vector<16xf32>
      %mul3A_252 = arith.constant 2 : i32
      %mul3A_253 = arith.muli %mul3A_252, %scan3A_84 : i32
      %add3A_254 = arith.constant 1 : i32
      %add3A_255 = arith.addi %mul3A_253, %add3A_254 : i32
      %get3A_256 = arith.index_cast %add3A_255 : i32 to index
      %get3A_257 = arith.constant 32 : index
      %get3A_258 = tpu.vector_load %arg11[%get3A_256, %get3A_257] {strides = array<i32>} : memref<128x64xf32, #tpu.memory_space<vmem>>, vector<1x16xf32>,
      %get3A_259 = vector.shape_cast %get3A_258 : vector<1x16xf32> to vector<16xf32>
      %sub3A_260 = arith.subf %get3A_251, %get3A_259 : vector<16xf32>
      %add3A_261 = arith.addf %get3A_259, %sub3A_260 : vector<16xf32>
      %mul3A_262 = arith.constant 2 : i32
      %mul3A_263 = arith.muli %mul3A_262, %scan3A_84 : i32
      %add3A_264 = arith.constant 1 : i32
      %add3A_265 = arith.addi %mul3A_263, %add3A_264 : i32
      %swap3A_266 = arith.index_cast %add3A_265 : i32 to index
      %swap3A_267 = arith.constant 32 : index
      %swap3A_268 = tpu.vector_load %arg11[%swap3A_266, %swap3A_267] {strides = array<i32>} : memref<128x64xf32, #tpu.memory_space<vmem>>, vector<1x16xf32>,
      %swap3A_269 = vector.shape_cast %swap3A_268 : vector<1x16xf32> to vector<16xf32>
      %swap3A_270 = vector.shape_cast %add3A_261 : vector<16xf32> to vector<1x16xf32>
      tpu.vector_store %arg11[%swap3A_266, %swap3A_267], %swap3A_270 {strides = array<i32>} : memref<128x64xf32, #tpu.memory_space<vmem>>, vector<1x16xf32>,
      %mul3A_271 = arith.constant 2 : i32
      %mul3A_272 = arith.muli %mul3A_271, %scan3A_84 : i32
      %add3A_273 = arith.constant 1 : i32
      %add3A_274 = arith.addi %mul3A_272, %add3A_273 : i32
      %get3A_275 = arith.index_cast %add3A_274 : i32 to index
      %get3A_276 = arith.constant 48 : index
      %get3A_277 = tpu.vector_load %arg9[%get3A_275, %get3A_276] {strides = array<i32>} : memref<128x128xf32, #tpu.memory_space<vmem>>, vector<1x16xf32>,
      %get3A_278 = vector.shape_cast %get3A_277 : vector<1x16xf32> to vector<16xf32>
      %mul3A_279 = arith.constant 2 : i32
      %mul3A_280 = arith.muli %mul3A_279, %scan3A_84 : i32
      %add3A_281 = arith.constant 1 : i32
      %add3A_282 = arith.addi %mul3A_280, %add3A_281 : i32
      %get3A_283 = arith.index_cast %add3A_282 : i32 to index
      %get3A_284 = arith.constant 48 : index
      %get3A_285 = tpu.vector_load %arg11[%get3A_283, %get3A_284] {strides = array<i32>} : memref<128x64xf32, #tpu.memory_space<vmem>>, vector<1x16xf32>,
      %get3A_286 = vector.shape_cast %get3A_285 : vector<1x16xf32> to vector<16xf32>
      %sub3A_287 = arith.subf %get3A_278, %get3A_286 : vector<16xf32>
      %add3A_288 = arith.addf %get3A_286, %sub3A_287 : vector<16xf32>
      %mul3A_289 = arith.constant 2 : i32
      %mul3A_290 = arith.muli %mul3A_289, %scan3A_84 : i32
      %add3A_291 = arith.constant 1 : i32
      %add3A_292 = arith.addi %mul3A_290, %add3A_291 : i32
      %swap3A_293 = arith.index_cast %add3A_292 : i32 to index
      %swap3A_294 = arith.constant 48 : index
      %swap3A_295 = tpu.vector_load %arg11[%swap3A_293, %swap3A_294] {strides = array<i32>} : memref<128x64xf32, #tpu.memory_space<vmem>>, vector<1x16xf32>,
      %swap3A_296 = vector.shape_cast %swap3A_295 : vector<1x16xf32> to vector<16xf32>
      %swap3A_297 = vector.shape_cast %add3A_288 : vector<16xf32> to vector<1x16xf32>
      tpu.vector_store %arg11[%swap3A_293, %swap3A_294], %swap3A_297 {strides = array<i32>} : memref<128x64xf32, #tpu.memory_space<vmem>>, vector<1x16xf32>,
    }
    %scan3A_65 = arith.constant 64 : i32
    %add3A_66 = arith.constant 128 : i32
    %add3A_67 = arith.addi %add3A_4, %add3A_66 : i32
    %dma_start3A_68 = arith.constant 0 : i32
    %dma_start3A_69 = tpu.memref_slice %arg5[%add3A_67, %dma_start3A_68] : memref<32768x64xf32, #tpu.memory_space<hbm>> -> memref<128x64xf32, #tpu.memory_space<hbm>>
    %dma_start3A_70 = arith.constant 0 : i32
    %dma_start3A_71 = tpu.memref_slice %arg5[%add3A_67, %dma_start3A_70] : memref<32768x64xf32, #tpu.memory_space<hbm>> -> memref<128x64xf32, #tpu.memory_space<hbm>>
    tpu.enqueue_dma source(%arg11 : memref<128x64xf32, #tpu.memory_space<vmem>>) target(%dma_start3A_71 : memref<128x64xf32, #tpu.memory_space<hbm>>) target_semaphore(%arg17 : memref<!tpu.dma_semaphore, #tpu.memory_space<semaphore_mem>>)
    %add3A_72 = arith.constant 0 : i32
    %add3A_73 = arith.addi %add3A_4, %add3A_72 : i32
    %dma_wait3A_74 = arith.constant 0 : i32
    %dma_wait3A_75 = tpu.memref_slice %arg5[%add3A_73, %dma_wait3A_74] : memref<32768x64xf32, #tpu.memory_space<hbm>> -> memref<128x64xf32, #tpu.memory_space<hbm>>
    %dma_wait3A_76 = arith.constant 0 : i32
    %dma_wait3A_77 = tpu.memref_slice %arg5[%add3A_73, %dma_wait3A_76] : memref<32768x64xf32, #tpu.memory_space<hbm>> -> memref<128x64xf32, #tpu.memory_space<hbm>>
    tpu.wait_dma2 semaphore(%arg16 : memref<!tpu.dma_semaphore, #tpu.memory_space<semaphore_mem>>) src(%arg10 : memref<128x64xf32, #tpu.memory_space<vmem>>) dst(%dma_wait3A_77 : memref<128x64xf32, #tpu.memory_space<hbm>>)
    %add3A_78 = arith.constant 128 : i32
    %add3A_79 = arith.addi %add3A_4, %add3A_78 : i32
    %dma_wait3A_80 = arith.constant 0 : i32
    %dma_wait3A_81 = tpu.memref_slice %arg5[%add3A_79, %dma_wait3A_80] : memref<32768x64xf32, #tpu.memory_space<hbm>> -> memref<128x64xf32, #tpu.memory_space<hbm>>
    %dma_wait3A_82 = arith.constant 0 : i32
    %dma_wait3A_83 = tpu.memref_slice %arg5[%add3A_79, %dma_wait3A_82] : memref<32768x64xf32, #tpu.memory_space<hbm>> -> memref<128x64xf32, #tpu.memory_space<hbm>>
    tpu.wait_dma2 semaphore(%arg17 : memref<!tpu.dma_semaphore, #tpu.memory_space<semaphore_mem>>) src(%arg11 : memref<128x64xf32, #tpu.memory_space<vmem>>) dst(%dma_wait3A_83 : memref<128x64xf32, #tpu.memory_space<hbm>>)
    return
  }
}

module attributes {stable_mosaic.version = 14 : i64} {
  func.func @_vq_tc_body(%arg0: i32, %arg1: memref<1024x64xf32, #tpu.memory_space<vmem>>, %arg2: memref<1024x64xf32, #tpu.memory_space<vmem>>, %arg3: memref<1x1xf32, #tpu.memory_space<vmem>>, %arg4: memref<1024xi32, #tpu.memory_space<vmem>>, %arg5: memref<1x1xf32, #tpu.memory_space<vmem>>) attributes {dimension_semantics = [#tpu.dimension_semantics<arbitrary>], iteration_bounds = array<i64: 8>, scalar_prefetch = 0 : i64, scratch_operands = 0 : i64, tpu.core_type = #tpu.core_type<tc>, window_params = [{transform_indices = @transform_0, window_bounds = array<i64: 1024, 64>}, {pipeline_mode = #tpu.pipeline_mode<synchronous>, transform_indices = @transform_1, window_bounds = array<i64: 1024, 64>}, {pipeline_mode = #tpu.pipeline_mode<synchronous>, transform_indices = @transform_2, window_bounds = array<i64: 1, 1>}, {transform_indices = @transform_3, window_bounds = array<i64: 1024>}, {pipeline_mode = #tpu.pipeline_mode<synchronous>, transform_indices = @transform_4, window_bounds = array<i64: 1, 1>}]} {
    %get3A = arith.constant 0 : index
    %get3A_0 = arith.constant 0 : index
    %get3A_1 = vector.load %arg1[%get3A, %get3A_0] : memref<1024x64xf32, #tpu.memory_space<vmem>>, vector<1024x64xf32>
    %get3A_2 = arith.constant 0 : index
    %get3A_3 = arith.constant 0 : index
    %get3A_4 = vector.load %arg2[%get3A_2, %get3A_3] : memref<1024x64xf32, #tpu.memory_space<vmem>>, vector<1024x64xf32>
    %mul3A = arith.mulf %get3A_1, %get3A_1 : vector<1024x64xf32>
    %reduce_sum3A = arith.constant dense<0.000000e+00> : vector<1024xf32>
    %reduce_sum3A_5 = vector.multi_reduction <add>, %mul3A, %reduce_sum3A [1] : vector<1024x64xf32> to vector<1024xf32>
    %broadcast_in_dim3A = vector.shape_cast %reduce_sum3A_5 : vector<1024xf32> to vector<1024x1xf32>
    %mul3A_6 = arith.mulf %get3A_4, %get3A_4 : vector<1024x64xf32>
    %reduce_sum3A_7 = arith.constant dense<0.000000e+00> : vector<1024xf32>
    %reduce_sum3A_8 = vector.multi_reduction <add>, %mul3A_6, %reduce_sum3A_7 [1] : vector<1024x64xf32> to vector<1024xf32>
    %dot_general3A = arith.constant dense<0.000000e+00> : vector<1024x1024xf32>
    %dot_general3A_9 = tpu.matmul %get3A_1, %get3A_4, %dot_general3A {dimension_numbers = #tpu.dot_dimension_numbers<[1], [1], [0], [0], [0, 0, 1, 0], [], []>, transpose_lhs_hint = false} : vector<1024x64xf32>, vector<1024x64xf32>, vector<1024x1024xf32> -> vector<1024x1024xf32>
    %mul3A_10 = arith.constant 2.000000e+00 : f32
    %mul3A_11 = vector.broadcast %mul3A_10 : f32 to vector<1024x1024xf32>
    %mul3A_12 = arith.mulf %mul3A_11, %dot_general3A_9 : vector<1024x1024xf32>
    %sub3A = vector.broadcast %broadcast_in_dim3A : vector<1024x1xf32> to vector<1024x1024xf32>
    %sub3A_13 = arith.subf %sub3A, %mul3A_12 : vector<1024x1024xf32>
    %broadcast_in_dim3A_14 = vector.shape_cast %reduce_sum3A_8 : vector<1024xf32> to vector<1x1024xf32>
    %add3A = vector.broadcast %broadcast_in_dim3A_14 : vector<1x1024xf32> to vector<1024x1024xf32>
    %add3A_15 = arith.addf %sub3A_13, %add3A : vector<1024x1024xf32>
    %reduce_min3A = arith.constant dense<0x7F800000> : vector<1024xf32>
    %reduce_min3A_16 = vector.multi_reduction <minimumf>, %add3A_15, %reduce_min3A [1] : vector<1024x1024xf32> to vector<1024xf32>
    %broadcast_in_dim3A_17 = vector.shape_cast %reduce_min3A_16 : vector<1024xf32> to vector<1024x1xf32>
    %iota3A = tpu.iota {dimensions = array<i32: 1>} : vector<1024x1024xi32>
    %convert_element_type3A = arith.sitofp %iota3A : vector<1024x1024xi32> to vector<1024x1024xf32>
    %eq3A = vector.broadcast %broadcast_in_dim3A_17 : vector<1024x1xf32> to vector<1024x1024xf32>
    %eq3A_18 = arith.cmpf oeq, %add3A_15, %eq3A : vector<1024x1024xf32>
    %jit3A = arith.constant 1.024000e+03 : f32
    %broadcast_in_dim3A_19 = vector.broadcast %jit3A : f32 to vector<1024x1024xf32>
    %select_n3A = arith.select %eq3A_18, %convert_element_type3A, %broadcast_in_dim3A_19 : vector<1024x1024xi1>, vector<1024x1024xf32>
    %reduce_min3A_20 = arith.constant dense<0x7F800000> : vector<1024xf32>
    %reduce_min3A_21 = vector.multi_reduction <minimumf>, %select_n3A, %reduce_min3A_20 [1] : vector<1024x1024xf32> to vector<1024xf32>
    %convert_element_type3A_22 = arith.fptosi %reduce_min3A_21 : vector<1024xf32> to vector<1024xi32>
    %swap3A = arith.constant 0 : index
    %swap3A_23 = vector.load %arg4[%swap3A] : memref<1024xi32, #tpu.memory_space<vmem>>, vector<1024xi32>
    tpu.vector_store %arg4[%swap3A], %convert_element_type3A_22 {strides = array<i32>} : memref<1024xi32, #tpu.memory_space<vmem>>, vector<1024xi32>,
    %reduce_sum3A_24 = vector.shape_cast %broadcast_in_dim3A_17 : vector<1024x1xf32> to vector<1x1024x1xf32>
    %reduce_sum3A_25 = arith.constant dense<0.000000e+00> : vector<1xf32>
    %reduce_sum3A_26 = vector.multi_reduction <add>, %reduce_sum3A_24, %reduce_sum3A_25 [1, 2] : vector<1x1024x1xf32> to vector<1xf32>
    %reduce_sum3A_27 = vector.shape_cast %reduce_sum3A_26 : vector<1xf32> to vector<1x1x1xf32>
    %reduce_sum3A_28 = vector.extract %reduce_sum3A_27[0, 0, 0] : f32 from vector<1x1x1xf32>
    %broadcast_in_dim3A_29 = vector.broadcast %reduce_sum3A_28 : f32 to vector<1x1xf32>
    %eq3A_30 = arith.constant 0 : i32
    %eq3A_31 = arith.cmpi eq, %arg0, %eq3A_30 : i32
    %convert_element_type3A_32 = arith.extui %eq3A_31 : i1 to i32
    %cond3A = arith.constant 0 : i32
    %cond3A_33 = arith.cmpi ne, %convert_element_type3A_32, %cond3A : i32
    scf.if %cond3A_33 {
      %get3A_38 = arith.constant 0 : index
      %get3A_39 = arith.constant 0 : index
      %get3A_40 = vector.load %arg3[%get3A_38, %get3A_39] : memref<1x1xf32, #tpu.memory_space<vmem>>, vector<1x1xf32>
      %add3A_41 = arith.addf %get3A_40, %broadcast_in_dim3A_29 : vector<1x1xf32>
      %swap3A_42 = arith.constant 0 : index
      %swap3A_43 = arith.constant 0 : index
      %swap3A_44 = vector.load %arg5[%swap3A_42, %swap3A_43] : memref<1x1xf32, #tpu.memory_space<vmem>>, vector<1x1xf32>
      tpu.vector_store %arg5[%swap3A_42, %swap3A_43], %add3A_41 {strides = array<i32>} : memref<1x1xf32, #tpu.memory_space<vmem>>, vector<1x1xf32>,
    } else {
    }
    %gt3A = arith.constant 0 : i32
    %gt3A_34 = arith.cmpi sgt, %arg0, %gt3A : i32
    %convert_element_type3A_35 = arith.extui %gt3A_34 : i1 to i32
    %cond3A_36 = arith.constant 0 : i32
    %cond3A_37 = arith.cmpi ne, %convert_element_type3A_35, %cond3A_36 : i32
    scf.if %cond3A_37 {
      %get3A_38 = arith.constant 0 : index
      %get3A_39 = arith.constant 0 : index
      %get3A_40 = vector.load %arg5[%get3A_38, %get3A_39] : memref<1x1xf32, #tpu.memory_space<vmem>>, vector<1x1xf32>
      %add3A_41 = arith.addf %get3A_40, %broadcast_in_dim3A_29 : vector<1x1xf32>
      %swap3A_42 = arith.constant 0 : index
      %swap3A_43 = arith.constant 0 : index
      %swap3A_44 = vector.load %arg5[%swap3A_42, %swap3A_43] : memref<1x1xf32, #tpu.memory_space<vmem>>, vector<1x1xf32>
      tpu.vector_store %arg5[%swap3A_42, %swap3A_43], %add3A_41 {strides = array<i32>} : memref<1x1xf32, #tpu.memory_space<vmem>>, vector<1x1xf32>,
    } else {
    }
    return
  }
  func.func @transform_0(%arg0: i32) -> (i32, i32) {
    %add3A = arith.constant 8 : i32
    %add3A_0 = arith.addi %arg0, %add3A : i32
    %c0_i32 = arith.constant 0 : i32
    %c0_i32_1 = arith.constant 0 : i32
    return %add3A_0, %c0_i32 : i32, i32
  }
  func.func @transform_1(%arg0: i32) -> (i32, i32) {
    %c0_i32 = arith.constant 0 : i32
    %c0_i32_0 = arith.constant 0 : i32
    %c0_i32_1 = arith.constant 0 : i32
    return %c0_i32, %c0_i32_0 : i32, i32
  }
  func.func @transform_2(%arg0: i32) -> (i32, i32) {
    %c0_i32 = arith.constant 0 : i32
    %c0_i32_0 = arith.constant 0 : i32
    %c0_i32_1 = arith.constant 0 : i32
    return %c0_i32, %c0_i32_0 : i32, i32
  }
  func.func @transform_3(%arg0: i32) -> i32 {
    %c0_i32 = arith.constant 0 : i32
    return %arg0 : i32
  }
  func.func @transform_4(%arg0: i32) -> (i32, i32) {
    %c0_i32 = arith.constant 0 : i32
    %c0_i32_0 = arith.constant 0 : i32
    %c0_i32_1 = arith.constant 0 : i32
    return %c0_i32, %c0_i32_0 : i32, i32
  }
}

module attributes {stable_mosaic.version = 14 : i64} {
  func.func @_vq_tc_body(%arg0: i32, %arg1: memref<1024x64xf32, #tpu.memory_space<vmem>>, %arg2: memref<1024x64xf32, #tpu.memory_space<vmem>>, %arg3: memref<1024xi32, #tpu.memory_space<vmem>>, %arg4: memref<1x1xf32, #tpu.memory_space<vmem>>, %arg5: memref<1024x128xf32, #tpu.memory_space<vmem>>) attributes {dimension_semantics = [#tpu.dimension_semantics<arbitrary>], iteration_bounds = array<i64: 8>, scalar_prefetch = 0 : i64, scratch_operands = 0 : i64, tpu.core_type = #tpu.core_type<tc>, window_params = [{transform_indices = @transform_0, window_bounds = array<i64: 1024, 64>}, {pipeline_mode = #tpu.pipeline_mode<synchronous>, transform_indices = @transform_1, window_bounds = array<i64: 1024, 64>}, {transform_indices = @transform_2, window_bounds = array<i64: 1024>}, {pipeline_mode = #tpu.pipeline_mode<synchronous>, transform_indices = @transform_3, window_bounds = array<i64: 1, 1>}, {pipeline_mode = #tpu.pipeline_mode<synchronous>, transform_indices = @transform_4, window_bounds = array<i64: 1024, 128>}]} {
    %get3A = arith.constant 0 : index
    %get3A_0 = arith.constant 0 : index
    %get3A_1 = vector.load %arg1[%get3A, %get3A_0] : memref<1024x64xf32, #tpu.memory_space<vmem>>, vector<1024x64xf32>
    %get3A_2 = arith.constant 0 : index
    %get3A_3 = arith.constant 0 : index
    %get3A_4 = vector.load %arg2[%get3A_2, %get3A_3] : memref<1024x64xf32, #tpu.memory_space<vmem>>, vector<1024x64xf32>
    %mul3A = arith.mulf %get3A_1, %get3A_1 : vector<1024x64xf32>
    %reduce_sum3A = arith.constant dense<0.000000e+00> : vector<1024xf32>
    %reduce_sum3A_5 = vector.multi_reduction <add>, %mul3A, %reduce_sum3A [1] : vector<1024x64xf32> to vector<1024xf32>
    %broadcast_in_dim3A = vector.shape_cast %reduce_sum3A_5 : vector<1024xf32> to vector<1024x1xf32>
    %mul3A_6 = arith.mulf %get3A_4, %get3A_4 : vector<1024x64xf32>
    %reduce_sum3A_7 = arith.constant dense<0.000000e+00> : vector<1024xf32>
    %reduce_sum3A_8 = vector.multi_reduction <add>, %mul3A_6, %reduce_sum3A_7 [1] : vector<1024x64xf32> to vector<1024xf32>
    %dot_general3A = arith.constant dense<0.000000e+00> : vector<1024x1024xf32>
    %dot_general3A_9 = tpu.matmul %get3A_1, %get3A_4, %dot_general3A {dimension_numbers = #tpu.dot_dimension_numbers<[1], [1], [0], [0], [0, 0, 1, 0], [], []>, transpose_lhs_hint = false} : vector<1024x64xf32>, vector<1024x64xf32>, vector<1024x1024xf32> -> vector<1024x1024xf32>
    %mul3A_10 = arith.constant 2.000000e+00 : f32
    %mul3A_11 = vector.broadcast %mul3A_10 : f32 to vector<1024x1024xf32>
    %mul3A_12 = arith.mulf %mul3A_11, %dot_general3A_9 : vector<1024x1024xf32>
    %sub3A = vector.broadcast %broadcast_in_dim3A : vector<1024x1xf32> to vector<1024x1024xf32>
    %sub3A_13 = arith.subf %sub3A, %mul3A_12 : vector<1024x1024xf32>
    %broadcast_in_dim3A_14 = vector.shape_cast %reduce_sum3A_8 : vector<1024xf32> to vector<1x1024xf32>
    %add3A = vector.broadcast %broadcast_in_dim3A_14 : vector<1x1024xf32> to vector<1024x1024xf32>
    %add3A_15 = arith.addf %sub3A_13, %add3A : vector<1024x1024xf32>
    %reduce_min3A = arith.constant dense<0x7F800000> : vector<1024xf32>
    %reduce_min3A_16 = vector.multi_reduction <minimumf>, %add3A_15, %reduce_min3A [1] : vector<1024x1024xf32> to vector<1024xf32>
    %broadcast_in_dim3A_17 = vector.shape_cast %reduce_min3A_16 : vector<1024xf32> to vector<1024x1xf32>
    %iota3A = tpu.iota {dimensions = array<i32: 1>} : vector<1024x1024xi32>
    %convert_element_type3A = arith.sitofp %iota3A : vector<1024x1024xi32> to vector<1024x1024xf32>
    %eq3A = vector.broadcast %broadcast_in_dim3A_17 : vector<1024x1xf32> to vector<1024x1024xf32>
    %eq3A_18 = arith.cmpf oeq, %add3A_15, %eq3A : vector<1024x1024xf32>
    %jit3A = arith.constant 1.024000e+03 : f32
    %broadcast_in_dim3A_19 = vector.broadcast %jit3A : f32 to vector<1024x1024xf32>
    %select_n3A = arith.select %eq3A_18, %convert_element_type3A, %broadcast_in_dim3A_19 : vector<1024x1024xi1>, vector<1024x1024xf32>
    %reduce_min3A_20 = arith.constant dense<0x7F800000> : vector<1024xf32>
    %reduce_min3A_21 = vector.multi_reduction <minimumf>, %select_n3A, %reduce_min3A_20 [1] : vector<1024x1024xf32> to vector<1024xf32>
    %convert_element_type3A_22 = arith.fptosi %reduce_min3A_21 : vector<1024xf32> to vector<1024xi32>
    %swap3A = arith.constant 0 : index
    %swap3A_23 = vector.load %arg3[%swap3A] : memref<1024xi32, #tpu.memory_space<vmem>>, vector<1024xi32>
    tpu.vector_store %arg3[%swap3A], %convert_element_type3A_22 {strides = array<i32>} : memref<1024xi32, #tpu.memory_space<vmem>>, vector<1024xi32>,
    %reduce_sum3A_24 = vector.shape_cast %broadcast_in_dim3A_17 : vector<1024x1xf32> to vector<1x1024x1xf32>
    %reduce_sum3A_25 = arith.constant dense<0.000000e+00> : vector<1xf32>
    %reduce_sum3A_26 = vector.multi_reduction <add>, %reduce_sum3A_24, %reduce_sum3A_25 [1, 2] : vector<1x1024x1xf32> to vector<1xf32>
    %reduce_sum3A_27 = vector.shape_cast %reduce_sum3A_26 : vector<1xf32> to vector<1x1x1xf32>
    %reduce_sum3A_28 = vector.extract %reduce_sum3A_27[0, 0, 0] : f32 from vector<1x1x1xf32>
    %broadcast_in_dim3A_29 = vector.broadcast %reduce_sum3A_28 : f32 to vector<1x1xf32>
    %eq3A_30 = arith.constant 0 : i32
    %eq3A_31 = arith.cmpi eq, %arg0, %eq3A_30 : i32
    %convert_element_type3A_32 = arith.extui %eq3A_31 : i1 to i32
    %cond3A = arith.constant 0 : i32
    %cond3A_33 = arith.cmpi ne, %convert_element_type3A_32, %cond3A : i32
    scf.if %cond3A_33 {
      %swap3A_38 = arith.constant 0 : index
      %swap3A_39 = arith.constant 0 : index
      %swap3A_40 = vector.load %arg4[%swap3A_38, %swap3A_39] : memref<1x1xf32, #tpu.memory_space<vmem>>, vector<1x1xf32>
      tpu.vector_store %arg4[%swap3A_38, %swap3A_39], %broadcast_in_dim3A_29 {strides = array<i32>} : memref<1x1xf32, #tpu.memory_space<vmem>>, vector<1x1xf32>,
      %broadcast_in_dim3A_41 = arith.constant 0.000000e+00 : f32
      %broadcast_in_dim3A_42 = vector.broadcast %broadcast_in_dim3A_41 : f32 to vector<1024x64xf32>
      %concatenate3A = tpu.concatenate %get3A_4, %broadcast_in_dim3A_42 in 1 : vector<1024x64xf32>, vector<1024x64xf32> -> vector<1024x128xf32>
      %swap3A_43 = arith.constant 0 : index
      %swap3A_44 = arith.constant 0 : index
      %swap3A_45 = vector.load %arg5[%swap3A_43, %swap3A_44] : memref<1024x128xf32, #tpu.memory_space<vmem>>, vector<1024x128xf32>
      tpu.vector_store %arg5[%swap3A_43, %swap3A_44], %concatenate3A {strides = array<i32>} : memref<1024x128xf32, #tpu.memory_space<vmem>>, vector<1024x128xf32>,
    } else {
    }
    %gt3A = arith.constant 0 : i32
    %gt3A_34 = arith.cmpi sgt, %arg0, %gt3A : i32
    %convert_element_type3A_35 = arith.extui %gt3A_34 : i1 to i32
    %cond3A_36 = arith.constant 0 : i32
    %cond3A_37 = arith.cmpi ne, %convert_element_type3A_35, %cond3A_36 : i32
    scf.if %cond3A_37 {
      %get3A_38 = arith.constant 0 : index
      %get3A_39 = arith.constant 0 : index
      %get3A_40 = vector.load %arg4[%get3A_38, %get3A_39] : memref<1x1xf32, #tpu.memory_space<vmem>>, vector<1x1xf32>
      %add3A_41 = arith.addf %get3A_40, %broadcast_in_dim3A_29 : vector<1x1xf32>
      %swap3A_42 = arith.constant 0 : index
      %swap3A_43 = arith.constant 0 : index
      %swap3A_44 = vector.load %arg4[%swap3A_42, %swap3A_43] : memref<1x1xf32, #tpu.memory_space<vmem>>, vector<1x1xf32>
      tpu.vector_store %arg4[%swap3A_42, %swap3A_43], %add3A_41 {strides = array<i32>} : memref<1x1xf32, #tpu.memory_space<vmem>>, vector<1x1xf32>,
    } else {
    }
    return
  }
  func.func @transform_0(%arg0: i32) -> (i32, i32) {
    %add3A = arith.constant 0 : i32
    %add3A_0 = arith.addi %arg0, %add3A : i32
    %c0_i32 = arith.constant 0 : i32
    %c0_i32_1 = arith.constant 0 : i32
    return %add3A_0, %c0_i32 : i32, i32
  }
  func.func @transform_1(%arg0: i32) -> (i32, i32) {
    %c0_i32 = arith.constant 0 : i32
    %c0_i32_0 = arith.constant 0 : i32
    %c0_i32_1 = arith.constant 0 : i32
    return %c0_i32, %c0_i32_0 : i32, i32
  }
  func.func @transform_2(%arg0: i32) -> i32 {
    %c0_i32 = arith.constant 0 : i32
    return %arg0 : i32
  }
  func.func @transform_3(%arg0: i32) -> (i32, i32) {
    %c0_i32 = arith.constant 0 : i32
    %c0_i32_0 = arith.constant 0 : i32
    %c0_i32_1 = arith.constant 0 : i32
    return %c0_i32, %c0_i32_0 : i32, i32
  }
  func.func @transform_4(%arg0: i32) -> (i32, i32) {
    %c0_i32 = arith.constant 0 : i32
    %c0_i32_0 = arith.constant 0 : i32
    %c0_i32_1 = arith.constant 0 : i32
    return %c0_i32, %c0_i32_0 : i32, i32
  }
}

module attributes {stable_mosaic.version = 14 : i64} {
  func.func @_vq_tc_body(%arg0: i32, %arg1: memref<1024x64xf32, #tpu.memory_space<vmem>>, %arg2: memref<1024x64xf32, #tpu.memory_space<vmem>>, %arg3: memref<1x1xf32, #tpu.memory_space<vmem>>, %arg4: memref<1024xi32, #tpu.memory_space<vmem>>, %arg5: memref<1x1xf32, #tpu.memory_space<vmem>>) attributes {dimension_semantics = [#tpu.dimension_semantics<arbitrary>], iteration_bounds = array<i64: 8>, scalar_prefetch = 0 : i64, scratch_operands = 0 : i64, tpu.core_type = #tpu.core_type<tc>, window_params = [{transform_indices = @transform_0, window_bounds = array<i64: 1024, 64>}, {pipeline_mode = #tpu.pipeline_mode<synchronous>, transform_indices = @transform_1, window_bounds = array<i64: 1024, 64>}, {pipeline_mode = #tpu.pipeline_mode<synchronous>, transform_indices = @transform_2, window_bounds = array<i64: 1, 1>}, {transform_indices = @transform_3, window_bounds = array<i64: 1024>}, {pipeline_mode = #tpu.pipeline_mode<synchronous>, transform_indices = @transform_4, window_bounds = array<i64: 1, 1>}]} {
    %get3A = arith.constant 0 : index
    %get3A_0 = arith.constant 0 : index
    %get3A_1 = vector.load %arg1[%get3A, %get3A_0] : memref<1024x64xf32, #tpu.memory_space<vmem>>, vector<1024x64xf32>
    %get3A_2 = arith.constant 0 : index
    %get3A_3 = arith.constant 0 : index
    %get3A_4 = vector.load %arg2[%get3A_2, %get3A_3] : memref<1024x64xf32, #tpu.memory_space<vmem>>, vector<1024x64xf32>
    %mul3A = arith.mulf %get3A_1, %get3A_1 : vector<1024x64xf32>
    %reduce_sum3A = arith.constant dense<0.000000e+00> : vector<1024xf32>
    %reduce_sum3A_5 = vector.multi_reduction <add>, %mul3A, %reduce_sum3A [1] : vector<1024x64xf32> to vector<1024xf32>
    %broadcast_in_dim3A = vector.shape_cast %reduce_sum3A_5 : vector<1024xf32> to vector<1024x1xf32>
    %mul3A_6 = arith.mulf %get3A_4, %get3A_4 : vector<1024x64xf32>
    %reduce_sum3A_7 = arith.constant dense<0.000000e+00> : vector<1024xf32>
    %reduce_sum3A_8 = vector.multi_reduction <add>, %mul3A_6, %reduce_sum3A_7 [1] : vector<1024x64xf32> to vector<1024xf32>
    %dot_general3A = arith.constant dense<0.000000e+00> : vector<1024x1024xf32>
    %dot_general3A_9 = tpu.matmul %get3A_1, %get3A_4, %dot_general3A {dimension_numbers = #tpu.dot_dimension_numbers<[1], [1], [0], [0], [0, 0, 1, 0], [], []>, transpose_lhs_hint = false} : vector<1024x64xf32>, vector<1024x64xf32>, vector<1024x1024xf32> -> vector<1024x1024xf32>
    %mul3A_10 = arith.constant 2.000000e+00 : f32
    %mul3A_11 = vector.broadcast %mul3A_10 : f32 to vector<1024x1024xf32>
    %mul3A_12 = arith.mulf %mul3A_11, %dot_general3A_9 : vector<1024x1024xf32>
    %sub3A = vector.broadcast %broadcast_in_dim3A : vector<1024x1xf32> to vector<1024x1024xf32>
    %sub3A_13 = arith.subf %sub3A, %mul3A_12 : vector<1024x1024xf32>
    %broadcast_in_dim3A_14 = vector.shape_cast %reduce_sum3A_8 : vector<1024xf32> to vector<1x1024xf32>
    %add3A = vector.broadcast %broadcast_in_dim3A_14 : vector<1x1024xf32> to vector<1024x1024xf32>
    %add3A_15 = arith.addf %sub3A_13, %add3A : vector<1024x1024xf32>
    %reduce_min3A = arith.constant dense<0x7F800000> : vector<1024xf32>
    %reduce_min3A_16 = vector.multi_reduction <minimumf>, %add3A_15, %reduce_min3A [1] : vector<1024x1024xf32> to vector<1024xf32>
    %broadcast_in_dim3A_17 = vector.shape_cast %reduce_min3A_16 : vector<1024xf32> to vector<1024x1xf32>
    %iota3A = tpu.iota {dimensions = array<i32: 1>} : vector<1024x1024xi32>
    %convert_element_type3A = arith.sitofp %iota3A : vector<1024x1024xi32> to vector<1024x1024xf32>
    %eq3A = vector.broadcast %broadcast_in_dim3A_17 : vector<1024x1xf32> to vector<1024x1024xf32>
    %eq3A_18 = arith.cmpf oeq, %add3A_15, %eq3A : vector<1024x1024xf32>
    %jit3A = arith.constant 1.024000e+03 : f32
    %broadcast_in_dim3A_19 = vector.broadcast %jit3A : f32 to vector<1024x1024xf32>
    %select_n3A = arith.select %eq3A_18, %convert_element_type3A, %broadcast_in_dim3A_19 : vector<1024x1024xi1>, vector<1024x1024xf32>
    %reduce_min3A_20 = arith.constant dense<0x7F800000> : vector<1024xf32>
    %reduce_min3A_21 = vector.multi_reduction <minimumf>, %select_n3A, %reduce_min3A_20 [1] : vector<1024x1024xf32> to vector<1024xf32>
    %convert_element_type3A_22 = arith.fptosi %reduce_min3A_21 : vector<1024xf32> to vector<1024xi32>
    %swap3A = arith.constant 0 : index
    %swap3A_23 = vector.load %arg4[%swap3A] : memref<1024xi32, #tpu.memory_space<vmem>>, vector<1024xi32>
    tpu.vector_store %arg4[%swap3A], %convert_element_type3A_22 {strides = array<i32>} : memref<1024xi32, #tpu.memory_space<vmem>>, vector<1024xi32>,
    %reduce_sum3A_24 = vector.shape_cast %broadcast_in_dim3A_17 : vector<1024x1xf32> to vector<1x1024x1xf32>
    %reduce_sum3A_25 = arith.constant dense<0.000000e+00> : vector<1xf32>
    %reduce_sum3A_26 = vector.multi_reduction <add>, %reduce_sum3A_24, %reduce_sum3A_25 [1, 2] : vector<1x1024x1xf32> to vector<1xf32>
    %reduce_sum3A_27 = vector.shape_cast %reduce_sum3A_26 : vector<1xf32> to vector<1x1x1xf32>
    %reduce_sum3A_28 = vector.extract %reduce_sum3A_27[0, 0, 0] : f32 from vector<1x1x1xf32>
    %broadcast_in_dim3A_29 = vector.broadcast %reduce_sum3A_28 : f32 to vector<1x1xf32>
    %eq3A_30 = arith.constant 0 : i32
    %eq3A_31 = arith.cmpi eq, %arg0, %eq3A_30 : i32
    %convert_element_type3A_32 = arith.extui %eq3A_31 : i1 to i32
    %cond3A = arith.constant 0 : i32
    %cond3A_33 = arith.cmpi ne, %convert_element_type3A_32, %cond3A : i32
    scf.if %cond3A_33 {
      %get3A_38 = arith.constant 0 : index
      %get3A_39 = arith.constant 0 : index
      %get3A_40 = vector.load %arg3[%get3A_38, %get3A_39] : memref<1x1xf32, #tpu.memory_space<vmem>>, vector<1x1xf32>
      %add3A_41 = arith.addf %get3A_40, %broadcast_in_dim3A_29 : vector<1x1xf32>
      %swap3A_42 = arith.constant 0 : index
      %swap3A_43 = arith.constant 0 : index
      %swap3A_44 = vector.load %arg5[%swap3A_42, %swap3A_43] : memref<1x1xf32, #tpu.memory_space<vmem>>, vector<1x1xf32>
      tpu.vector_store %arg5[%swap3A_42, %swap3A_43], %add3A_41 {strides = array<i32>} : memref<1x1xf32, #tpu.memory_space<vmem>>, vector<1x1xf32>,
    } else {
    }
    %gt3A = arith.constant 0 : i32
    %gt3A_34 = arith.cmpi sgt, %arg0, %gt3A : i32
    %convert_element_type3A_35 = arith.extui %gt3A_34 : i1 to i32
    %cond3A_36 = arith.constant 0 : i32
    %cond3A_37 = arith.cmpi ne, %convert_element_type3A_35, %cond3A_36 : i32
    scf.if %cond3A_37 {
      %get3A_38 = arith.constant 0 : index
      %get3A_39 = arith.constant 0 : index
      %get3A_40 = vector.load %arg5[%get3A_38, %get3A_39] : memref<1x1xf32, #tpu.memory_space<vmem>>, vector<1x1xf32>
      %add3A_41 = arith.addf %get3A_40, %broadcast_in_dim3A_29 : vector<1x1xf32>
      %swap3A_42 = arith.constant 0 : index
      %swap3A_43 = arith.constant 0 : index
      %swap3A_44 = vector.load %arg5[%swap3A_42, %swap3A_43] : memref<1x1xf32, #tpu.memory_space<vmem>>, vector<1x1xf32>
      tpu.vector_store %arg5[%swap3A_42, %swap3A_43], %add3A_41 {strides = array<i32>} : memref<1x1xf32, #tpu.memory_space<vmem>>, vector<1x1xf32>,
    } else {
    }
    return
  }
  func.func @transform_0(%arg0: i32) -> (i32, i32) {
    %add3A = arith.constant 16 : i32
    %add3A_0 = arith.addi %arg0, %add3A : i32
    %c0_i32 = arith.constant 0 : i32
    %c0_i32_1 = arith.constant 0 : i32
    return %add3A_0, %c0_i32 : i32, i32
  }
  func.func @transform_1(%arg0: i32) -> (i32, i32) {
    %c0_i32 = arith.constant 0 : i32
    %c0_i32_0 = arith.constant 0 : i32
    %c0_i32_1 = arith.constant 0 : i32
    return %c0_i32, %c0_i32_0 : i32, i32
  }
  func.func @transform_2(%arg0: i32) -> (i32, i32) {
    %c0_i32 = arith.constant 0 : i32
    %c0_i32_0 = arith.constant 0 : i32
    %c0_i32_1 = arith.constant 0 : i32
    return %c0_i32, %c0_i32_0 : i32, i32
  }
  func.func @transform_3(%arg0: i32) -> i32 {
    %c0_i32 = arith.constant 0 : i32
    return %arg0 : i32
  }
  func.func @transform_4(%arg0: i32) -> (i32, i32) {
    %c0_i32 = arith.constant 0 : i32
    %c0_i32_0 = arith.constant 0 : i32
    %c0_i32_1 = arith.constant 0 : i32
    return %c0_i32, %c0_i32_0 : i32, i32
  }
}

module attributes {stable_mosaic.version = 14 : i64} {
  func.func @_vq_tc_body(%arg0: i32, %arg1: memref<1024x64xf32, #tpu.memory_space<vmem>>, %arg2: memref<1024x64xf32, #tpu.memory_space<vmem>>, %arg3: memref<1x1xf32, #tpu.memory_space<vmem>>, %arg4: memref<1024xi32, #tpu.memory_space<vmem>>, %arg5: memref<1x1xf32, #tpu.memory_space<vmem>>) attributes {dimension_semantics = [#tpu.dimension_semantics<arbitrary>], iteration_bounds = array<i64: 8>, scalar_prefetch = 0 : i64, scratch_operands = 0 : i64, tpu.core_type = #tpu.core_type<tc>, window_params = [{transform_indices = @transform_0, window_bounds = array<i64: 1024, 64>}, {pipeline_mode = #tpu.pipeline_mode<synchronous>, transform_indices = @transform_1, window_bounds = array<i64: 1024, 64>}, {pipeline_mode = #tpu.pipeline_mode<synchronous>, transform_indices = @transform_2, window_bounds = array<i64: 1, 1>}, {transform_indices = @transform_3, window_bounds = array<i64: 1024>}, {pipeline_mode = #tpu.pipeline_mode<synchronous>, transform_indices = @transform_4, window_bounds = array<i64: 1, 1>}]} {
    %get3A = arith.constant 0 : index
    %get3A_0 = arith.constant 0 : index
    %get3A_1 = vector.load %arg1[%get3A, %get3A_0] : memref<1024x64xf32, #tpu.memory_space<vmem>>, vector<1024x64xf32>
    %get3A_2 = arith.constant 0 : index
    %get3A_3 = arith.constant 0 : index
    %get3A_4 = vector.load %arg2[%get3A_2, %get3A_3] : memref<1024x64xf32, #tpu.memory_space<vmem>>, vector<1024x64xf32>
    %mul3A = arith.mulf %get3A_1, %get3A_1 : vector<1024x64xf32>
    %reduce_sum3A = arith.constant dense<0.000000e+00> : vector<1024xf32>
    %reduce_sum3A_5 = vector.multi_reduction <add>, %mul3A, %reduce_sum3A [1] : vector<1024x64xf32> to vector<1024xf32>
    %broadcast_in_dim3A = vector.shape_cast %reduce_sum3A_5 : vector<1024xf32> to vector<1024x1xf32>
    %mul3A_6 = arith.mulf %get3A_4, %get3A_4 : vector<1024x64xf32>
    %reduce_sum3A_7 = arith.constant dense<0.000000e+00> : vector<1024xf32>
    %reduce_sum3A_8 = vector.multi_reduction <add>, %mul3A_6, %reduce_sum3A_7 [1] : vector<1024x64xf32> to vector<1024xf32>
    %dot_general3A = arith.constant dense<0.000000e+00> : vector<1024x1024xf32>
    %dot_general3A_9 = tpu.matmul %get3A_1, %get3A_4, %dot_general3A {dimension_numbers = #tpu.dot_dimension_numbers<[1], [1], [0], [0], [0, 0, 1, 0], [], []>, transpose_lhs_hint = false} : vector<1024x64xf32>, vector<1024x64xf32>, vector<1024x1024xf32> -> vector<1024x1024xf32>
    %mul3A_10 = arith.constant 2.000000e+00 : f32
    %mul3A_11 = vector.broadcast %mul3A_10 : f32 to vector<1024x1024xf32>
    %mul3A_12 = arith.mulf %mul3A_11, %dot_general3A_9 : vector<1024x1024xf32>
    %sub3A = vector.broadcast %broadcast_in_dim3A : vector<1024x1xf32> to vector<1024x1024xf32>
    %sub3A_13 = arith.subf %sub3A, %mul3A_12 : vector<1024x1024xf32>
    %broadcast_in_dim3A_14 = vector.shape_cast %reduce_sum3A_8 : vector<1024xf32> to vector<1x1024xf32>
    %add3A = vector.broadcast %broadcast_in_dim3A_14 : vector<1x1024xf32> to vector<1024x1024xf32>
    %add3A_15 = arith.addf %sub3A_13, %add3A : vector<1024x1024xf32>
    %reduce_min3A = arith.constant dense<0x7F800000> : vector<1024xf32>
    %reduce_min3A_16 = vector.multi_reduction <minimumf>, %add3A_15, %reduce_min3A [1] : vector<1024x1024xf32> to vector<1024xf32>
    %broadcast_in_dim3A_17 = vector.shape_cast %reduce_min3A_16 : vector<1024xf32> to vector<1024x1xf32>
    %iota3A = tpu.iota {dimensions = array<i32: 1>} : vector<1024x1024xi32>
    %convert_element_type3A = arith.sitofp %iota3A : vector<1024x1024xi32> to vector<1024x1024xf32>
    %eq3A = vector.broadcast %broadcast_in_dim3A_17 : vector<1024x1xf32> to vector<1024x1024xf32>
    %eq3A_18 = arith.cmpf oeq, %add3A_15, %eq3A : vector<1024x1024xf32>
    %jit3A = arith.constant 1.024000e+03 : f32
    %broadcast_in_dim3A_19 = vector.broadcast %jit3A : f32 to vector<1024x1024xf32>
    %select_n3A = arith.select %eq3A_18, %convert_element_type3A, %broadcast_in_dim3A_19 : vector<1024x1024xi1>, vector<1024x1024xf32>
    %reduce_min3A_20 = arith.constant dense<0x7F800000> : vector<1024xf32>
    %reduce_min3A_21 = vector.multi_reduction <minimumf>, %select_n3A, %reduce_min3A_20 [1] : vector<1024x1024xf32> to vector<1024xf32>
    %convert_element_type3A_22 = arith.fptosi %reduce_min3A_21 : vector<1024xf32> to vector<1024xi32>
    %swap3A = arith.constant 0 : index
    %swap3A_23 = vector.load %arg4[%swap3A] : memref<1024xi32, #tpu.memory_space<vmem>>, vector<1024xi32>
    tpu.vector_store %arg4[%swap3A], %convert_element_type3A_22 {strides = array<i32>} : memref<1024xi32, #tpu.memory_space<vmem>>, vector<1024xi32>,
    %reduce_sum3A_24 = vector.shape_cast %broadcast_in_dim3A_17 : vector<1024x1xf32> to vector<1x1024x1xf32>
    %reduce_sum3A_25 = arith.constant dense<0.000000e+00> : vector<1xf32>
    %reduce_sum3A_26 = vector.multi_reduction <add>, %reduce_sum3A_24, %reduce_sum3A_25 [1, 2] : vector<1x1024x1xf32> to vector<1xf32>
    %reduce_sum3A_27 = vector.shape_cast %reduce_sum3A_26 : vector<1xf32> to vector<1x1x1xf32>
    %reduce_sum3A_28 = vector.extract %reduce_sum3A_27[0, 0, 0] : f32 from vector<1x1x1xf32>
    %broadcast_in_dim3A_29 = vector.broadcast %reduce_sum3A_28 : f32 to vector<1x1xf32>
    %eq3A_30 = arith.constant 0 : i32
    %eq3A_31 = arith.cmpi eq, %arg0, %eq3A_30 : i32
    %convert_element_type3A_32 = arith.extui %eq3A_31 : i1 to i32
    %cond3A = arith.constant 0 : i32
    %cond3A_33 = arith.cmpi ne, %convert_element_type3A_32, %cond3A : i32
    scf.if %cond3A_33 {
      %get3A_43 = arith.constant 0 : index
      %get3A_44 = arith.constant 0 : index
      %get3A_45 = vector.load %arg3[%get3A_43, %get3A_44] : memref<1x1xf32, #tpu.memory_space<vmem>>, vector<1x1xf32>
      %add3A_46 = arith.addf %get3A_45, %broadcast_in_dim3A_29 : vector<1x1xf32>
      %swap3A_47 = arith.constant 0 : index
      %swap3A_48 = arith.constant 0 : index
      %swap3A_49 = vector.load %arg5[%swap3A_47, %swap3A_48] : memref<1x1xf32, #tpu.memory_space<vmem>>, vector<1x1xf32>
      tpu.vector_store %arg5[%swap3A_47, %swap3A_48], %add3A_46 {strides = array<i32>} : memref<1x1xf32, #tpu.memory_space<vmem>>, vector<1x1xf32>,
    } else {
    }
    %gt3A = arith.constant 0 : i32
    %gt3A_34 = arith.cmpi sgt, %arg0, %gt3A : i32
    %convert_element_type3A_35 = arith.extui %gt3A_34 : i1 to i32
    %cond3A_36 = arith.constant 0 : i32
    %cond3A_37 = arith.cmpi ne, %convert_element_type3A_35, %cond3A_36 : i32
    scf.if %cond3A_37 {
      %get3A_43 = arith.constant 0 : index
      %get3A_44 = arith.constant 0 : index
      %get3A_45 = vector.load %arg5[%get3A_43, %get3A_44] : memref<1x1xf32, #tpu.memory_space<vmem>>, vector<1x1xf32>
      %add3A_46 = arith.addf %get3A_45, %broadcast_in_dim3A_29 : vector<1x1xf32>
      %swap3A_47 = arith.constant 0 : index
      %swap3A_48 = arith.constant 0 : index
      %swap3A_49 = vector.load %arg5[%swap3A_47, %swap3A_48] : memref<1x1xf32, #tpu.memory_space<vmem>>, vector<1x1xf32>
      tpu.vector_store %arg5[%swap3A_47, %swap3A_48], %add3A_46 {strides = array<i32>} : memref<1x1xf32, #tpu.memory_space<vmem>>, vector<1x1xf32>,
    } else {
    }
    %eq3A_38 = arith.constant 7 : i32
    %eq3A_39 = arith.cmpi eq, %arg0, %eq3A_38 : i32
    %convert_element_type3A_40 = arith.extui %eq3A_39 : i1 to i32
    %cond3A_41 = arith.constant 0 : i32
    %cond3A_42 = arith.cmpi ne, %convert_element_type3A_40, %cond3A_41 : i32
    scf.if %cond3A_42 {
      %get3A_43 = arith.constant 0 : index
      %get3A_44 = arith.constant 0 : index
      %get3A_45 = vector.load %arg5[%get3A_43, %get3A_44] : memref<1x1xf32, #tpu.memory_space<vmem>>, vector<1x1xf32>
      %mul3A_46 = arith.constant 4.76837158E-7 : f32
      %mul3A_47 = vector.broadcast %mul3A_46 : f32 to vector<1x1xf32>
      %mul3A_48 = arith.mulf %get3A_45, %mul3A_47 : vector<1x1xf32>
      %mul3A_49 = arith.constant 2.500000e-01 : f32
      %mul3A_50 = vector.broadcast %mul3A_49 : f32 to vector<1x1xf32>
      %mul3A_51 = arith.mulf %mul3A_50, %mul3A_48 : vector<1x1xf32>
      %add3A_52 = arith.addf %mul3A_48, %mul3A_51 : vector<1x1xf32>
      %swap3A_53 = arith.constant 0 : index
      %swap3A_54 = arith.constant 0 : index
      %swap3A_55 = vector.load %arg5[%swap3A_53, %swap3A_54] : memref<1x1xf32, #tpu.memory_space<vmem>>, vector<1x1xf32>
      tpu.vector_store %arg5[%swap3A_53, %swap3A_54], %add3A_52 {strides = array<i32>} : memref<1x1xf32, #tpu.memory_space<vmem>>, vector<1x1xf32>,
    } else {
    }
    return
  }
  func.func @transform_0(%arg0: i32) -> (i32, i32) {
    %add3A = arith.constant 24 : i32
    %add3A_0 = arith.addi %arg0, %add3A : i32
    %c0_i32 = arith.constant 0 : i32
    %c0_i32_1 = arith.constant 0 : i32
    return %add3A_0, %c0_i32 : i32, i32
  }
  func.func @transform_1(%arg0: i32) -> (i32, i32) {
    %c0_i32 = arith.constant 0 : i32
    %c0_i32_0 = arith.constant 0 : i32
    %c0_i32_1 = arith.constant 0 : i32
    return %c0_i32, %c0_i32_0 : i32, i32
  }
  func.func @transform_2(%arg0: i32) -> (i32, i32) {
    %c0_i32 = arith.constant 0 : i32
    %c0_i32_0 = arith.constant 0 : i32
    %c0_i32_1 = arith.constant 0 : i32
    return %c0_i32, %c0_i32_0 : i32, i32
  }
  func.func @transform_3(%arg0: i32) -> i32 {
    %c0_i32 = arith.constant 0 : i32
    return %arg0 : i32
  }
  func.func @transform_4(%arg0: i32) -> (i32, i32) {
    %c0_i32 = arith.constant 0 : i32
    %c0_i32_0 = arith.constant 0 : i32
    %c0_i32_1 = arith.constant 0 : i32
    return %c0_i32, %c0_i32_0 : i32, i32
  }
}

</mosaic_0001>

<sc_bundles>
// kernel: kernel.10.cloned.1.call-start
scs
__scs_entry_jumppad:
0x0: {  	(pc) =	sbr.rel $0x88, $3  }
0x1: {  	(tag) =	ssettag $0x0;
	lr =	simm.s32 $0x1  }
0x2: {  	[smem:$0x3F9F] =	sst lr;
	_ =	strace $0xD0000000  }
0x3: {  	_ = 	snop  }
0x4: {  	_ = 	snop  }
0x5: {  	_ = 	snop  }
0x6: {  	_ = 	snop  }
0x7: {  	_ = 	snop  }
__scs_overlays_trampoline_lowered:
0x8: {  	[smem:$0x3FAE] =	sst s0  }
0x9: {  	[smem:$0x3FAF] =	sst s1  }
0xa: {  	[smem:$0x3FB0] =	sst s2  }
0xb: {  	[smem:$0x3FB1] =	sst s3  }
0xc: {  	[smem:$0x3FB2] =	sst s4  }
0xd: {  	[smem:$0x3FB3] =	sst s5  }
0xe: {  	[smem:$0x3FB4] =	sst s6  }
0xf: {  	[smem:$0x3FB5] =	sst s7  }
0x10: {  	[smem:$0x3FB6] =	sst s8  }
0x11: {  	[smem:$0x3FB7] =	sst s9;
	s0 =	simm.s32 @!p0 $0x0  }
0x12: {  	s1 =	sld [smem:$0x3F9D];
	s0 =	simm.s32 @p0 $0x1  }
0x13: {  	[smem:$0x3FB8] =	sst s0;
	s0 =	simm.s32 @!p1 $0x0  }
0x14: {  	s2 =	sld [smem:$0x3F9C];
	s0 =	simm.s32 @p1 $0x1  }
0x15: {  	[smem:$0x3FB9] =	sst s0;
	s0 =	simm.s32 @!p2 $0x0  }
0x16: {  	s3 =	sld [smem:$0x3FDB];
	s0 =	simm.s32 @p2 $0x1  }
0x17: {  	s4 =	simm.s32 $0x1BF5;
	[smem:$0x3FBB] =	sst s0  }
0x18: {  	s0 =	sld [smem:$0x3F9E];
	_ =	swait.ge [sflag:s4], $0x0  }
0x19: {  	s7 =	sld [smem:$0x3F9F]  }
0x1a: {  	s8 =	sadd.s32 $0xFFFFE003, lr  }
0x1b: {  	s9 =	sadd.s32 $0xFFFFFEF7, lr;
	s5 =	simm.s32 $0xFFFFFFFF;
	p2 =	slt.u32 s8, $0xFFFFF086  }
0x1c: {  	p1 =	slt.u32 s9, $0xF7A;
	s5 =	simm.s32 @!p2 $0x0  }
0x1d: {  	s5 =	simm.s32 @p1 $0x1;
	p0 =	seq.s32 s7, s2  }
0x1e: {  	s7 =	smul.u32 @!p0 $0xF7A, s2;
	p2 =	seq.s32 @!p0 s5, $0x0  }
0x1f: {  	s9 =	smul.u32 $0xF7A, s1;
	s8 =	simm.s32 @!p0 $0x1BF5;
	p2 =	por !p2, p0  }
0x20: {  	[sflag:s8] =	ssyncset.s32 @!p0 $0xFFFFF086;
	s6 =	sadd.s32 @!p0 s3, s7;
	s7 =	simm.s32 @!p0 $0x108  }
0x21: {  	s3 =	sadd.s32 s3, s9;
	s6 =	sadd.s32 @!p0 $0x88, s6;
	s7 =	simm.s32 @p2 $0x1082  }
0x22: {  	[simem:s7], [sflag:s8] =	dma.local @!p0 [hbm:s6], $0xF7A  }
0x23: {  	s9 =	sor.u32 $0xD0000000, s2;
	s6 =	simm.s32 $0x108;
	_ =	swait.ge @!p0 [sflag:s8], $0x0  }
0x24: {  	s3 =	sadd.s32 $0x88, s3;
	s6 =	simm.s32 @!p1 $0x1082;
	[sflag:s4] =	ssyncset.s32 $0xFFFFF086  }
0x25: {  	[simem:s6], [sflag:s4] =	dma.local [hbm:s3], $0xF7A  }
0x26: {  	[smem:$0x3F9F] =	sst s1;
	(tag) =	ssettag s2;
	_ =	strace s9  }
0x27: {  	s1 =	sld [smem:$0x3FAF]  }
0x28: {  	s2 =	sld [smem:$0x3FB0]  }
0x29: {  	s4 =	sld [smem:$0x3FB2]  }
0x2a: {  	p0 =	seq.s32 s5, $0x0;
	s5 =	sld [smem:$0x3FB3]  }
0x2b: {  	s6 =	sld [smem:$0x3FB4]  }
0x2c: {  	s7 =	sld [smem:$0x3FB5]  }
0x2d: {  	s3 =	simm.s32 $0x108;
	s8 =	sld [smem:$0x3FB6]  }
0x2e: {  	s3 =	simm.s32 @!p0 $0x1082;
	s9 =	sld [smem:$0x3FB7]  }
0x2f: {  	lr =	sadd.s32 s0, s3;
	s0 =	sld [smem:$0x3FAE]  }
0x30: {  	s3 =	sld [smem:$0x3FB1]  }
0x31: {  	[smem:$0x3FBA] =	sst s10  }
0x32: {  	s10 =	sld [smem:$0x3FB8];
	_ =	sdelay $0x3  }
0x33: {  	p0 =	seq.s32 s10, $0x1;
	s10 =	sld [smem:$0x3FBA];
	_ =	sdelay $0x3  }
0x34: {  	[smem:$0x3FBA] =	sst s10  }
0x35: {  	s10 =	sld [smem:$0x3FB9];
	_ =	sdelay $0x3  }
0x36: {  	p1 =	seq.s32 s10, $0x1;
	s10 =	sld [smem:$0x3FBA];
	_ =	sdelay $0x3  }
0x37: {  	[smem:$0x3FBA] =	sst s10  }
0x38: {  	s10 =	sld [smem:$0x3FBB]  }
0x39: {  	_ = 	snop;
	(pc) =	sbr.ind lr, $3  }
0x3a: {  	_ = 	snop  }
0x3b: {  	_ = 	snop  }
0x3c: {  	p2 =	seq.s32 s10, $0x1;
	s10 =	sld [smem:$0x3FBA]  }
0x3d: {  	_ =	shalt  }
0x3e: {  	_ =	shalt  }
0x3f: {  	_ =	shalt  }
0x40: {  	_ =	shalt  }
0x41: {  	_ =	shalt  }
0x42: {  	_ =	shalt  }
0x43: {  	_ =	shalt  }
0x44: {  	_ =	shalt  }
0x45: {  	_ =	shalt  }
0x46: {  	_ =	shalt  }
0x47: {  	_ =	shalt  }
0x48: {  	_ =	shalt  }
0x49: {  	_ =	shalt  }
0x4a: {  	_ =	shalt  }
0x4b: {  	_ =	shalt  }
0x4c: {  	_ =	shalt  }
0x4d: {  	_ =	shalt  }
0x4e: {  	_ =	shalt  }
0x4f: {  	_ =	shalt  }
0x50: {  	_ =	shalt  }
0x51: {  	_ =	shalt  }
0x52: {  	_ =	shalt  }
0x53: {  	_ =	shalt  }
0x54: {  	_ =	shalt  }
0x55: {  	_ =	shalt  }
0x56: {  	_ =	shalt  }
0x57: {  	_ =	shalt  }
0x58: {  	_ =	shalt  }
0x59: {  	_ =	shalt  }
0x5a: {  	_ =	shalt  }
0x5b: {  	_ =	shalt  }
0x5c: {  	_ =	shalt  }
0x5d: {  	_ =	shalt  }
0x5e: {  	_ =	shalt  }
0x5f: {  	_ =	shalt  }
0x60: {  	_ =	shalt  }
0x61: {  	_ =	shalt  }
0x62: {  	_ =	shalt  }
0x63: {  	_ =	shalt  }
0x64: {  	_ =	shalt  }
0x65: {  	_ =	shalt  }
0x66: {  	_ =	shalt  }
0x67: {  	_ =	shalt  }
0x68: {  	_ =	shalt  }
0x69: {  	_ =	shalt  }
0x6a: {  	_ =	shalt  }
0x6b: {  	_ =	shalt  }
0x6c: {  	_ =	shalt  }
0x6d: {  	_ =	shalt  }
0x6e: {  	_ =	shalt  }
0x6f: {  	_ =	shalt  }
0x70: {  	_ =	shalt  }
0x71: {  	_ =	shalt  }
0x72: {  	_ =	shalt  }
0x73: {  	_ =	shalt  }
0x74: {  	_ =	shalt  }
0x75: {  	_ =	shalt  }
0x76: {  	_ =	shalt  }
0x77: {  	_ =	shalt  }
0x78: {  	_ =	shalt  }
0x79: {  	_ =	shalt  }
0x7a: {  	_ =	shalt  }
0x7b: {  	_ =	shalt  }
0x7c: {  	_ =	shalt  }
0x7d: {  	_ =	shalt  }
0x7e: {  	_ =	shalt  }
0x7f: {  	_ =	shalt  }
0x80: {  	_ =	shalt  }
0x81: {  	_ =	shalt  }
0x82: {  	_ =	shalt  }
0x83: {  	_ =	shalt  }
0x84: {  	_ =	shalt  }
0x85: {  	_ =	shalt  }
0x86: {  	_ =	shalt  }
0x87: {  	_ =	shalt  }
.Lfunc_end0:
.L_simem_size_0:
called_computation_lowered:
.L_overlay_start_0:
0x88: {  	s2 =	sld [smem:$0x3FD9]  }
0x89: {  	s3 =	sld [smem:$0x3FFE];
	_ =	sdelay $0x1  }
0x8a: {  	s1 =	srdreg.scid  }
0x8b: {  	s0 =	sand.u32 $0x1, s1  }
0x8c: {  	s14 =	sshll.u32 s0, $0xA;
	s2 =	sadd.s32 s3, s2  }
0x8d: {  	s2 =	sadd.s32 s2, s14  }
0x8e: {  	[smem:$0x3FC6] =	sst s2  }
0x8f: {  	_ = 	snop  }
0x90: {  	s2 =	sld [smem:$0x3FD0];
	_ =	sdelay $0x2  }
0x91: {  	s15 =	simm.s32 $0xA;
	s4 =	simm.s32 $0x10  }
0x92: {  	[smem:s4], [sflag:s15] =	dma.local [hbm:s2], $0x1  }
0x93: {  	_ =	swait.eq [sflag:s15], $0x1  }
0x94: {  	[sflag:s15] =	ssyncset.done $0x0  }
0x95: {  	[sflag:s15] =	ssyncadd.s32 $0xFFFFFFFF  }
0x96: {  	s16 =	sld [smem:$0x10];
	(tm) =	ssettm $0x1  }
0x97: {  	s17 =	sld [smem:$0x3FFB];
	_ =	sdelay $0x3  }
0x98: {  	_ =	strace s17  }
0x99: {  	s3 =	sld [smem:$0x3FFC];
	_ =	sdelay $0x3  }
0x9a: {  	_ =	strace s3  }
0x9b: {  	s3 =	sld [smem:$0x3FFD];
	_ =	sdelay $0x3  }
0x9c: {  	_ =	strace s3  }
0x9d: {  	_ =	strace $0x8FFFFFFF  }
0x9e: {  	s18 =	sld [smem:$0x3FDB];
	_ =	sdelay $0x1  }
0x9f: {  	s19 =	simm.s32 $_scs_section_size  }
0xa0: {  	s5 =	simm.s32 $_size__tile_overlayer_lowered;
	s6 =	simm.s32 $_tile_overlayer_lowered  }
0xa1: {  	s22 =	simm.s32 $0x1BFF;
	s21 =	sshll.u32 s6, $0x1;
	s3 =	sadd.s32 s19, s18  }
0xa2: {  	s7 =	simm.s32 $0x0;
	s20 =	sshll.u32 s5, $0x1;
	s5 =	sadd.s32 s21, s3  }
0xa3: {  	[timem:s7], [sflag:s22] =	dma.local [hbm:s5], s20  }
0xa4: {  	_ =	swait.ge [sflag:s22], s20  }
0xa5: {  	s4 =	ssub.s32 $0x0, s20;
	[sflag:s22] =	ssyncset.done $0x0  }
0xa6: {  	[sflag:s22] =	ssyncadd.s32 s4;
	_ =	sdelay $0x1  }
0xa7: {  	s23 =	simm.s32 $0x1B8B  }
0xa8: {  	_ =	swait.ge [sflag:s23], $0x1  }
0xa9: {  	[sflag:s23] =	ssyncset.done $0x0  }
0xaa: {  	s25 =	simm.s32 $0x1B8E;
	s24 =	sld [smem:$0x3FFE];
	[sflag:s23] =	ssyncadd.s32 $0xFFFFFFFF  }
0xab: {  	s26 =	simm.s32 $execute0_lowered;
	[smem:$0x3FD2] =	sst s25  }
0xac: {  	s5 =	sshll.u32 s26, $0x1;
	_ =	strace $0x80000046;
	[dreg:$0x1] =	wrdreg $0xFFFFFFFF  }
0xad: {  	s28 =	simm.s32 $_size_execute0_lowered;
	s3 =	sadd.s32 s3, s5;
	[dreg:$0x0] =	wrdreg $0x0  }
0xae: {  	s5 =	sshll.u32 s28, $0x1;
	[dreg:$0x2] =	wrdreg s3  }
0xaf: {  	[dreg:$0x3] =	wrdreg s5  }
0xb0: {  	[dreg:$0x4] =	wrdreg $0xC0  }
0xb1: {  	_ =	task [dreg:s7], $0x5FFFF  }
0xb2: {  	[dreg:$0x1] =	wrdreg $0xFFFFFFFF  }
0xb3: {  	[dreg:$0x0] =	wrdreg $0x60  }
0xb4: {  	[dreg:$0x2] =	wrdreg s16  }
0xb5: {  	[dreg:$0x3] =	wrdreg s24  }
0xb6: {  	[dreg:$0x4] =	wrdreg $0x9  }
0xb7: {  	_ =	task.clear_ibuf [dreg:s7], $0x5FFFF;
	_ =	strace $0x90000046  }
0xb8: {  	s29 =	simm.s32 $0x9;
	_ =	strace $0x80000048  }
0xb9: {  	_ =	swait.ge [sflag:s29], $0x1  }
0xba: {  	[sflag:s29] =	ssyncadd.s32 $0xFFFFFFFF  }
0xbb: {  	_ =	strace $0x90000048  }
0xbc: {  	_ =	sfence  }
0xbd: {  	s30 =	sld [smem:$0x0];
	_ =	sdelay $0x2  }
0xbe: {  	s31 =	sshll.u32 s1, $0xD;
	s1 =	sshrl.u32 s1, $0x2  }
0xbf: {  	s3 =	sand.u32 $0x4000, s31;
	s1 =	sadd.s32 s1, s30  }
0xc0: {  	s0 =	sor.u32 s3, s0;
	s1 =	sshll.u32 s1, $0x11  }
0xc1: {  	s0 =	sor.u32 s1, s0  }
0xc2: {  	s0 =	sadd.s32 $0x8F2B, s0  }
0xc3: {  	[sflag:s0] =	ssyncadd.remote.s32 $0x1  }
0xc4: {  	_ =	sfence.sel $0xFFFF  }
0xc5: {  	[dreg:$0x0] =	wrdreg $0xFFFFFFFF;
	(pc) =	sbr.abs _section_cstart, $3  }
0xc6: {  	[dreg:$0x1] =	wrdreg $0xFFFFFFFF  }
0xc7: {  	_ =	task.clear_ibuf [dreg:s7], $0x2FFFF;
	_ =	strace $0x9FFFFFFF  }
0xc8: {  	(tm) =	ssettm $0x7FFFFFFF  }
0xc9: {  	_ =	shalt  }
tec
execute0_lowered:
.L_overlay_start_1:
0x0: {  	(tag) =	ssettag $0x1  }
0x1: {  	s2 =	rddreg [dreg:$0x0]  }
0x2: {  	s4 =	rddreg [dreg:$0x1]  }
0x3: {  	s3 =	srdreg.scid;
	s0 =	rddreg [dreg:$0x2]  }
0x4: {  	s1 =	stileid.u32;
	s13 =	simm.s32 $0x8100;
	s14 =	simm.s32 $0x4100  }
0x5: {  	s15 =	simm.s32 $0xC100;
	s16 =	simm.s32 $0x1;
	s17 =	simm.s32 $0x3  }
0x6: {  	s18 =	simm.s32 $0x2;
	s19 =	simm.s32 $0x4;
	s20 =	simm.s32 $0x5  }
0x7: {  	s21 =	simm.s32 $0x6;
	s22 =	simm.s32 $0x0;
	s5 =	sand.u32 $0x1, s3  }
0x8: {  	s3 =	simm.s32 $0x0;
	s6 =	sshll.u32 s1, $0x9;
	s8 =	sadd.s32 $0x3400, s4  }
0x9: {  	s9 =	sadd.s32 $0x83800, s4;
	s7 =	sshll.u32 s5, $0x8;
	[smem:$0x7FF] =	sst s3  }
0xa: {  	s5 =	ssub.s32 $0x2, s5;
	s6 =	sor.u32 s7, s6;
	_ =	strace $0x80000047  }
0xb: {  	s31 =	sshrl.u32 s5, $0x1;
	s7 =	sshrl.u32 s6, $0x3;
	s10 =	sshll.u32 s6, $0x4  }
0xc: {  	s11 =	ssub.s32 s5, s31;
	s7 =	sadd.s32 s7, s4;
	s12 =	sor.u32 $0x800, s10  }
0xd: {  	s5 =	sadd.s32 s8, s10;
	s4 =	sadd.s32 $0x83400, s7;
	s6 =	sadd.s32 s8, s12  }
0xe: {  	s7 =	sadd.s32 s9, s10;
	s8 =	sadd.s32 s9, s12;
	s9 =	smax.u32 s11, $0x1  }
0xf: {  	s10 =	simm.s32 $0x7;
	s11 =	simm.s32 $0x80;
	s12 =	simm.s32 $0x100  }
.LBB2_1:
0x10: {  	[tilespmem:s3], [sflag:$0x7] =	stream.linear.gather [hbm4b:s4+s3], $0x100, $0x38;
	[tilespmem:$0x10100] =	vst v63  }
0x11: {  	_ =	swait.ge [sflag:s10], $0x100  }
0x12: {  	[sflag:s10] =	ssyncset.done $0x0  }
0x13: {  	[sflag:s10] =	ssyncadd.s32 $0xFFFFFF00  }
0x14: {  	[tilespmem:s12], [sflag:$0x1] =	stream.indirect.gather [hbm4b:s2+s11], $0x80, s3, s11, $0xb8;
	[tilespmem:$0x10100] =	vst v63  }
0x15: {  	_ = 	snop  }
0x16: {  	[tilespmem:s13], [sflag:$0x3] =	stream.linear.gather [hbm4b:s5+s3], $0x4000, $0x38;
	[tilespmem:$0x10100] =	vst v63  }
0x17: {  	_ = 	snop  }
0x18: {  	[tilespmem:s14], [sflag:$0x2] =	stream.indirect.gather [hbm4b:s2+s11], $0x80, s11, s11, $0xb8;
	[tilespmem:$0x10100] =	vst v63  }
0x19: {  	_ = 	snop  }
0x1a: {  	[tilespmem:s15], [sflag:$0x4] =	stream.linear.gather [hbm4b:s6+s3], $0x4000, $0x38;
	[tilespmem:$0x10100] =	vst v63  }
0x1b: {  	_ =	swait.ge [sflag:s16], $0x4000  }
0x1c: {  	[sflag:s16] =	ssyncset.done $0x0  }
0x1d: {  	[sflag:s16] =	ssyncadd.s32 $0xFFFFC000  }
0x1e: {  	_ =	swait.ge [sflag:s17], $0x4000  }
0x1f: {  	[sflag:s17] =	ssyncset.done $0x0  }
0x20: {  	s23 =	simm.s32 $0x0;
	[sflag:s17] =	ssyncadd.s32 $0xFFFFC000  }
0x21: {  	v6 =	vld [tilespmem:s23+$0x100]  }
0x22: {  	v13 =	vld [tilespmem:s23+$0x110]  }
0x23: {  	v5 =	vld [tilespmem:s23+$0x120]  }
0x24: {  	v4 =	vld [tilespmem:s23+$0x130]  }
0x25: {  	v3 =	vld [tilespmem:s23+$0x180]  }
0x26: {  	v2 =	vld [tilespmem:s23+$0x190]  }
0x27: {  	v1 =	vld [tilespmem:s23+$0x1A0]  }
0x28: {  	v0 =	vld [tilespmem:s23+$0x1B0]  }
0x29: {  	v12 =	vld [tilespmem:s23+$0x8100]  }
0x2a: {  	v11 =	vld [tilespmem:s23+$0x8110]  }
0x2b: {  	v10 =	vld [tilespmem:s23+$0x8120]  }
0x2c: {  	v9 =	vld [tilespmem:s23+$0x8130]  }
0x2d: {  	v8 =	vld [tilespmem:s23+$0x8180]  }
0x2e: {  	v7 =	vld [tilespmem:s23+$0x8190];
	v14 =	vsub.f32 v6, v12  }
0x2f: {  	s24 =	simm.s32 $0x400;
	v13 =	vsub.f32 v13, v11;
	v6 =	vld [tilespmem:s23+$0x81A0]  }
.LBB2_2:
0x30: {  	s25 =	sshra.s32 s24, $0x2;
	p0 =	sne.s32 s24, $0xFC00;
	v12 =	vadd.f32 v14, v12;
	v5 =	vsub.f32 v5, v10;
	v14 =	vld [tilespmem:s23+$0x81B0]  }
0x31: {  	v15 =	vld [tilespmem:s25+$0x100];
	v11 =	vadd.f32 v13, v11;
	v4 =	vsub.f32 v4, v9  }
0x32: {  	v13 =	vld [tilespmem:s25+$0x110];
	[tilespmem:s23+$0x8100] =	vst v12;
	v10 =	vadd.f32 v5, v10;
	v3 =	vsub.f32 v3, v8  }
0x33: {  	v5 =	vld [tilespmem:s25+$0x120];
	[tilespmem:s23+$0x8110] =	vst v11;
	v9 =	vadd.f32 v4, v9;
	v2 =	vsub.f32 v2, v7  }
0x34: {  	v4 =	vld [tilespmem:s25+$0x130];
	[tilespmem:s23+$0x8120] =	vst v10;
	v8 =	vadd.f32 v3, v8;
	v1 =	vsub.f32 v1, v6  }
0x35: {  	v3 =	vld [tilespmem:s25+$0x180];
	[tilespmem:s23+$0x8130] =	vst v9;
	v7 =	vadd.f32 v2, v7;
	v0 =	vsub.f32 v0, v14  }
0x36: {  	v2 =	vld [tilespmem:s25+$0x190];
	[tilespmem:s23+$0x8180] =	vst v8;
	v6 =	vadd.f32 v1, v6  }
0x37: {  	v1 =	vld [tilespmem:s25+$0x1A0];
	[tilespmem:s23+$0x8190] =	vst v7;
	v7 =	vadd.f32 v0, v14  }
0x38: {  	v0 =	vld [tilespmem:s25+$0x1B0];
	[tilespmem:s23+$0x81A0] =	vst v6  }
0x39: {  	v12 =	vld [tilespmem:s25+$0x8100];
	[tilespmem:s23+$0x81B0] =	vst v7;
	s23 =	smov.u32 s25  }
0x3a: {  	v11 =	vld [tilespmem:s23+$0x8110]  }
.Ltmp0:
0x3b: {  	v10 =	vld [tilespmem:s23+$0x8120];
	(pc) =	sbr.rel @p0 .LBB2_2-.Ltmp0, $4  }
0x3c: {  	v9 =	vld [tilespmem:s23+$0x8130]  }
0x3d: {  	v8 =	vld [tilespmem:s23+$0x8180]  }
0x3e: {  	v14 =	vsub.f32 v15, v12;
	v7 =	vld [tilespmem:s23+$0x8190]  }
0x3f: {  	s24 =	sadd.s32 $0x400, s24;
	v13 =	vsub.f32 v13, v11;
	v6 =	vld [tilespmem:s23+$0x81A0]  }
0x40: {  	v12 =	vadd.f32 v14, v12;
	v5 =	vsub.f32 v5, v10;
	v14 =	vld [tilespmem:s23+$0x81B0]  }
0x41: {  	v11 =	vadd.f32 v13, v11;
	v4 =	vsub.f32 v4, v9  }
0x42: {  	[tilespmem:s23+$0x8100] =	vst v12;
	v5 =	vadd.f32 v5, v10;
	v3 =	vsub.f32 v3, v8  }
0x43: {  	[tilespmem:s23+$0x8110] =	vst v11;
	v4 =	vadd.f32 v4, v9;
	v2 =	vsub.f32 v2, v7  }
0x44: {  	[tilespmem:s23+$0x8120] =	vst v5;
	v3 =	vadd.f32 v3, v8;
	v1 =	vsub.f32 v1, v6  }
0x45: {  	[tilespmem:s23+$0x8130] =	vst v4;
	v2 =	vadd.f32 v2, v7;
	v0 =	vsub.f32 v0, v14  }
0x46: {  	[tilespmem:s23+$0x8180] =	vst v3;
	v1 =	vadd.f32 v1, v6  }
0x47: {  	[tilespmem:s23+$0x8190] =	vst v2;
	v0 =	vadd.f32 v0, v14  }
0x48: {  	[tilespmem:s23+$0x81A0] =	vst v1  }
0x49: {  	s31 =	simm.s32 $0x0;
	[tilespmem:s23+$0x81B0] =	vst v0  }
0x4a: {  	[hbm4b:s7+s31] =	stream.linear.scatter [tilespmem:s13], [sflag:$0x5], $0x4000, $0x38;
	[tilespmem:$0x10100] =	vst v63  }
0x4b: {  	_ =	swait.ge [sflag:s18], $0x4000  }
0x4c: {  	[sflag:s18] =	ssyncset.done $0x0  }
0x4d: {  	[sflag:s18] =	ssyncadd.s32 $0xFFFFC000  }
0x4e: {  	_ =	swait.ge [sflag:s19], $0x4000  }
0x4f: {  	[sflag:s19] =	ssyncset.done $0x0  }
0x50: {  	s23 =	simm.s32 $0x0;
	[sflag:s19] =	ssyncadd.s32 $0xFFFFC000  }
0x51: {  	v6 =	vld [tilespmem:s23+$0x4100]  }
0x52: {  	v13 =	vld [tilespmem:s23+$0x4110]  }
0x53: {  	v5 =	vld [tilespmem:s23+$0x4120]  }
0x54: {  	v4 =	vld [tilespmem:s23+$0x4130]  }
0x55: {  	v3 =	vld [tilespmem:s23+$0x4180]  }
0x56: {  	v2 =	vld [tilespmem:s23+$0x4190]  }
0x57: {  	v1 =	vld [tilespmem:s23+$0x41A0]  }
0x58: {  	v0 =	vld [tilespmem:s23+$0x41B0]  }
0x59: {  	v12 =	vld [tilespmem:s23+$0xC100]  }
0x5a: {  	v11 =	vld [tilespmem:s23+$0xC110]  }
0x5b: {  	v10 =	vld [tilespmem:s23+$0xC120]  }
0x5c: {  	v9 =	vld [tilespmem:s23+$0xC130]  }
0x5d: {  	v8 =	vld [tilespmem:s23+$0xC180]  }
0x5e: {  	v7 =	vld [tilespmem:s23+$0xC190];
	v14 =	vsub.f32 v6, v12  }
0x5f: {  	s24 =	simm.s32 $0x400;
	v13 =	vsub.f32 v13, v11;
	v6 =	vld [tilespmem:s23+$0xC1A0]  }
.LBB2_4:
0x60: {  	s25 =	sshra.s32 s24, $0x2;
	p0 =	sne.s32 s24, $0xFC00;
	v12 =	vadd.f32 v14, v12;
	v5 =	vsub.f32 v5, v10;
	v14 =	vld [tilespmem:s23+$0xC1B0]  }
0x61: {  	v15 =	vld [tilespmem:s25+$0x4100];
	v11 =	vadd.f32 v13, v11;
	v4 =	vsub.f32 v4, v9  }
0x62: {  	v13 =	vld [tilespmem:s25+$0x4110];
	[tilespmem:s23+$0xC100] =	vst v12;
	v10 =	vadd.f32 v5, v10;
	v3 =	vsub.f32 v3, v8  }
0x63: {  	v5 =	vld [tilespmem:s25+$0x4120];
	[tilespmem:s23+$0xC110] =	vst v11;
	v9 =	vadd.f32 v4, v9;
	v2 =	vsub.f32 v2, v7  }
0x64: {  	v4 =	vld [tilespmem:s25+$0x4130];
	[tilespmem:s23+$0xC120] =	vst v10;
	v8 =	vadd.f32 v3, v8;
	v1 =	vsub.f32 v1, v6  }
0x65: {  	v3 =	vld [tilespmem:s25+$0x4180];
	[tilespmem:s23+$0xC130] =	vst v9;
	v7 =	vadd.f32 v2, v7;
	v0 =	vsub.f32 v0, v14  }
0x66: {  	v2 =	vld [tilespmem:s25+$0x4190];
	[tilespmem:s23+$0xC180] =	vst v8;
	v6 =	vadd.f32 v1, v6  }
0x67: {  	v1 =	vld [tilespmem:s25+$0x41A0];
	[tilespmem:s23+$0xC190] =	vst v7;
	v7 =	vadd.f32 v0, v14  }
0x68: {  	v0 =	vld [tilespmem:s25+$0x41B0];
	[tilespmem:s23+$0xC1A0] =	vst v6  }
0x69: {  	v12 =	vld [tilespmem:s25+$0xC100];
	[tilespmem:s23+$0xC1B0] =	vst v7;
	s23 =	smov.u32 s25  }
0x6a: {  	v11 =	vld [tilespmem:s23+$0xC110]  }
.Ltmp1:
0x6b: {  	v10 =	vld [tilespmem:s23+$0xC120];
	(pc) =	sbr.rel @p0 .LBB2_4-.Ltmp1, $4  }
0x6c: {  	v9 =	vld [tilespmem:s23+$0xC130]  }
0x6d: {  	v8 =	vld [tilespmem:s23+$0xC180]  }
0x6e: {  	v14 =	vsub.f32 v15, v12;
	v7 =	vld [tilespmem:s23+$0xC190]  }
0x6f: {  	s24 =	sadd.s32 $0x400, s24;
	v13 =	vsub.f32 v13, v11;
	v6 =	vld [tilespmem:s23+$0xC1A0]  }
0x70: {  	v12 =	vadd.f32 v14, v12;
	v5 =	vsub.f32 v5, v10;
	v63 =	vld [tilespmem:s23+$0xC1B0]  }
0x71: {  	v11 =	vadd.f32 v13, v11;
	v4 =	vsub.f32 v4, v9  }
0x72: {  	[tilespmem:s23+$0xC100] =	vst v12;
	v5 =	vadd.f32 v5, v10;
	v3 =	vsub.f32 v3, v8  }
0x73: {  	[tilespmem:s23+$0xC110] =	vst v11;
	v4 =	vadd.f32 v4, v9;
	v2 =	vsub.f32 v2, v7  }
0x74: {  	[tilespmem:s23+$0xC120] =	vst v5;
	v3 =	vadd.f32 v3, v8;
	v1 =	vsub.f32 v1, v6  }
0x75: {  	[tilespmem:s23+$0xC130] =	vst v4;
	v2 =	vadd.f32 v2, v7;
	v0 =	vsub.f32 v0, v63  }
0x76: {  	[tilespmem:s23+$0xC180] =	vst v3;
	v1 =	vadd.f32 v1, v6  }
0x77: {  	[tilespmem:s23+$0xC190] =	vst v2;
	v0 =	vadd.f32 v0, v63  }
0x78: {  	[tilespmem:s23+$0xC1A0] =	vst v1  }
0x79: {  	s22 =	sadd.s32 $0x1, s22;
	[tilespmem:s23+$0xC1B0] =	vst v0  }
0x7a: {  	[hbm4b:s8+s3] =	stream.linear.scatter [tilespmem:s15], [sflag:$0x6], $0x4000, $0x38;
	[tilespmem:$0x10100] =	vst v63  }
0x7b: {  	p0 =	sne.s32 s22, s9;
	_ =	swait.ge [sflag:s20], $0x4000  }
.Ltmp2:
0x7c: {  	[sflag:s20] =	ssyncset.done $0x0;
	(pc) =	sbr.rel @p0 .LBB2_1-.Ltmp2, $4  }
0x7d: {  	[sflag:s20] =	ssyncadd.s32 $0xFFFFC000  }
0x7e: {  	_ =	swait.ge [sflag:s21], $0x4000  }
0x7f: {  	[sflag:s21] =	ssyncset.done $0x0  }
0x80: {  	[sflag:s21] =	ssyncadd.s32 $0xFFFFC000  }
0x81: {  	_ =	sfence.sel $0x180000  }
0x82: {  	[bflag:$0x0] =	sbarrier.arrive $0xFFFF  }
0x83: {  	p0 =	sne.s32 s1, $0x0;
	_ =	strace $0x90000047  }
0x84: {  	s0 =	sadd.s32 @!p0 $0x100000, s0;
	[bflag:$0x2] =	sbarrier.arrive $0xFFFF  }
0x85: {  	[sflag:s0] =	ssyncadd.tile.s32 @!p0 $0x1;
	_ =	shalt  }
.Lfunc_end2:
_tile_overlayer_lowered:
.L_overlay_start_2:
0x86: {  	(tag) =	ssettag $0x2  }
0x87: {  	s0 =	rddreg [dreg:$0x0];
	s2 =	stileid.u32  }
0x88: {  	s1 =	rddreg [dreg:$0x1];
	p0 =	sne.s32 s2, $0x0  }
0x89: {  	s3 =	rddreg [dreg:$0x2];
	[bflag:$0x3] =	sbarrier.arrive $0xFFFF;
	s2 =	simm.s32 @!p0 $0x1C07  }
0x8a: {  	[timem:s3], [sflag:s2] =	dma.local @!p0 [hbm:s0], s1  }
0x8b: {  	s0 =	simm.s32 @!p0 $0x7  }
0x8c: {  	_ =	swait.ge @!p0 [sflag:s0], s1  }
0x8d: {  	s1 =	ssub.s32 @!p0 $0x0, s1;
	[sflag:s0] =	ssyncset.done @!p0 $0x0  }
0x8e: {  	[sflag:s0] =	ssyncadd.s32 @!p0 s1  }
0x8f: {  	[bflag:$0x3] =	sbarrier.arrive $0xFFFF  }
0x90: {  	_ =	shalt  }

// kernel: kernel.13.cloned.1.call-start
scs
__scs_entry_jumppad:
0x0: {  	(pc) =	sbr.rel $0x88, $3  }
0x1: {  	(tag) =	ssettag $0x0;
	lr =	simm.s32 $0x1  }
0x2: {  	[smem:$0x3F9F] =	sst lr;
	_ =	strace $0xD0000000  }
0x3: {  	_ = 	snop  }
0x4: {  	_ = 	snop  }
0x5: {  	_ = 	snop  }
0x6: {  	_ = 	snop  }
0x7: {  	_ = 	snop  }
__scs_overlays_trampoline_lowered:
0x8: {  	[smem:$0x3FAE] =	sst s0  }
0x9: {  	[smem:$0x3FAF] =	sst s1  }
0xa: {  	[smem:$0x3FB0] =	sst s2  }
0xb: {  	[smem:$0x3FB1] =	sst s3  }
0xc: {  	[smem:$0x3FB2] =	sst s4  }
0xd: {  	[smem:$0x3FB3] =	sst s5  }
0xe: {  	[smem:$0x3FB4] =	sst s6  }
0xf: {  	[smem:$0x3FB5] =	sst s7  }
0x10: {  	[smem:$0x3FB6] =	sst s8  }
0x11: {  	[smem:$0x3FB7] =	sst s9;
	s0 =	simm.s32 @!p0 $0x0  }
0x12: {  	s1 =	sld [smem:$0x3F9D];
	s0 =	simm.s32 @p0 $0x1  }
0x13: {  	[smem:$0x3FB8] =	sst s0;
	s0 =	simm.s32 @!p1 $0x0  }
0x14: {  	s2 =	sld [smem:$0x3F9C];
	s0 =	simm.s32 @p1 $0x1  }
0x15: {  	[smem:$0x3FB9] =	sst s0;
	s0 =	simm.s32 @!p2 $0x0  }
0x16: {  	s3 =	sld [smem:$0x3FDB];
	s0 =	simm.s32 @p2 $0x1  }
0x17: {  	s4 =	simm.s32 $0x1BF5;
	[smem:$0x3FBB] =	sst s0  }
0x18: {  	s0 =	sld [smem:$0x3F9E];
	_ =	swait.ge [sflag:s4], $0x0  }
0x19: {  	s7 =	sld [smem:$0x3F9F]  }
0x1a: {  	s8 =	sadd.s32 $0xFFFFE003, lr  }
0x1b: {  	s9 =	sadd.s32 $0xFFFFFEF7, lr;
	s5 =	simm.s32 $0xFFFFFFFF;
	p2 =	slt.u32 s8, $0xFFFFF086  }
0x1c: {  	p1 =	slt.u32 s9, $0xF7A;
	s5 =	simm.s32 @!p2 $0x0  }
0x1d: {  	s5 =	simm.s32 @p1 $0x1;
	p0 =	seq.s32 s7, s2  }
0x1e: {  	s7 =	smul.u32 @!p0 $0xF7A, s2;
	p2 =	seq.s32 @!p0 s5, $0x0  }
0x1f: {  	s9 =	smul.u32 $0xF7A, s1;
	s8 =	simm.s32 @!p0 $0x1BF5;
	p2 =	por !p2, p0  }
0x20: {  	[sflag:s8] =	ssyncset.s32 @!p0 $0xFFFFF086;
	s6 =	sadd.s32 @!p0 s3, s7;
	s7 =	simm.s32 @!p0 $0x108  }
0x21: {  	s3 =	sadd.s32 s3, s9;
	s6 =	sadd.s32 @!p0 $0x88, s6;
	s7 =	simm.s32 @p2 $0x1082  }
0x22: {  	[simem:s7], [sflag:s8] =	dma.local @!p0 [hbm:s6], $0xF7A  }
0x23: {  	s9 =	sor.u32 $0xD0000000, s2;
	s6 =	simm.s32 $0x108;
	_ =	swait.ge @!p0 [sflag:s8], $0x0  }
0x24: {  	s3 =	sadd.s32 $0x88, s3;
	s6 =	simm.s32 @!p1 $0x1082;
	[sflag:s4] =	ssyncset.s32 $0xFFFFF086  }
0x25: {  	[simem:s6], [sflag:s4] =	dma.local [hbm:s3], $0xF7A  }
0x26: {  	[smem:$0x3F9F] =	sst s1;
	(tag) =	ssettag s2;
	_ =	strace s9  }
0x27: {  	s1 =	sld [smem:$0x3FAF]  }
0x28: {  	s2 =	sld [smem:$0x3FB0]  }
0x29: {  	s4 =	sld [smem:$0x3FB2]  }
0x2a: {  	p0 =	seq.s32 s5, $0x0;
	s5 =	sld [smem:$0x3FB3]  }
0x2b: {  	s6 =	sld [smem:$0x3FB4]  }
0x2c: {  	s7 =	sld [smem:$0x3FB5]  }
0x2d: {  	s3 =	simm.s32 $0x108;
	s8 =	sld [smem:$0x3FB6]  }
0x2e: {  	s3 =	simm.s32 @!p0 $0x1082;
	s9 =	sld [smem:$0x3FB7]  }
0x2f: {  	lr =	sadd.s32 s0, s3;
	s0 =	sld [smem:$0x3FAE]  }
0x30: {  	s3 =	sld [smem:$0x3FB1]  }
0x31: {  	[smem:$0x3FBA] =	sst s10  }
0x32: {  	s10 =	sld [smem:$0x3FB8];
	_ =	sdelay $0x3  }
0x33: {  	p0 =	seq.s32 s10, $0x1;
	s10 =	sld [smem:$0x3FBA];
	_ =	sdelay $0x3  }
0x34: {  	[smem:$0x3FBA] =	sst s10  }
0x35: {  	s10 =	sld [smem:$0x3FB9];
	_ =	sdelay $0x3  }
0x36: {  	p1 =	seq.s32 s10, $0x1;
	s10 =	sld [smem:$0x3FBA];
	_ =	sdelay $0x3  }
0x37: {  	[smem:$0x3FBA] =	sst s10  }
0x38: {  	s10 =	sld [smem:$0x3FBB]  }
0x39: {  	_ = 	snop;
	(pc) =	sbr.ind lr, $3  }
0x3a: {  	_ = 	snop  }
0x3b: {  	_ = 	snop  }
0x3c: {  	p2 =	seq.s32 s10, $0x1;
	s10 =	sld [smem:$0x3FBA]  }
0x3d: {  	_ =	shalt  }
0x3e: {  	_ =	shalt  }
0x3f: {  	_ =	shalt  }
0x40: {  	_ =	shalt  }
0x41: {  	_ =	shalt  }
0x42: {  	_ =	shalt  }
0x43: {  	_ =	shalt  }
0x44: {  	_ =	shalt  }
0x45: {  	_ =	shalt  }
0x46: {  	_ =	shalt  }
0x47: {  	_ =	shalt  }
0x48: {  	_ =	shalt  }
0x49: {  	_ =	shalt  }
0x4a: {  	_ =	shalt  }
0x4b: {  	_ =	shalt  }
0x4c: {  	_ =	shalt  }
0x4d: {  	_ =	shalt  }
0x4e: {  	_ =	shalt  }
0x4f: {  	_ =	shalt  }
0x50: {  	_ =	shalt  }
0x51: {  	_ =	shalt  }
0x52: {  	_ =	shalt  }
0x53: {  	_ =	shalt  }
0x54: {  	_ =	shalt  }
0x55: {  	_ =	shalt  }
0x56: {  	_ =	shalt  }
0x57: {  	_ =	shalt  }
0x58: {  	_ =	shalt  }
0x59: {  	_ =	shalt  }
0x5a: {  	_ =	shalt  }
0x5b: {  	_ =	shalt  }
0x5c: {  	_ =	shalt  }
0x5d: {  	_ =	shalt  }
0x5e: {  	_ =	shalt  }
0x5f: {  	_ =	shalt  }
0x60: {  	_ =	shalt  }
0x61: {  	_ =	shalt  }
0x62: {  	_ =	shalt  }
0x63: {  	_ =	shalt  }
0x64: {  	_ =	shalt  }
0x65: {  	_ =	shalt  }
0x66: {  	_ =	shalt  }
0x67: {  	_ =	shalt  }
0x68: {  	_ =	shalt  }
0x69: {  	_ =	shalt  }
0x6a: {  	_ =	shalt  }
0x6b: {  	_ =	shalt  }
0x6c: {  	_ =	shalt  }
0x6d: {  	_ =	shalt  }
0x6e: {  	_ =	shalt  }
0x6f: {  	_ =	shalt  }
0x70: {  	_ =	shalt  }
0x71: {  	_ =	shalt  }
0x72: {  	_ =	shalt  }
0x73: {  	_ =	shalt  }
0x74: {  	_ =	shalt  }
0x75: {  	_ =	shalt  }
0x76: {  	_ =	shalt  }
0x77: {  	_ =	shalt  }
0x78: {  	_ =	shalt  }
0x79: {  	_ =	shalt  }
0x7a: {  	_ =	shalt  }
0x7b: {  	_ =	shalt  }
0x7c: {  	_ =	shalt  }
0x7d: {  	_ =	shalt  }
0x7e: {  	_ =	shalt  }
0x7f: {  	_ =	shalt  }
0x80: {  	_ =	shalt  }
0x81: {  	_ =	shalt  }
0x82: {  	_ =	shalt  }
0x83: {  	_ =	shalt  }
0x84: {  	_ =	shalt  }
0x85: {  	_ =	shalt  }
0x86: {  	_ =	shalt  }
0x87: {  	_ =	shalt  }
.Lfunc_end0:
.L_simem_size_0:
called_computation.1_lowered:
.L_overlay_start_0:
0x88: {  	s2 =	sld [smem:$0x3FD9]  }
0x89: {  	s3 =	sld [smem:$0x3FFE];
	_ =	sdelay $0x1  }
0x8a: {  	s1 =	srdreg.scid  }
0x8b: {  	s0 =	sand.u32 $0x1, s1  }
0x8c: {  	s14 =	sshll.u32 s0, $0xA;
	s2 =	sadd.s32 s3, s2  }
0x8d: {  	s2 =	sadd.s32 s2, s14  }
0x8e: {  	[smem:$0x3FC6] =	sst s2  }
0x8f: {  	_ = 	snop  }
0x90: {  	s2 =	sld [smem:$0x3FD0];
	_ =	sdelay $0x2  }
0x91: {  	s15 =	simm.s32 $0xA;
	s4 =	simm.s32 $0x10  }
0x92: {  	[smem:s4], [sflag:s15] =	dma.local [hbm:s2], $0x1  }
0x93: {  	_ =	swait.eq [sflag:s15], $0x1  }
0x94: {  	[sflag:s15] =	ssyncset.done $0x0  }
0x95: {  	[sflag:s15] =	ssyncadd.s32 $0xFFFFFFFF  }
0x96: {  	s16 =	sld [smem:$0x10];
	(tm) =	ssettm $0x1  }
0x97: {  	s17 =	sld [smem:$0x3FFB];
	_ =	sdelay $0x3  }
0x98: {  	_ =	strace s17  }
0x99: {  	s3 =	sld [smem:$0x3FFC];
	_ =	sdelay $0x3  }
0x9a: {  	_ =	strace s3  }
0x9b: {  	s3 =	sld [smem:$0x3FFD];
	_ =	sdelay $0x3  }
0x9c: {  	_ =	strace s3  }
0x9d: {  	_ =	strace $0x8FFFFFFF  }
0x9e: {  	s18 =	sld [smem:$0x3FDB];
	_ =	sdelay $0x1  }
0x9f: {  	s19 =	simm.s32 $_scs_section_size  }
0xa0: {  	s5 =	simm.s32 $_size__tile_overlayer_lowered;
	s6 =	simm.s32 $_tile_overlayer_lowered  }
0xa1: {  	s22 =	simm.s32 $0x1BFF;
	s21 =	sshll.u32 s6, $0x1;
	s3 =	sadd.s32 s19, s18  }
0xa2: {  	s7 =	simm.s32 $0x0;
	s20 =	sshll.u32 s5, $0x1;
	s5 =	sadd.s32 s21, s3  }
0xa3: {  	[timem:s7], [sflag:s22] =	dma.local [hbm:s5], s20  }
0xa4: {  	_ =	swait.ge [sflag:s22], s20  }
0xa5: {  	s4 =	ssub.s32 $0x0, s20;
	[sflag:s22] =	ssyncset.done $0x0  }
0xa6: {  	[sflag:s22] =	ssyncadd.s32 s4;
	_ =	sdelay $0x1  }
0xa7: {  	s23 =	simm.s32 $0x1B8B  }
0xa8: {  	_ =	swait.ge [sflag:s23], $0x1  }
0xa9: {  	[sflag:s23] =	ssyncset.done $0x0  }
0xaa: {  	s25 =	simm.s32 $0x1B8E;
	s24 =	sld [smem:$0x3FFE];
	[sflag:s23] =	ssyncadd.s32 $0xFFFFFFFF  }
0xab: {  	s26 =	simm.s32 $execute0_lowered;
	[smem:$0x3FD2] =	sst s25  }
0xac: {  	s5 =	sshll.u32 s26, $0x1;
	_ =	strace $0x80000049;
	[dreg:$0x1] =	wrdreg $0xFFFFFFFF  }
0xad: {  	s28 =	simm.s32 $_size_execute0_lowered;
	s3 =	sadd.s32 s3, s5;
	[dreg:$0x0] =	wrdreg $0x0  }
0xae: {  	s5 =	sshll.u32 s28, $0x1;
	[dreg:$0x2] =	wrdreg s3  }
0xaf: {  	[dreg:$0x3] =	wrdreg s5  }
0xb0: {  	[dreg:$0x4] =	wrdreg $0xC0  }
0xb1: {  	_ =	task [dreg:s7], $0x5FFFF  }
0xb2: {  	[dreg:$0x1] =	wrdreg $0xFFFFFFFF  }
0xb3: {  	[dreg:$0x0] =	wrdreg $0x60  }
0xb4: {  	[dreg:$0x2] =	wrdreg s16  }
0xb5: {  	[dreg:$0x3] =	wrdreg s24  }
0xb6: {  	[dreg:$0x4] =	wrdreg $0x9  }
0xb7: {  	_ =	task.clear_ibuf [dreg:s7], $0x5FFFF;
	_ =	strace $0x90000049  }
0xb8: {  	s29 =	simm.s32 $0x9;
	_ =	strace $0x8000004B  }
0xb9: {  	_ =	swait.ge [sflag:s29], $0x1  }
0xba: {  	[sflag:s29] =	ssyncadd.s32 $0xFFFFFFFF  }
0xbb: {  	_ =	strace $0x9000004B  }
0xbc: {  	_ =	sfence  }
0xbd: {  	s30 =	sld [smem:$0x0];
	_ =	sdelay $0x2  }
0xbe: {  	s31 =	sshll.u32 s1, $0xD;
	s1 =	sshrl.u32 s1, $0x2  }
0xbf: {  	s3 =	sand.u32 $0x4000, s31;
	s1 =	sadd.s32 s1, s30  }
0xc0: {  	s0 =	sor.u32 s3, s0;
	s1 =	sshll.u32 s1, $0x11  }
0xc1: {  	s0 =	sor.u32 s1, s0  }
0xc2: {  	s0 =	sadd.s32 $0x8F2B, s0  }
0xc3: {  	[sflag:s0] =	ssyncadd.remote.s32 $0x1  }
0xc4: {  	_ =	sfence.sel $0xFFFF  }
0xc5: {  	[dreg:$0x0] =	wrdreg $0xFFFFFFFF;
	(pc) =	sbr.abs _section_cstart, $3  }
0xc6: {  	[dreg:$0x1] =	wrdreg $0xFFFFFFFF  }
0xc7: {  	_ =	task.clear_ibuf [dreg:s7], $0x2FFFF;
	_ =	strace $0x9FFFFFFF  }
0xc8: {  	(tm) =	ssettm $0x7FFFFFFF  }
0xc9: {  	_ =	shalt  }
tec
execute0_lowered:
.L_overlay_start_1:
0x0: {  	(tag) =	ssettag $0x1  }
0x1: {  	s2 =	rddreg [dreg:$0x0]  }
0x2: {  	s4 =	rddreg [dreg:$0x1];
	s3 =	srdreg.scid  }
0x3: {  	s0 =	rddreg [dreg:$0x2];
	s1 =	stileid.u32  }
0x4: {  	s12 =	simm.s32 $0x100;
	s13 =	simm.s32 $0x8100;
	s14 =	simm.s32 $0x4100  }
0x5: {  	s15 =	simm.s32 $0xC100;
	s16 =	simm.s32 $0x1;
	s17 =	simm.s32 $0x3  }
0x6: {  	s18 =	simm.s32 $0x2;
	s19 =	simm.s32 $0x4;
	s20 =	simm.s32 $0x5  }
0x7: {  	s21 =	simm.s32 $0x6;
	s22 =	simm.s32 $0x0;
	s5 =	sand.u32 $0x1, s3  }
0x8: {  	s3 =	simm.s32 $0x0;
	s6 =	sshll.u32 s1, $0x9;
	s8 =	sadd.s32 $0x3400, s4  }
0x9: {  	s10 =	sadd.s32 $0x83800, s4;
	s7 =	sshll.u32 s5, $0x8;
	[smem:$0x7FF] =	sst s3  }
0xa: {  	s5 =	ssub.s32 $0x2, s5;
	s6 =	sor.u32 s7, s6;
	_ =	strace $0x8000004A  }
0xb: {  	s9 =	sshrl.u32 s5, $0x1;
	s7 =	sshrl.u32 s6, $0x3;
	s30 =	sshll.u32 s6, $0x4  }
0xc: {  	s9 =	ssub.s32 s5, s9;
	s7 =	sadd.s32 s7, s4;
	s31 =	sor.u32 $0x20000, s30  }
0xd: {  	s11 =	sor.u32 $0x20800, s30;
	s9 =	smax.u32 s9, $0x1;
	s4 =	sadd.s32 $0x103800, s7  }
0xe: {  	s5 =	sadd.s32 s8, s31;
	s6 =	sadd.s32 s8, s11;
	s7 =	sadd.s32 s10, s31  }
0xf: {  	s8 =	sadd.s32 s10, s11;
	s10 =	simm.s32 $0x7;
	s11 =	simm.s32 $0x80  }
.LBB2_1:
0x10: {  	[tilespmem:s3], [sflag:$0x7] =	stream.linear.gather [hbm4b:s4+s3], $0x100, $0x38;
	[tilespmem:$0x10100] =	vst v63  }
0x11: {  	_ =	swait.ge [sflag:s10], $0x100  }
0x12: {  	[sflag:s10] =	ssyncset.done $0x0  }
0x13: {  	[sflag:s10] =	ssyncadd.s32 $0xFFFFFF00  }
0x14: {  	[tilespmem:s12], [sflag:$0x1] =	stream.indirect.gather [hbm4b:s2+s11], $0x80, s3, s11, $0xb8;
	[tilespmem:$0x10100] =	vst v63  }
0x15: {  	_ = 	snop  }
0x16: {  	[tilespmem:s13], [sflag:$0x3] =	stream.linear.gather [hbm4b:s5+s3], $0x4000, $0x38;
	[tilespmem:$0x10100] =	vst v63  }
0x17: {  	_ = 	snop  }
0x18: {  	[tilespmem:s14], [sflag:$0x2] =	stream.indirect.gather [hbm4b:s2+s11], $0x80, s11, s11, $0xb8;
	[tilespmem:$0x10100] =	vst v63  }
0x19: {  	_ = 	snop  }
0x1a: {  	[tilespmem:s15], [sflag:$0x4] =	stream.linear.gather [hbm4b:s6+s3], $0x4000, $0x38;
	[tilespmem:$0x10100] =	vst v63  }
0x1b: {  	_ =	swait.ge [sflag:s16], $0x4000  }
0x1c: {  	[sflag:s16] =	ssyncset.done $0x0  }
0x1d: {  	[sflag:s16] =	ssyncadd.s32 $0xFFFFC000  }
0x1e: {  	_ =	swait.ge [sflag:s17], $0x4000  }
0x1f: {  	[sflag:s17] =	ssyncset.done $0x0  }
0x20: {  	s23 =	simm.s32 $0x0;
	[sflag:s17] =	ssyncadd.s32 $0xFFFFC000  }
0x21: {  	v6 =	vld [tilespmem:s23+$0x100]  }
0x22: {  	v13 =	vld [tilespmem:s23+$0x110]  }
0x23: {  	v5 =	vld [tilespmem:s23+$0x120]  }
0x24: {  	v4 =	vld [tilespmem:s23+$0x130]  }
0x25: {  	v3 =	vld [tilespmem:s23+$0x180]  }
0x26: {  	v2 =	vld [tilespmem:s23+$0x190]  }
0x27: {  	v1 =	vld [tilespmem:s23+$0x1A0]  }
0x28: {  	v0 =	vld [tilespmem:s23+$0x1B0]  }
0x29: {  	v12 =	vld [tilespmem:s23+$0x8100]  }
0x2a: {  	v11 =	vld [tilespmem:s23+$0x8110]  }
0x2b: {  	v10 =	vld [tilespmem:s23+$0x8120]  }
0x2c: {  	v9 =	vld [tilespmem:s23+$0x8130]  }
0x2d: {  	v8 =	vld [tilespmem:s23+$0x8180]  }
0x2e: {  	v7 =	vld [tilespmem:s23+$0x8190];
	v14 =	vsub.f32 v6, v12  }
0x2f: {  	s24 =	simm.s32 $0x400;
	v13 =	vsub.f32 v13, v11;
	v6 =	vld [tilespmem:s23+$0x81A0]  }
.LBB2_2:
0x30: {  	s25 =	sshra.s32 s24, $0x2;
	p0 =	sne.s32 s24, $0xFC00;
	v12 =	vadd.f32 v14, v12;
	v5 =	vsub.f32 v5, v10;
	v14 =	vld [tilespmem:s23+$0x81B0]  }
0x31: {  	v15 =	vld [tilespmem:s25+$0x100];
	v11 =	vadd.f32 v13, v11;
	v4 =	vsub.f32 v4, v9  }
0x32: {  	v13 =	vld [tilespmem:s25+$0x110];
	[tilespmem:s23+$0x8100] =	vst v12;
	v10 =	vadd.f32 v5, v10;
	v3 =	vsub.f32 v3, v8  }
0x33: {  	v5 =	vld [tilespmem:s25+$0x120];
	[tilespmem:s23+$0x8110] =	vst v11;
	v9 =	vadd.f32 v4, v9;
	v2 =	vsub.f32 v2, v7  }
0x34: {  	v4 =	vld [tilespmem:s25+$0x130];
	[tilespmem:s23+$0x8120] =	vst v10;
	v8 =	vadd.f32 v3, v8;
	v1 =	vsub.f32 v1, v6  }
0x35: {  	v3 =	vld [tilespmem:s25+$0x180];
	[tilespmem:s23+$0x8130] =	vst v9;
	v7 =	vadd.f32 v2, v7;
	v0 =	vsub.f32 v0, v14  }
0x36: {  	v2 =	vld [tilespmem:s25+$0x190];
	[tilespmem:s23+$0x8180] =	vst v8;
	v6 =	vadd.f32 v1, v6  }
0x37: {  	v1 =	vld [tilespmem:s25+$0x1A0];
	[tilespmem:s23+$0x8190] =	vst v7;
	v7 =	vadd.f32 v0, v14  }
0x38: {  	v0 =	vld [tilespmem:s25+$0x1B0];
	[tilespmem:s23+$0x81A0] =	vst v6  }
0x39: {  	v12 =	vld [tilespmem:s25+$0x8100];
	[tilespmem:s23+$0x81B0] =	vst v7;
	s23 =	smov.u32 s25  }
0x3a: {  	v11 =	vld [tilespmem:s23+$0x8110]  }
.Ltmp0:
0x3b: {  	v10 =	vld [tilespmem:s23+$0x8120];
	(pc) =	sbr.rel @p0 .LBB2_2-.Ltmp0, $4  }
0x3c: {  	v9 =	vld [tilespmem:s23+$0x8130]  }
0x3d: {  	v8 =	vld [tilespmem:s23+$0x8180]  }
0x3e: {  	v14 =	vsub.f32 v15, v12;
	v7 =	vld [tilespmem:s23+$0x8190]  }
0x3f: {  	s24 =	sadd.s32 $0x400, s24;
	v13 =	vsub.f32 v13, v11;
	v6 =	vld [tilespmem:s23+$0x81A0]  }
0x40: {  	v12 =	vadd.f32 v14, v12;
	v5 =	vsub.f32 v5, v10;
	v14 =	vld [tilespmem:s23+$0x81B0]  }
0x41: {  	v11 =	vadd.f32 v13, v11;
	v4 =	vsub.f32 v4, v9  }
0x42: {  	[tilespmem:s23+$0x8100] =	vst v12;
	v5 =	vadd.f32 v5, v10;
	v3 =	vsub.f32 v3, v8  }
0x43: {  	[tilespmem:s23+$0x8110] =	vst v11;
	v4 =	vadd.f32 v4, v9;
	v2 =	vsub.f32 v2, v7  }
0x44: {  	[tilespmem:s23+$0x8120] =	vst v5;
	v3 =	vadd.f32 v3, v8;
	v1 =	vsub.f32 v1, v6  }
0x45: {  	[tilespmem:s23+$0x8130] =	vst v4;
	v2 =	vadd.f32 v2, v7;
	v0 =	vsub.f32 v0, v14  }
0x46: {  	[tilespmem:s23+$0x8180] =	vst v3;
	v1 =	vadd.f32 v1, v6  }
0x47: {  	[tilespmem:s23+$0x8190] =	vst v2;
	v0 =	vadd.f32 v0, v14  }
0x48: {  	[tilespmem:s23+$0x81A0] =	vst v1  }
0x49: {  	s31 =	simm.s32 $0x0;
	[tilespmem:s23+$0x81B0] =	vst v0  }
0x4a: {  	[hbm4b:s7+s31] =	stream.linear.scatter [tilespmem:s13], [sflag:$0x5], $0x4000, $0x38;
	[tilespmem:$0x10100] =	vst v63  }
0x4b: {  	_ =	swait.ge [sflag:s18], $0x4000  }
0x4c: {  	[sflag:s18] =	ssyncset.done $0x0  }
0x4d: {  	[sflag:s18] =	ssyncadd.s32 $0xFFFFC000  }
0x4e: {  	_ =	swait.ge [sflag:s19], $0x4000  }
0x4f: {  	[sflag:s19] =	ssyncset.done $0x0  }
0x50: {  	s23 =	simm.s32 $0x0;
	[sflag:s19] =	ssyncadd.s32 $0xFFFFC000  }
0x51: {  	v6 =	vld [tilespmem:s23+$0x4100]  }
0x52: {  	v13 =	vld [tilespmem:s23+$0x4110]  }
0x53: {  	v5 =	vld [tilespmem:s23+$0x4120]  }
0x54: {  	v4 =	vld [tilespmem:s23+$0x4130]  }
0x55: {  	v3 =	vld [tilespmem:s23+$0x4180]  }
0x56: {  	v2 =	vld [tilespmem:s23+$0x4190]  }
0x57: {  	v1 =	vld [tilespmem:s23+$0x41A0]  }
0x58: {  	v0 =	vld [tilespmem:s23+$0x41B0]  }
0x59: {  	v12 =	vld [tilespmem:s23+$0xC100]  }
0x5a: {  	v11 =	vld [tilespmem:s23+$0xC110]  }
0x5b: {  	v10 =	vld [tilespmem:s23+$0xC120]  }
0x5c: {  	v9 =	vld [tilespmem:s23+$0xC130]  }
0x5d: {  	v8 =	vld [tilespmem:s23+$0xC180]  }
0x5e: {  	v7 =	vld [tilespmem:s23+$0xC190];
	v14 =	vsub.f32 v6, v12  }
0x5f: {  	s24 =	simm.s32 $0x400;
	v13 =	vsub.f32 v13, v11;
	v6 =	vld [tilespmem:s23+$0xC1A0]  }
.LBB2_4:
0x60: {  	s25 =	sshra.s32 s24, $0x2;
	p0 =	sne.s32 s24, $0xFC00;
	v12 =	vadd.f32 v14, v12;
	v5 =	vsub.f32 v5, v10;
	v14 =	vld [tilespmem:s23+$0xC1B0]  }
0x61: {  	v15 =	vld [tilespmem:s25+$0x4100];
	v11 =	vadd.f32 v13, v11;
	v4 =	vsub.f32 v4, v9  }
0x62: {  	v13 =	vld [tilespmem:s25+$0x4110];
	[tilespmem:s23+$0xC100] =	vst v12;
	v10 =	vadd.f32 v5, v10;
	v3 =	vsub.f32 v3, v8  }
0x63: {  	v5 =	vld [tilespmem:s25+$0x4120];
	[tilespmem:s23+$0xC110] =	vst v11;
	v9 =	vadd.f32 v4, v9;
	v2 =	vsub.f32 v2, v7  }
0x64: {  	v4 =	vld [tilespmem:s25+$0x4130];
	[tilespmem:s23+$0xC120] =	vst v10;
	v8 =	vadd.f32 v3, v8;
	v1 =	vsub.f32 v1, v6  }
0x65: {  	v3 =	vld [tilespmem:s25+$0x4180];
	[tilespmem:s23+$0xC130] =	vst v9;
	v7 =	vadd.f32 v2, v7;
	v0 =	vsub.f32 v0, v14  }
0x66: {  	v2 =	vld [tilespmem:s25+$0x4190];
	[tilespmem:s23+$0xC180] =	vst v8;
	v6 =	vadd.f32 v1, v6  }
0x67: {  	v1 =	vld [tilespmem:s25+$0x41A0];
	[tilespmem:s23+$0xC190] =	vst v7;
	v7 =	vadd.f32 v0, v14  }
0x68: {  	v0 =	vld [tilespmem:s25+$0x41B0];
	[tilespmem:s23+$0xC1A0] =	vst v6  }
0x69: {  	v12 =	vld [tilespmem:s25+$0xC100];
	[tilespmem:s23+$0xC1B0] =	vst v7;
	s23 =	smov.u32 s25  }
0x6a: {  	v11 =	vld [tilespmem:s23+$0xC110]  }
.Ltmp1:
0x6b: {  	v10 =	vld [tilespmem:s23+$0xC120];
	(pc) =	sbr.rel @p0 .LBB2_4-.Ltmp1, $4  }
0x6c: {  	v9 =	vld [tilespmem:s23+$0xC130]  }
0x6d: {  	v8 =	vld [tilespmem:s23+$0xC180]  }
0x6e: {  	v14 =	vsub.f32 v15, v12;
	v7 =	vld [tilespmem:s23+$0xC190]  }
0x6f: {  	s24 =	sadd.s32 $0x400, s24;
	v13 =	vsub.f32 v13, v11;
	v6 =	vld [tilespmem:s23+$0xC1A0]  }
0x70: {  	v12 =	vadd.f32 v14, v12;
	v5 =	vsub.f32 v5, v10;
	v63 =	vld [tilespmem:s23+$0xC1B0]  }
0x71: {  	v11 =	vadd.f32 v13, v11;
	v4 =	vsub.f32 v4, v9  }
0x72: {  	[tilespmem:s23+$0xC100] =	vst v12;
	v5 =	vadd.f32 v5, v10;
	v3 =	vsub.f32 v3, v8  }
0x73: {  	[tilespmem:s23+$0xC110] =	vst v11;
	v4 =	vadd.f32 v4, v9;
	v2 =	vsub.f32 v2, v7  }
0x74: {  	[tilespmem:s23+$0xC120] =	vst v5;
	v3 =	vadd.f32 v3, v8;
	v1 =	vsub.f32 v1, v6  }
0x75: {  	[tilespmem:s23+$0xC130] =	vst v4;
	v2 =	vadd.f32 v2, v7;
	v0 =	vsub.f32 v0, v63  }
0x76: {  	[tilespmem:s23+$0xC180] =	vst v3;
	v1 =	vadd.f32 v1, v6  }
0x77: {  	[tilespmem:s23+$0xC190] =	vst v2;
	v0 =	vadd.f32 v0, v63  }
0x78: {  	[tilespmem:s23+$0xC1A0] =	vst v1  }
0x79: {  	s22 =	sadd.s32 $0x1, s22;
	[tilespmem:s23+$0xC1B0] =	vst v0  }
0x7a: {  	[hbm4b:s8+s3] =	stream.linear.scatter [tilespmem:s15], [sflag:$0x6], $0x4000, $0x38;
	[tilespmem:$0x10100] =	vst v63  }
0x7b: {  	p0 =	sne.s32 s22, s9;
	_ =	swait.ge [sflag:s20], $0x4000  }
.Ltmp2:
0x7c: {  	[sflag:s20] =	ssyncset.done $0x0;
	(pc) =	sbr.rel @p0 .LBB2_1-.Ltmp2, $4  }
0x7d: {  	[sflag:s20] =	ssyncadd.s32 $0xFFFFC000  }
0x7e: {  	_ =	swait.ge [sflag:s21], $0x4000  }
0x7f: {  	[sflag:s21] =	ssyncset.done $0x0  }
0x80: {  	[sflag:s21] =	ssyncadd.s32 $0xFFFFC000  }
0x81: {  	_ =	sfence.sel $0x180000  }
0x82: {  	[bflag:$0x0] =	sbarrier.arrive $0xFFFF  }
0x83: {  	p0 =	sne.s32 s1, $0x0;
	_ =	strace $0x9000004A  }
0x84: {  	s0 =	sadd.s32 @!p0 $0x100000, s0;
	[bflag:$0x2] =	sbarrier.arrive $0xFFFF  }
0x85: {  	[sflag:s0] =	ssyncadd.tile.s32 @!p0 $0x1;
	_ =	shalt  }
.Lfunc_end2:
_tile_overlayer_lowered:
.L_overlay_start_2:
0x86: {  	(tag) =	ssettag $0x2  }
0x87: {  	s0 =	rddreg [dreg:$0x0];
	s2 =	stileid.u32  }
0x88: {  	s1 =	rddreg [dreg:$0x1];
	p0 =	sne.s32 s2, $0x0  }
0x89: {  	s3 =	rddreg [dreg:$0x2];
	[bflag:$0x3] =	sbarrier.arrive $0xFFFF;
	s2 =	simm.s32 @!p0 $0x1C07  }
0x8a: {  	[timem:s3], [sflag:s2] =	dma.local @!p0 [hbm:s0], s1  }
0x8b: {  	s0 =	simm.s32 @!p0 $0x7  }
0x8c: {  	_ =	swait.ge @!p0 [sflag:s0], s1  }
0x8d: {  	s1 =	ssub.s32 @!p0 $0x0, s1;
	[sflag:s0] =	ssyncset.done @!p0 $0x0  }
0x8e: {  	[sflag:s0] =	ssyncadd.s32 @!p0 s1  }
0x8f: {  	[bflag:$0x3] =	sbarrier.arrive $0xFFFF  }
0x90: {  	_ =	shalt  }

// kernel: kernel.16.cloned.1.call-start
scs
__scs_entry_jumppad:
0x0: {  	(pc) =	sbr.rel $0x88, $3  }
0x1: {  	(tag) =	ssettag $0x0;
	lr =	simm.s32 $0x1  }
0x2: {  	[smem:$0x3F9F] =	sst lr;
	_ =	strace $0xD0000000  }
0x3: {  	_ = 	snop  }
0x4: {  	_ = 	snop  }
0x5: {  	_ = 	snop  }
0x6: {  	_ = 	snop  }
0x7: {  	_ = 	snop  }
__scs_overlays_trampoline_lowered:
0x8: {  	[smem:$0x3FAE] =	sst s0  }
0x9: {  	[smem:$0x3FAF] =	sst s1  }
0xa: {  	[smem:$0x3FB0] =	sst s2  }
0xb: {  	[smem:$0x3FB1] =	sst s3  }
0xc: {  	[smem:$0x3FB2] =	sst s4  }
0xd: {  	[smem:$0x3FB3] =	sst s5  }
0xe: {  	[smem:$0x3FB4] =	sst s6  }
0xf: {  	[smem:$0x3FB5] =	sst s7  }
0x10: {  	[smem:$0x3FB6] =	sst s8  }
0x11: {  	[smem:$0x3FB7] =	sst s9;
	s0 =	simm.s32 @!p0 $0x0  }
0x12: {  	s1 =	sld [smem:$0x3F9D];
	s0 =	simm.s32 @p0 $0x1  }
0x13: {  	[smem:$0x3FB8] =	sst s0;
	s0 =	simm.s32 @!p1 $0x0  }
0x14: {  	s2 =	sld [smem:$0x3F9C];
	s0 =	simm.s32 @p1 $0x1  }
0x15: {  	[smem:$0x3FB9] =	sst s0;
	s0 =	simm.s32 @!p2 $0x0  }
0x16: {  	s3 =	sld [smem:$0x3FDB];
	s0 =	simm.s32 @p2 $0x1  }
0x17: {  	s4 =	simm.s32 $0x1BF5;
	[smem:$0x3FBB] =	sst s0  }
0x18: {  	s0 =	sld [smem:$0x3F9E];
	_ =	swait.ge [sflag:s4], $0x0  }
0x19: {  	s7 =	sld [smem:$0x3F9F]  }
0x1a: {  	s8 =	sadd.s32 $0xFFFFE003, lr  }
0x1b: {  	s9 =	sadd.s32 $0xFFFFFEF7, lr;
	s5 =	simm.s32 $0xFFFFFFFF;
	p2 =	slt.u32 s8, $0xFFFFF086  }
0x1c: {  	p1 =	slt.u32 s9, $0xF7A;
	s5 =	simm.s32 @!p2 $0x0  }
0x1d: {  	s5 =	simm.s32 @p1 $0x1;
	p0 =	seq.s32 s7, s2  }
0x1e: {  	s7 =	smul.u32 @!p0 $0xF7A, s2;
	p2 =	seq.s32 @!p0 s5, $0x0  }
0x1f: {  	s9 =	smul.u32 $0xF7A, s1;
	s8 =	simm.s32 @!p0 $0x1BF5;
	p2 =	por !p2, p0  }
0x20: {  	[sflag:s8] =	ssyncset.s32 @!p0 $0xFFFFF086;
	s6 =	sadd.s32 @!p0 s3, s7;
	s7 =	simm.s32 @!p0 $0x108  }
0x21: {  	s3 =	sadd.s32 s3, s9;
	s6 =	sadd.s32 @!p0 $0x88, s6;
	s7 =	simm.s32 @p2 $0x1082  }
0x22: {  	[simem:s7], [sflag:s8] =	dma.local @!p0 [hbm:s6], $0xF7A  }
0x23: {  	s9 =	sor.u32 $0xD0000000, s2;
	s6 =	simm.s32 $0x108;
	_ =	swait.ge @!p0 [sflag:s8], $0x0  }
0x24: {  	s3 =	sadd.s32 $0x88, s3;
	s6 =	simm.s32 @!p1 $0x1082;
	[sflag:s4] =	ssyncset.s32 $0xFFFFF086  }
0x25: {  	[simem:s6], [sflag:s4] =	dma.local [hbm:s3], $0xF7A  }
0x26: {  	[smem:$0x3F9F] =	sst s1;
	(tag) =	ssettag s2;
	_ =	strace s9  }
0x27: {  	s1 =	sld [smem:$0x3FAF]  }
0x28: {  	s2 =	sld [smem:$0x3FB0]  }
0x29: {  	s4 =	sld [smem:$0x3FB2]  }
0x2a: {  	p0 =	seq.s32 s5, $0x0;
	s5 =	sld [smem:$0x3FB3]  }
0x2b: {  	s6 =	sld [smem:$0x3FB4]  }
0x2c: {  	s7 =	sld [smem:$0x3FB5]  }
0x2d: {  	s3 =	simm.s32 $0x108;
	s8 =	sld [smem:$0x3FB6]  }
0x2e: {  	s3 =	simm.s32 @!p0 $0x1082;
	s9 =	sld [smem:$0x3FB7]  }
0x2f: {  	lr =	sadd.s32 s0, s3;
	s0 =	sld [smem:$0x3FAE]  }
0x30: {  	s3 =	sld [smem:$0x3FB1]  }
0x31: {  	[smem:$0x3FBA] =	sst s10  }
0x32: {  	s10 =	sld [smem:$0x3FB8];
	_ =	sdelay $0x3  }
0x33: {  	p0 =	seq.s32 s10, $0x1;
	s10 =	sld [smem:$0x3FBA];
	_ =	sdelay $0x3  }
0x34: {  	[smem:$0x3FBA] =	sst s10  }
0x35: {  	s10 =	sld [smem:$0x3FB9];
	_ =	sdelay $0x3  }
0x36: {  	p1 =	seq.s32 s10, $0x1;
	s10 =	sld [smem:$0x3FBA];
	_ =	sdelay $0x3  }
0x37: {  	[smem:$0x3FBA] =	sst s10  }
0x38: {  	s10 =	sld [smem:$0x3FBB]  }
0x39: {  	_ = 	snop;
	(pc) =	sbr.ind lr, $3  }
0x3a: {  	_ = 	snop  }
0x3b: {  	_ = 	snop  }
0x3c: {  	p2 =	seq.s32 s10, $0x1;
	s10 =	sld [smem:$0x3FBA]  }
0x3d: {  	_ =	shalt  }
0x3e: {  	_ =	shalt  }
0x3f: {  	_ =	shalt  }
0x40: {  	_ =	shalt  }
0x41: {  	_ =	shalt  }
0x42: {  	_ =	shalt  }
0x43: {  	_ =	shalt  }
0x44: {  	_ =	shalt  }
0x45: {  	_ =	shalt  }
0x46: {  	_ =	shalt  }
0x47: {  	_ =	shalt  }
0x48: {  	_ =	shalt  }
0x49: {  	_ =	shalt  }
0x4a: {  	_ =	shalt  }
0x4b: {  	_ =	shalt  }
0x4c: {  	_ =	shalt  }
0x4d: {  	_ =	shalt  }
0x4e: {  	_ =	shalt  }
0x4f: {  	_ =	shalt  }
0x50: {  	_ =	shalt  }
0x51: {  	_ =	shalt  }
0x52: {  	_ =	shalt  }
0x53: {  	_ =	shalt  }
0x54: {  	_ =	shalt  }
0x55: {  	_ =	shalt  }
0x56: {  	_ =	shalt  }
0x57: {  	_ =	shalt  }
0x58: {  	_ =	shalt  }
0x59: {  	_ =	shalt  }
0x5a: {  	_ =	shalt  }
0x5b: {  	_ =	shalt  }
0x5c: {  	_ =	shalt  }
0x5d: {  	_ =	shalt  }
0x5e: {  	_ =	shalt  }
0x5f: {  	_ =	shalt  }
0x60: {  	_ =	shalt  }
0x61: {  	_ =	shalt  }
0x62: {  	_ =	shalt  }
0x63: {  	_ =	shalt  }
0x64: {  	_ =	shalt  }
0x65: {  	_ =	shalt  }
0x66: {  	_ =	shalt  }
0x67: {  	_ =	shalt  }
0x68: {  	_ =	shalt  }
0x69: {  	_ =	shalt  }
0x6a: {  	_ =	shalt  }
0x6b: {  	_ =	shalt  }
0x6c: {  	_ =	shalt  }
0x6d: {  	_ =	shalt  }
0x6e: {  	_ =	shalt  }
0x6f: {  	_ =	shalt  }
0x70: {  	_ =	shalt  }
0x71: {  	_ =	shalt  }
0x72: {  	_ =	shalt  }
0x73: {  	_ =	shalt  }
0x74: {  	_ =	shalt  }
0x75: {  	_ =	shalt  }
0x76: {  	_ =	shalt  }
0x77: {  	_ =	shalt  }
0x78: {  	_ =	shalt  }
0x79: {  	_ =	shalt  }
0x7a: {  	_ =	shalt  }
0x7b: {  	_ =	shalt  }
0x7c: {  	_ =	shalt  }
0x7d: {  	_ =	shalt  }
0x7e: {  	_ =	shalt  }
0x7f: {  	_ =	shalt  }
0x80: {  	_ =	shalt  }
0x81: {  	_ =	shalt  }
0x82: {  	_ =	shalt  }
0x83: {  	_ =	shalt  }
0x84: {  	_ =	shalt  }
0x85: {  	_ =	shalt  }
0x86: {  	_ =	shalt  }
0x87: {  	_ =	shalt  }
.Lfunc_end0:
.L_simem_size_0:
called_computation.2_lowered:
.L_overlay_start_0:
0x88: {  	s2 =	sld [smem:$0x3FD9]  }
0x89: {  	s3 =	sld [smem:$0x3FFE];
	_ =	sdelay $0x1  }
0x8a: {  	s1 =	srdreg.scid  }
0x8b: {  	s0 =	sand.u32 $0x1, s1  }
0x8c: {  	s14 =	sshll.u32 s0, $0xA;
	s2 =	sadd.s32 s3, s2  }
0x8d: {  	s2 =	sadd.s32 s2, s14  }
0x8e: {  	[smem:$0x3FC6] =	sst s2  }
0x8f: {  	_ = 	snop  }
0x90: {  	s2 =	sld [smem:$0x3FD0];
	_ =	sdelay $0x2  }
0x91: {  	s15 =	simm.s32 $0xA;
	s4 =	simm.s32 $0x10  }
0x92: {  	[smem:s4], [sflag:s15] =	dma.local [hbm:s2], $0x1  }
0x93: {  	_ =	swait.eq [sflag:s15], $0x1  }
0x94: {  	[sflag:s15] =	ssyncset.done $0x0  }
0x95: {  	s16 =	sld [smem:$0x10];
	[sflag:s15] =	ssyncadd.s32 $0xFFFFFFFF  }
0x96: {  	s17 =	sld [smem:$0x12];
	(tm) =	ssettm $0x1  }
0x97: {  	s18 =	sld [smem:$0x3FFB];
	_ =	sdelay $0x3  }
0x98: {  	_ =	strace s18  }
0x99: {  	s4 =	sld [smem:$0x3FFC];
	_ =	sdelay $0x3  }
0x9a: {  	_ =	strace s4  }
0x9b: {  	s4 =	sld [smem:$0x3FFD];
	_ =	sdelay $0x3  }
0x9c: {  	_ =	strace s4  }
0x9d: {  	_ =	strace $0x8FFFFFFF  }
0x9e: {  	s19 =	sld [smem:$0x3FDB];
	_ =	sdelay $0x1  }
0x9f: {  	s5 =	simm.s32 $_scs_section_size  }
0xa0: {  	s6 =	simm.s32 $_size__tile_overlayer_lowered;
	s7 =	simm.s32 $_tile_overlayer_lowered  }
0xa1: {  	s22 =	simm.s32 $0x1BFF;
	s21 =	sshll.u32 s7, $0x1;
	s4 =	sadd.s32 s5, s19  }
0xa2: {  	s8 =	simm.s32 $0x0;
	s20 =	sshll.u32 s6, $0x1;
	s6 =	sadd.s32 s21, s4  }
0xa3: {  	[timem:s8], [sflag:s22] =	dma.local [hbm:s6], s20  }
0xa4: {  	_ =	swait.ge [sflag:s22], s20  }
0xa5: {  	s5 =	ssub.s32 $0x0, s20;
	[sflag:s22] =	ssyncset.done $0x0  }
0xa6: {  	[sflag:s22] =	ssyncadd.s32 s5;
	_ =	sdelay $0x1  }
0xa7: {  	s23 =	simm.s32 $0x1B8B  }
0xa8: {  	_ =	swait.ge [sflag:s23], $0x1  }
0xa9: {  	[sflag:s23] =	ssyncset.done $0x0  }
0xaa: {  	s25 =	simm.s32 $0x1B8E;
	s24 =	sld [smem:$0x3FFE];
	[sflag:s23] =	ssyncadd.s32 $0xFFFFFFFF  }
0xab: {  	s26 =	simm.s32 $execute0_lowered;
	[smem:$0x3FD2] =	sst s25  }
0xac: {  	s6 =	sshll.u32 s26, $0x1;
	_ =	strace $0x8000004C;
	[dreg:$0x1] =	wrdreg $0xFFFFFFFF  }
0xad: {  	s28 =	simm.s32 $_size_execute0_lowered;
	s4 =	sadd.s32 s4, s6;
	[dreg:$0x0] =	wrdreg $0x0  }
0xae: {  	s6 =	sshll.u32 s28, $0x1;
	[dreg:$0x2] =	wrdreg s4  }
0xaf: {  	[dreg:$0x3] =	wrdreg s6  }
0xb0: {  	[dreg:$0x4] =	wrdreg $0xC0  }
0xb1: {  	_ =	task [dreg:s8], $0x5FFFF  }
0xb2: {  	[dreg:$0x1] =	wrdreg $0xFFFFFFFF  }
0xb3: {  	[dreg:$0x0] =	wrdreg $0x60  }
0xb4: {  	[dreg:$0x2] =	wrdreg s16  }
0xb5: {  	[dreg:$0x3] =	wrdreg s17  }
0xb6: {  	[dreg:$0x4] =	wrdreg s24  }
0xb7: {  	[dreg:$0x5] =	wrdreg $0x9  }
0xb8: {  	_ =	task.clear_ibuf [dreg:s8], $0x6FFFF;
	_ =	strace $0x9000004C  }
0xb9: {  	s29 =	simm.s32 $0x9;
	_ =	strace $0x8000004E  }
0xba: {  	_ =	swait.ge [sflag:s29], $0x1  }
0xbb: {  	[sflag:s29] =	ssyncadd.s32 $0xFFFFFFFF  }
0xbc: {  	_ =	strace $0x9000004E  }
0xbd: {  	_ =	sfence  }
0xbe: {  	s30 =	sld [smem:$0x0];
	_ =	sdelay $0x2  }
0xbf: {  	s31 =	sshll.u32 s1, $0xD;
	s1 =	sshrl.u32 s1, $0x2  }
0xc0: {  	s3 =	sand.u32 $0x4000, s31;
	s1 =	sadd.s32 s1, s30  }
0xc1: {  	s0 =	sor.u32 s3, s0;
	s1 =	sshll.u32 s1, $0x11  }
0xc2: {  	s0 =	sor.u32 s1, s0  }
0xc3: {  	s0 =	sadd.s32 $0x8F2B, s0  }
0xc4: {  	[sflag:s0] =	ssyncadd.remote.s32 $0x1  }
0xc5: {  	_ =	sfence.sel $0xFFFF  }
0xc6: {  	[dreg:$0x0] =	wrdreg $0xFFFFFFFF;
	(pc) =	sbr.abs _section_cstart, $3  }
0xc7: {  	[dreg:$0x1] =	wrdreg $0xFFFFFFFF  }
0xc8: {  	_ =	task.clear_ibuf [dreg:s8], $0x2FFFF;
	_ =	strace $0x9FFFFFFF  }
0xc9: {  	(tm) =	ssettm $0x7FFFFFFF  }
tec
execute0_lowered:
.L_overlay_start_1:
0x0: {  	(tag) =	ssettag $0x1  }
0x1: {  	s1 =	rddreg [dreg:$0x0]  }
0x2: {  	s4 =	rddreg [dreg:$0x1]  }
0x3: {  	s5 =	rddreg [dreg:$0x2]  }
0x4: {  	s0 =	rddreg [dreg:$0x3];
	s2 =	simm.s32 $0x0  }
0x5: {  	s6 =	srdreg.scid;
	s3 =	stileid.u32;
	s12 =	simm.s32 $0x100  }
0x6: {  	s13 =	simm.s32 $0x8100;
	s14 =	simm.s32 $0x4100;
	s15 =	simm.s32 $0xC100  }
0x7: {  	s16 =	simm.s32 $0x1;
	s17 =	simm.s32 $0x3;
	s18 =	simm.s32 $0x2  }
0x8: {  	s19 =	simm.s32 $0x4;
	s20 =	simm.s32 $0x5;
	s21 =	simm.s32 $0x6  }
0x9: {  	s22 =	simm.s32 $0x0;
	[smem:$0x7FF] =	sst s2;
	s6 =	sand.u32 $0x1, s6  }
0xa: {  	s9 =	sshll.u32 s3, $0x9;
	s8 =	ssub.s32 $0x2, s6;
	s6 =	sshll.u32 s6, $0x8  }
0xb: {  	s7 =	sadd.s32 $0x3400, s5;
	s10 =	sadd.s32 $0x83800, s5;
	s6 =	sor.u32 s6, s9  }
0xc: {  	_ =	strace $0x8000004D;
	s28 =	sshrl.u32 s8, $0x1;
	s30 =	sshrl.u32 s6, $0x3  }
0xd: {  	s29 =	ssub.s32 s8, s28;
	s6 =	sshll.u32 s6, $0x4;
	s4 =	sadd.s32 s4, s30  }
0xe: {  	s31 =	sor.u32 $0x40000, s6;
	s11 =	sor.u32 $0x40800, s6;
	s9 =	smax.u32 s29, $0x1  }
0xf: {  	s5 =	sadd.s32 s7, s31;
	s6 =	sadd.s32 s7, s11;
	s7 =	sadd.s32 s10, s31  }
0x10: {  	s8 =	sadd.s32 s10, s11;
	s10 =	simm.s32 $0x7;
	s11 =	simm.s32 $0x80  }
.LBB2_1:
0x11: {  	[tilespmem:s2], [sflag:$0x7] =	stream.linear.gather [hbm4b:s4+s2], $0x100, $0x38;
	[tilespmem:$0x10100] =	vst v63  }
0x12: {  	_ =	swait.ge [sflag:s10], $0x100  }
0x13: {  	[sflag:s10] =	ssyncset.done $0x0  }
0x14: {  	[sflag:s10] =	ssyncadd.s32 $0xFFFFFF00  }
0x15: {  	[tilespmem:s12], [sflag:$0x1] =	stream.indirect.gather [hbm4b:s1+s11], $0x80, s2, s11, $0xb8;
	[tilespmem:$0x10100] =	vst v63  }
0x16: {  	_ = 	snop  }
0x17: {  	[tilespmem:s13], [sflag:$0x3] =	stream.linear.gather [hbm4b:s5+s2], $0x4000, $0x38;
	[tilespmem:$0x10100] =	vst v63  }
0x18: {  	_ = 	snop  }
0x19: {  	[tilespmem:s14], [sflag:$0x2] =	stream.indirect.gather [hbm4b:s1+s11], $0x80, s11, s11, $0xb8;
	[tilespmem:$0x10100] =	vst v63  }
0x1a: {  	_ = 	snop  }
0x1b: {  	[tilespmem:s15], [sflag:$0x4] =	stream.linear.gather [hbm4b:s6+s2], $0x4000, $0x38;
	[tilespmem:$0x10100] =	vst v63  }
0x1c: {  	_ =	swait.ge [sflag:s16], $0x4000  }
0x1d: {  	[sflag:s16] =	ssyncset.done $0x0  }
0x1e: {  	[sflag:s16] =	ssyncadd.s32 $0xFFFFC000  }
0x1f: {  	_ =	swait.ge [sflag:s17], $0x4000  }
0x20: {  	[sflag:s17] =	ssyncset.done $0x0  }
0x21: {  	s23 =	simm.s32 $0x0;
	[sflag:s17] =	ssyncadd.s32 $0xFFFFC000  }
0x22: {  	v6 =	vld [tilespmem:s23+$0x100]  }
0x23: {  	v13 =	vld [tilespmem:s23+$0x110]  }
0x24: {  	v5 =	vld [tilespmem:s23+$0x120]  }
0x25: {  	v4 =	vld [tilespmem:s23+$0x130]  }
0x26: {  	v3 =	vld [tilespmem:s23+$0x180]  }
0x27: {  	v2 =	vld [tilespmem:s23+$0x190]  }
0x28: {  	v1 =	vld [tilespmem:s23+$0x1A0]  }
0x29: {  	v0 =	vld [tilespmem:s23+$0x1B0]  }
0x2a: {  	v12 =	vld [tilespmem:s23+$0x8100]  }
0x2b: {  	v11 =	vld [tilespmem:s23+$0x8110]  }
0x2c: {  	v10 =	vld [tilespmem:s23+$0x8120]  }
0x2d: {  	v9 =	vld [tilespmem:s23+$0x8130]  }
0x2e: {  	v8 =	vld [tilespmem:s23+$0x8180]  }
0x2f: {  	v7 =	vld [tilespmem:s23+$0x8190];
	v14 =	vsub.f32 v6, v12  }
0x30: {  	s24 =	simm.s32 $0x400;
	v13 =	vsub.f32 v13, v11;
	v6 =	vld [tilespmem:s23+$0x81A0]  }
.LBB2_2:
0x31: {  	s25 =	sshra.s32 s24, $0x2;
	p0 =	sne.s32 s24, $0xFC00;
	v12 =	vadd.f32 v14, v12;
	v5 =	vsub.f32 v5, v10;
	v14 =	vld [tilespmem:s23+$0x81B0]  }
0x32: {  	v15 =	vld [tilespmem:s25+$0x100];
	v11 =	vadd.f32 v13, v11;
	v4 =	vsub.f32 v4, v9  }
0x33: {  	v13 =	vld [tilespmem:s25+$0x110];
	[tilespmem:s23+$0x8100] =	vst v12;
	v10 =	vadd.f32 v5, v10;
	v3 =	vsub.f32 v3, v8  }
0x34: {  	v5 =	vld [tilespmem:s25+$0x120];
	[tilespmem:s23+$0x8110] =	vst v11;
	v9 =	vadd.f32 v4, v9;
	v2 =	vsub.f32 v2, v7  }
0x35: {  	v4 =	vld [tilespmem:s25+$0x130];
	[tilespmem:s23+$0x8120] =	vst v10;
	v8 =	vadd.f32 v3, v8;
	v1 =	vsub.f32 v1, v6  }
0x36: {  	v3 =	vld [tilespmem:s25+$0x180];
	[tilespmem:s23+$0x8130] =	vst v9;
	v7 =	vadd.f32 v2, v7;
	v0 =	vsub.f32 v0, v14  }
0x37: {  	v2 =	vld [tilespmem:s25+$0x190];
	[tilespmem:s23+$0x8180] =	vst v8;
	v6 =	vadd.f32 v1, v6  }
0x38: {  	v1 =	vld [tilespmem:s25+$0x1A0];
	[tilespmem:s23+$0x8190] =	vst v7;
	v7 =	vadd.f32 v0, v14  }
0x39: {  	v0 =	vld [tilespmem:s25+$0x1B0];
	[tilespmem:s23+$0x81A0] =	vst v6  }
0x3a: {  	v12 =	vld [tilespmem:s25+$0x8100];
	[tilespmem:s23+$0x81B0] =	vst v7;
	s23 =	smov.u32 s25  }
0x3b: {  	v11 =	vld [tilespmem:s23+$0x8110]  }
.Ltmp0:
0x3c: {  	v10 =	vld [tilespmem:s23+$0x8120];
	(pc) =	sbr.rel @p0 .LBB2_2-.Ltmp0, $4  }
0x3d: {  	v9 =	vld [tilespmem:s23+$0x8130]  }
0x3e: {  	v8 =	vld [tilespmem:s23+$0x8180]  }
0x3f: {  	v14 =	vsub.f32 v15, v12;
	v7 =	vld [tilespmem:s23+$0x8190]  }
0x40: {  	s24 =	sadd.s32 $0x400, s24;
	v13 =	vsub.f32 v13, v11;
	v6 =	vld [tilespmem:s23+$0x81A0]  }
0x41: {  	v12 =	vadd.f32 v14, v12;
	v5 =	vsub.f32 v5, v10;
	v14 =	vld [tilespmem:s23+$0x81B0]  }
0x42: {  	v11 =	vadd.f32 v13, v11;
	v4 =	vsub.f32 v4, v9  }
0x43: {  	[tilespmem:s23+$0x8100] =	vst v12;
	v5 =	vadd.f32 v5, v10;
	v3 =	vsub.f32 v3, v8  }
0x44: {  	[tilespmem:s23+$0x8110] =	vst v11;
	v4 =	vadd.f32 v4, v9;
	v2 =	vsub.f32 v2, v7  }
0x45: {  	[tilespmem:s23+$0x8120] =	vst v5;
	v3 =	vadd.f32 v3, v8;
	v1 =	vsub.f32 v1, v6  }
0x46: {  	[tilespmem:s23+$0x8130] =	vst v4;
	v2 =	vadd.f32 v2, v7;
	v0 =	vsub.f32 v0, v14  }
0x47: {  	[tilespmem:s23+$0x8180] =	vst v3;
	v1 =	vadd.f32 v1, v6  }
0x48: {  	[tilespmem:s23+$0x8190] =	vst v2;
	v0 =	vadd.f32 v0, v14  }
0x49: {  	[tilespmem:s23+$0x81A0] =	vst v1  }
0x4a: {  	s31 =	simm.s32 $0x0;
	[tilespmem:s23+$0x81B0] =	vst v0  }
0x4b: {  	[hbm4b:s7+s31] =	stream.linear.scatter [tilespmem:s13], [sflag:$0x5], $0x4000, $0x38;
	[tilespmem:$0x10100] =	vst v63  }
0x4c: {  	_ =	swait.ge [sflag:s18], $0x4000  }
0x4d: {  	[sflag:s18] =	ssyncset.done $0x0  }
0x4e: {  	[sflag:s18] =	ssyncadd.s32 $0xFFFFC000  }
0x4f: {  	_ =	swait.ge [sflag:s19], $0x4000  }
0x50: {  	[sflag:s19] =	ssyncset.done $0x0  }
0x51: {  	s23 =	simm.s32 $0x0;
	[sflag:s19] =	ssyncadd.s32 $0xFFFFC000  }
0x52: {  	v6 =	vld [tilespmem:s23+$0x4100]  }
0x53: {  	v13 =	vld [tilespmem:s23+$0x4110]  }
0x54: {  	v5 =	vld [tilespmem:s23+$0x4120]  }
0x55: {  	v4 =	vld [tilespmem:s23+$0x4130]  }
0x56: {  	v3 =	vld [tilespmem:s23+$0x4180]  }
0x57: {  	v2 =	vld [tilespmem:s23+$0x4190]  }
0x58: {  	v1 =	vld [tilespmem:s23+$0x41A0]  }
0x59: {  	v0 =	vld [tilespmem:s23+$0x41B0]  }
0x5a: {  	v12 =	vld [tilespmem:s23+$0xC100]  }
0x5b: {  	v11 =	vld [tilespmem:s23+$0xC110]  }
0x5c: {  	v10 =	vld [tilespmem:s23+$0xC120]  }
0x5d: {  	v9 =	vld [tilespmem:s23+$0xC130]  }
0x5e: {  	v8 =	vld [tilespmem:s23+$0xC180]  }
0x5f: {  	v7 =	vld [tilespmem:s23+$0xC190];
	v14 =	vsub.f32 v6, v12  }
0x60: {  	s24 =	simm.s32 $0x400;
	v13 =	vsub.f32 v13, v11;
	v6 =	vld [tilespmem:s23+$0xC1A0]  }
.LBB2_4:
0x61: {  	s25 =	sshra.s32 s24, $0x2;
	p0 =	sne.s32 s24, $0xFC00;
	v12 =	vadd.f32 v14, v12;
	v5 =	vsub.f32 v5, v10;
	v14 =	vld [tilespmem:s23+$0xC1B0]  }
0x62: {  	v15 =	vld [tilespmem:s25+$0x4100];
	v11 =	vadd.f32 v13, v11;
	v4 =	vsub.f32 v4, v9  }
0x63: {  	v13 =	vld [tilespmem:s25+$0x4110];
	[tilespmem:s23+$0xC100] =	vst v12;
	v10 =	vadd.f32 v5, v10;
	v3 =	vsub.f32 v3, v8  }
0x64: {  	v5 =	vld [tilespmem:s25+$0x4120];
	[tilespmem:s23+$0xC110] =	vst v11;
	v9 =	vadd.f32 v4, v9;
	v2 =	vsub.f32 v2, v7  }
0x65: {  	v4 =	vld [tilespmem:s25+$0x4130];
	[tilespmem:s23+$0xC120] =	vst v10;
	v8 =	vadd.f32 v3, v8;
	v1 =	vsub.f32 v1, v6  }
0x66: {  	v3 =	vld [tilespmem:s25+$0x4180];
	[tilespmem:s23+$0xC130] =	vst v9;
	v7 =	vadd.f32 v2, v7;
	v0 =	vsub.f32 v0, v14  }
0x67: {  	v2 =	vld [tilespmem:s25+$0x4190];
	[tilespmem:s23+$0xC180] =	vst v8;
	v6 =	vadd.f32 v1, v6  }
0x68: {  	v1 =	vld [tilespmem:s25+$0x41A0];
	[tilespmem:s23+$0xC190] =	vst v7;
	v7 =	vadd.f32 v0, v14  }
0x69: {  	v0 =	vld [tilespmem:s25+$0x41B0];
	[tilespmem:s23+$0xC1A0] =	vst v6  }
0x6a: {  	v12 =	vld [tilespmem:s25+$0xC100];
	[tilespmem:s23+$0xC1B0] =	vst v7;
	s23 =	smov.u32 s25  }
0x6b: {  	v11 =	vld [tilespmem:s23+$0xC110]  }
.Ltmp1:
0x6c: {  	v10 =	vld [tilespmem:s23+$0xC120];
	(pc) =	sbr.rel @p0 .LBB2_4-.Ltmp1, $4  }
0x6d: {  	v9 =	vld [tilespmem:s23+$0xC130]  }
0x6e: {  	v8 =	vld [tilespmem:s23+$0xC180]  }
0x6f: {  	v14 =	vsub.f32 v15, v12;
	v7 =	vld [tilespmem:s23+$0xC190]  }
0x70: {  	s24 =	sadd.s32 $0x400, s24;
	v13 =	vsub.f32 v13, v11;
	v6 =	vld [tilespmem:s23+$0xC1A0]  }
0x71: {  	v12 =	vadd.f32 v14, v12;
	v5 =	vsub.f32 v5, v10;
	v63 =	vld [tilespmem:s23+$0xC1B0]  }
0x72: {  	v11 =	vadd.f32 v13, v11;
	v4 =	vsub.f32 v4, v9  }
0x73: {  	[tilespmem:s23+$0xC100] =	vst v12;
	v5 =	vadd.f32 v5, v10;
	v3 =	vsub.f32 v3, v8  }
0x74: {  	[tilespmem:s23+$0xC110] =	vst v11;
	v4 =	vadd.f32 v4, v9;
	v2 =	vsub.f32 v2, v7  }
0x75: {  	[tilespmem:s23+$0xC120] =	vst v5;
	v3 =	vadd.f32 v3, v8;
	v1 =	vsub.f32 v1, v6  }
0x76: {  	[tilespmem:s23+$0xC130] =	vst v4;
	v2 =	vadd.f32 v2, v7;
	v0 =	vsub.f32 v0, v63  }
0x77: {  	[tilespmem:s23+$0xC180] =	vst v3;
	v1 =	vadd.f32 v1, v6  }
0x78: {  	[tilespmem:s23+$0xC190] =	vst v2;
	v0 =	vadd.f32 v0, v63  }
0x79: {  	[tilespmem:s23+$0xC1A0] =	vst v1  }
0x7a: {  	s22 =	sadd.s32 $0x1, s22;
	[tilespmem:s23+$0xC1B0] =	vst v0  }
0x7b: {  	[hbm4b:s8+s2] =	stream.linear.scatter [tilespmem:s15], [sflag:$0x6], $0x4000, $0x38;
	[tilespmem:$0x10100] =	vst v63  }
0x7c: {  	p0 =	sne.s32 s22, s9;
	_ =	swait.ge [sflag:s20], $0x4000  }
.Ltmp2:
0x7d: {  	[sflag:s20] =	ssyncset.done $0x0;
	(pc) =	sbr.rel @p0 .LBB2_1-.Ltmp2, $4  }
0x7e: {  	[sflag:s20] =	ssyncadd.s32 $0xFFFFC000  }
0x7f: {  	_ =	swait.ge [sflag:s21], $0x4000  }
0x80: {  	[sflag:s21] =	ssyncset.done $0x0  }
0x81: {  	[sflag:s21] =	ssyncadd.s32 $0xFFFFC000  }
0x82: {  	_ =	sfence.sel $0x180000  }
0x83: {  	[bflag:$0x0] =	sbarrier.arrive $0xFFFF  }
0x84: {  	p0 =	sne.s32 s3, $0x0;
	_ =	strace $0x9000004D  }
0x85: {  	s0 =	sadd.s32 @!p0 $0x100000, s0;
	[bflag:$0x2] =	sbarrier.arrive $0xFFFF  }
0x86: {  	[sflag:s0] =	ssyncadd.tile.s32 @!p0 $0x1;
	_ =	shalt  }
.Lfunc_end2:
_tile_overlayer_lowered:
.L_overlay_start_2:
0x87: {  	(tag) =	ssettag $0x2  }
0x88: {  	s0 =	rddreg [dreg:$0x0];
	s2 =	stileid.u32  }
0x89: {  	s1 =	rddreg [dreg:$0x1];
	p0 =	sne.s32 s2, $0x0  }
0x8a: {  	s3 =	rddreg [dreg:$0x2];
	[bflag:$0x3] =	sbarrier.arrive $0xFFFF;
	s2 =	simm.s32 @!p0 $0x1C07  }
0x8b: {  	[timem:s3], [sflag:s2] =	dma.local @!p0 [hbm:s0], s1  }
0x8c: {  	s0 =	simm.s32 @!p0 $0x7  }
0x8d: {  	_ =	swait.ge @!p0 [sflag:s0], s1  }
0x8e: {  	s1 =	ssub.s32 @!p0 $0x0, s1;
	[sflag:s0] =	ssyncset.done @!p0 $0x0  }
0x8f: {  	[sflag:s0] =	ssyncadd.s32 @!p0 s1  }
0x90: {  	[bflag:$0x3] =	sbarrier.arrive $0xFFFF  }
0x91: {  	_ =	shalt  }

// kernel: kernel.19.cloned.1.call-start
scs
__scs_entry_jumppad:
0x0: {  	(pc) =	sbr.rel $0x88, $3  }
0x1: {  	(tag) =	ssettag $0x0;
	lr =	simm.s32 $0x1  }
0x2: {  	[smem:$0x3F9F] =	sst lr;
	_ =	strace $0xD0000000  }
0x3: {  	_ = 	snop  }
0x4: {  	_ = 	snop  }
0x5: {  	_ = 	snop  }
0x6: {  	_ = 	snop  }
0x7: {  	_ = 	snop  }
__scs_overlays_trampoline_lowered:
0x8: {  	[smem:$0x3FAE] =	sst s0  }
0x9: {  	[smem:$0x3FAF] =	sst s1  }
0xa: {  	[smem:$0x3FB0] =	sst s2  }
0xb: {  	[smem:$0x3FB1] =	sst s3  }
0xc: {  	[smem:$0x3FB2] =	sst s4  }
0xd: {  	[smem:$0x3FB3] =	sst s5  }
0xe: {  	[smem:$0x3FB4] =	sst s6  }
0xf: {  	[smem:$0x3FB5] =	sst s7  }
0x10: {  	[smem:$0x3FB6] =	sst s8  }
0x11: {  	[smem:$0x3FB7] =	sst s9;
	s0 =	simm.s32 @!p0 $0x0  }
0x12: {  	s1 =	sld [smem:$0x3F9D];
	s0 =	simm.s32 @p0 $0x1  }
0x13: {  	[smem:$0x3FB8] =	sst s0;
	s0 =	simm.s32 @!p1 $0x0  }
0x14: {  	s2 =	sld [smem:$0x3F9C];
	s0 =	simm.s32 @p1 $0x1  }
0x15: {  	[smem:$0x3FB9] =	sst s0;
	s0 =	simm.s32 @!p2 $0x0  }
0x16: {  	s3 =	sld [smem:$0x3FDB];
	s0 =	simm.s32 @p2 $0x1  }
0x17: {  	s4 =	simm.s32 $0x1BF5;
	[smem:$0x3FBB] =	sst s0  }
0x18: {  	s0 =	sld [smem:$0x3F9E];
	_ =	swait.ge [sflag:s4], $0x0  }
0x19: {  	s7 =	sld [smem:$0x3F9F]  }
0x1a: {  	s8 =	sadd.s32 $0xFFFFE003, lr  }
0x1b: {  	s9 =	sadd.s32 $0xFFFFFEF7, lr;
	s5 =	simm.s32 $0xFFFFFFFF;
	p2 =	slt.u32 s8, $0xFFFFF086  }
0x1c: {  	p1 =	slt.u32 s9, $0xF7A;
	s5 =	simm.s32 @!p2 $0x0  }
0x1d: {  	s5 =	simm.s32 @p1 $0x1;
	p0 =	seq.s32 s7, s2  }
0x1e: {  	s7 =	smul.u32 @!p0 $0xF7A, s2;
	p2 =	seq.s32 @!p0 s5, $0x0  }
0x1f: {  	s9 =	smul.u32 $0xF7A, s1;
	s8 =	simm.s32 @!p0 $0x1BF5;
	p2 =	por !p2, p0  }
0x20: {  	[sflag:s8] =	ssyncset.s32 @!p0 $0xFFFFF086;
	s6 =	sadd.s32 @!p0 s3, s7;
	s7 =	simm.s32 @!p0 $0x108  }
0x21: {  	s3 =	sadd.s32 s3, s9;
	s6 =	sadd.s32 @!p0 $0x88, s6;
	s7 =	simm.s32 @p2 $0x1082  }
0x22: {  	[simem:s7], [sflag:s8] =	dma.local @!p0 [hbm:s6], $0xF7A  }
0x23: {  	s9 =	sor.u32 $0xD0000000, s2;
	s6 =	simm.s32 $0x108;
	_ =	swait.ge @!p0 [sflag:s8], $0x0  }
0x24: {  	s3 =	sadd.s32 $0x88, s3;
	s6 =	simm.s32 @!p1 $0x1082;
	[sflag:s4] =	ssyncset.s32 $0xFFFFF086  }
0x25: {  	[simem:s6], [sflag:s4] =	dma.local [hbm:s3], $0xF7A  }
0x26: {  	[smem:$0x3F9F] =	sst s1;
	(tag) =	ssettag s2;
	_ =	strace s9  }
0x27: {  	s1 =	sld [smem:$0x3FAF]  }
0x28: {  	s2 =	sld [smem:$0x3FB0]  }
0x29: {  	s4 =	sld [smem:$0x3FB2]  }
0x2a: {  	p0 =	seq.s32 s5, $0x0;
	s5 =	sld [smem:$0x3FB3]  }
0x2b: {  	s6 =	sld [smem:$0x3FB4]  }
0x2c: {  	s7 =	sld [smem:$0x3FB5]  }
0x2d: {  	s3 =	simm.s32 $0x108;
	s8 =	sld [smem:$0x3FB6]  }
0x2e: {  	s3 =	simm.s32 @!p0 $0x1082;
	s9 =	sld [smem:$0x3FB7]  }
0x2f: {  	lr =	sadd.s32 s0, s3;
	s0 =	sld [smem:$0x3FAE]  }
0x30: {  	s3 =	sld [smem:$0x3FB1]  }
0x31: {  	[smem:$0x3FBA] =	sst s10  }
0x32: {  	s10 =	sld [smem:$0x3FB8];
	_ =	sdelay $0x3  }
0x33: {  	p0 =	seq.s32 s10, $0x1;
	s10 =	sld [smem:$0x3FBA];
	_ =	sdelay $0x3  }
0x34: {  	[smem:$0x3FBA] =	sst s10  }
0x35: {  	s10 =	sld [smem:$0x3FB9];
	_ =	sdelay $0x3  }
0x36: {  	p1 =	seq.s32 s10, $0x1;
	s10 =	sld [smem:$0x3FBA];
	_ =	sdelay $0x3  }
0x37: {  	[smem:$0x3FBA] =	sst s10  }
0x38: {  	s10 =	sld [smem:$0x3FBB]  }
0x39: {  	_ = 	snop;
	(pc) =	sbr.ind lr, $3  }
0x3a: {  	_ = 	snop  }
0x3b: {  	_ = 	snop  }
0x3c: {  	p2 =	seq.s32 s10, $0x1;
	s10 =	sld [smem:$0x3FBA]  }
0x3d: {  	_ =	shalt  }
0x3e: {  	_ =	shalt  }
0x3f: {  	_ =	shalt  }
0x40: {  	_ =	shalt  }
0x41: {  	_ =	shalt  }
0x42: {  	_ =	shalt  }
0x43: {  	_ =	shalt  }
0x44: {  	_ =	shalt  }
0x45: {  	_ =	shalt  }
0x46: {  	_ =	shalt  }
0x47: {  	_ =	shalt  }
0x48: {  	_ =	shalt  }
0x49: {  	_ =	shalt  }
0x4a: {  	_ =	shalt  }
0x4b: {  	_ =	shalt  }
0x4c: {  	_ =	shalt  }
0x4d: {  	_ =	shalt  }
0x4e: {  	_ =	shalt  }
0x4f: {  	_ =	shalt  }
0x50: {  	_ =	shalt  }
0x51: {  	_ =	shalt  }
0x52: {  	_ =	shalt  }
0x53: {  	_ =	shalt  }
0x54: {  	_ =	shalt  }
0x55: {  	_ =	shalt  }
0x56: {  	_ =	shalt  }
0x57: {  	_ =	shalt  }
0x58: {  	_ =	shalt  }
0x59: {  	_ =	shalt  }
0x5a: {  	_ =	shalt  }
0x5b: {  	_ =	shalt  }
0x5c: {  	_ =	shalt  }
0x5d: {  	_ =	shalt  }
0x5e: {  	_ =	shalt  }
0x5f: {  	_ =	shalt  }
0x60: {  	_ =	shalt  }
0x61: {  	_ =	shalt  }
0x62: {  	_ =	shalt  }
0x63: {  	_ =	shalt  }
0x64: {  	_ =	shalt  }
0x65: {  	_ =	shalt  }
0x66: {  	_ =	shalt  }
0x67: {  	_ =	shalt  }
0x68: {  	_ =	shalt  }
0x69: {  	_ =	shalt  }
0x6a: {  	_ =	shalt  }
0x6b: {  	_ =	shalt  }
0x6c: {  	_ =	shalt  }
0x6d: {  	_ =	shalt  }
0x6e: {  	_ =	shalt  }
0x6f: {  	_ =	shalt  }
0x70: {  	_ =	shalt  }
0x71: {  	_ =	shalt  }
0x72: {  	_ =	shalt  }
0x73: {  	_ =	shalt  }
0x74: {  	_ =	shalt  }
0x75: {  	_ =	shalt  }
0x76: {  	_ =	shalt  }
0x77: {  	_ =	shalt  }
0x78: {  	_ =	shalt  }
0x79: {  	_ =	shalt  }
0x7a: {  	_ =	shalt  }
0x7b: {  	_ =	shalt  }
0x7c: {  	_ =	shalt  }
0x7d: {  	_ =	shalt  }
0x7e: {  	_ =	shalt  }
0x7f: {  	_ =	shalt  }
0x80: {  	_ =	shalt  }
0x81: {  	_ =	shalt  }
0x82: {  	_ =	shalt  }
0x83: {  	_ =	shalt  }
0x84: {  	_ =	shalt  }
0x85: {  	_ =	shalt  }
0x86: {  	_ =	shalt  }
0x87: {  	_ =	shalt  }
.Lfunc_end0:
.L_simem_size_0:
called_computation.3_lowered:
.L_overlay_start_0:
0x88: {  	s2 =	sld [smem:$0x3FD9]  }
0x89: {  	s3 =	sld [smem:$0x3FFE];
	_ =	sdelay $0x1  }
0x8a: {  	s1 =	srdreg.scid  }
0x8b: {  	s0 =	sand.u32 $0x1, s1  }
0x8c: {  	s14 =	sshll.u32 s0, $0xA;
	s2 =	sadd.s32 s3, s2  }
0x8d: {  	s2 =	sadd.s32 s2, s14  }
0x8e: {  	[smem:$0x3FC6] =	sst s2  }
0x8f: {  	_ = 	snop  }
0x90: {  	s2 =	sld [smem:$0x3FD0];
	_ =	sdelay $0x2  }
0x91: {  	s15 =	simm.s32 $0xA;
	s4 =	simm.s32 $0x10  }
0x92: {  	[smem:s4], [sflag:s15] =	dma.local [hbm:s2], $0x1  }
0x93: {  	_ =	swait.eq [sflag:s15], $0x1  }
0x94: {  	[sflag:s15] =	ssyncset.done $0x0  }
0x95: {  	[sflag:s15] =	ssyncadd.s32 $0xFFFFFFFF  }
0x96: {  	s16 =	sld [smem:$0x10];
	(tm) =	ssettm $0x1  }
0x97: {  	s17 =	sld [smem:$0x3FFB];
	_ =	sdelay $0x3  }
0x98: {  	_ =	strace s17  }
0x99: {  	s3 =	sld [smem:$0x3FFC];
	_ =	sdelay $0x3  }
0x9a: {  	_ =	strace s3  }
0x9b: {  	s3 =	sld [smem:$0x3FFD];
	_ =	sdelay $0x3  }
0x9c: {  	_ =	strace s3  }
0x9d: {  	_ =	strace $0x8FFFFFFF  }
0x9e: {  	s18 =	sld [smem:$0x3FDB];
	_ =	sdelay $0x1  }
0x9f: {  	s19 =	simm.s32 $_scs_section_size  }
0xa0: {  	s5 =	simm.s32 $_size__tile_overlayer_lowered;
	s6 =	simm.s32 $_tile_overlayer_lowered  }
0xa1: {  	s22 =	simm.s32 $0x1BFF;
	s21 =	sshll.u32 s6, $0x1;
	s3 =	sadd.s32 s19, s18  }
0xa2: {  	s7 =	simm.s32 $0x0;
	s20 =	sshll.u32 s5, $0x1;
	s5 =	sadd.s32 s21, s3  }
0xa3: {  	[timem:s7], [sflag:s22] =	dma.local [hbm:s5], s20  }
0xa4: {  	_ =	swait.ge [sflag:s22], s20  }
0xa5: {  	s4 =	ssub.s32 $0x0, s20;
	[sflag:s22] =	ssyncset.done $0x0  }
0xa6: {  	[sflag:s22] =	ssyncadd.s32 s4;
	_ =	sdelay $0x1  }
0xa7: {  	s23 =	simm.s32 $0x1B8B  }
0xa8: {  	_ =	swait.ge [sflag:s23], $0x1  }
0xa9: {  	[sflag:s23] =	ssyncset.done $0x0  }
0xaa: {  	s25 =	simm.s32 $0x1B8E;
	s24 =	sld [smem:$0x3FFE];
	[sflag:s23] =	ssyncadd.s32 $0xFFFFFFFF  }
0xab: {  	s26 =	simm.s32 $execute0_lowered;
	[smem:$0x3FD2] =	sst s25  }
0xac: {  	s5 =	sshll.u32 s26, $0x1;
	_ =	strace $0x8000004F;
	[dreg:$0x1] =	wrdreg $0xFFFFFFFF  }
0xad: {  	s28 =	simm.s32 $_size_execute0_lowered;
	s3 =	sadd.s32 s3, s5;
	[dreg:$0x0] =	wrdreg $0x0  }
0xae: {  	s5 =	sshll.u32 s28, $0x1;
	[dreg:$0x2] =	wrdreg s3  }
0xaf: {  	[dreg:$0x3] =	wrdreg s5  }
0xb0: {  	[dreg:$0x4] =	wrdreg $0xC0  }
0xb1: {  	_ =	task [dreg:s7], $0x5FFFF  }
0xb2: {  	[dreg:$0x1] =	wrdreg $0xFFFFFFFF  }
0xb3: {  	[dreg:$0x0] =	wrdreg $0x60  }
0xb4: {  	[dreg:$0x2] =	wrdreg s16  }
0xb5: {  	[dreg:$0x3] =	wrdreg s24  }
0xb6: {  	[dreg:$0x4] =	wrdreg $0x9  }
0xb7: {  	_ =	task.clear_ibuf [dreg:s7], $0x5FFFF;
	_ =	strace $0x9000004F  }
0xb8: {  	s29 =	simm.s32 $0x9;
	_ =	strace $0x80000051  }
0xb9: {  	_ =	swait.ge [sflag:s29], $0x1  }
0xba: {  	[sflag:s29] =	ssyncadd.s32 $0xFFFFFFFF  }
0xbb: {  	_ =	strace $0x90000051  }
0xbc: {  	_ =	sfence  }
0xbd: {  	s30 =	sld [smem:$0x0];
	_ =	sdelay $0x2  }
0xbe: {  	s31 =	sshll.u32 s1, $0xD;
	s1 =	sshrl.u32 s1, $0x2  }
0xbf: {  	s3 =	sand.u32 $0x4000, s31;
	s1 =	sadd.s32 s1, s30  }
0xc0: {  	s0 =	sor.u32 s3, s0;
	s1 =	sshll.u32 s1, $0x11  }
0xc1: {  	s0 =	sor.u32 s1, s0  }
0xc2: {  	s0 =	sadd.s32 $0x8F2B, s0  }
0xc3: {  	[sflag:s0] =	ssyncadd.remote.s32 $0x1  }
0xc4: {  	_ =	sfence.sel $0xFFFF  }
0xc5: {  	[dreg:$0x0] =	wrdreg $0xFFFFFFFF;
	(pc) =	sbr.abs _section_cstart, $3  }
0xc6: {  	[dreg:$0x1] =	wrdreg $0xFFFFFFFF  }
0xc7: {  	_ =	task.clear_ibuf [dreg:s7], $0x2FFFF;
	_ =	strace $0x9FFFFFFF  }
0xc8: {  	(tm) =	ssettm $0x7FFFFFFF  }
0xc9: {  	_ =	shalt  }
tec
execute0_lowered:
.L_overlay_start_1:
0x0: {  	(tag) =	ssettag $0x1  }
0x1: {  	s2 =	rddreg [dreg:$0x0]  }
0x2: {  	s4 =	rddreg [dreg:$0x1];
	s3 =	srdreg.scid  }
0x3: {  	s0 =	rddreg [dreg:$0x2];
	s1 =	stileid.u32  }
0x4: {  	s12 =	simm.s32 $0x100;
	s13 =	simm.s32 $0x8100;
	s14 =	simm.s32 $0x4100  }
0x5: {  	s15 =	simm.s32 $0xC100;
	s16 =	simm.s32 $0x1;
	s17 =	simm.s32 $0x3  }
0x6: {  	s18 =	simm.s32 $0x2;
	s19 =	simm.s32 $0x4;
	s20 =	simm.s32 $0x5  }
0x7: {  	s21 =	simm.s32 $0x6;
	s22 =	simm.s32 $0x0;
	s5 =	sand.u32 $0x1, s3  }
0x8: {  	s3 =	simm.s32 $0x0;
	s6 =	sshll.u32 s1, $0x9;
	s8 =	sadd.s32 $0x3400, s4  }
0x9: {  	s10 =	sadd.s32 $0x83800, s4;
	s7 =	sshll.u32 s5, $0x8;
	[smem:$0x7FF] =	sst s3  }
0xa: {  	s5 =	ssub.s32 $0x2, s5;
	s6 =	sor.u32 s7, s6;
	_ =	strace $0x80000050  }
0xb: {  	s9 =	sshrl.u32 s5, $0x1;
	s7 =	sshrl.u32 s6, $0x3;
	s30 =	sshll.u32 s6, $0x4  }
0xc: {  	s9 =	ssub.s32 s5, s9;
	s7 =	sadd.s32 s7, s4;
	s31 =	sor.u32 $0x60000, s30  }
0xd: {  	s11 =	sor.u32 $0x60800, s30;
	s9 =	smax.u32 s9, $0x1;
	s4 =	sadd.s32 $0x103C00, s7  }
0xe: {  	s5 =	sadd.s32 s8, s31;
	s6 =	sadd.s32 s8, s11;
	s7 =	sadd.s32 s10, s31  }
0xf: {  	s8 =	sadd.s32 s10, s11;
	s10 =	simm.s32 $0x7;
	s11 =	simm.s32 $0x80  }
.LBB2_1:
0x10: {  	[tilespmem:s3], [sflag:$0x7] =	stream.linear.gather [hbm4b:s4+s3], $0x100, $0x38;
	[tilespmem:$0x10100] =	vst v63  }
0x11: {  	_ =	swait.ge [sflag:s10], $0x100  }
0x12: {  	[sflag:s10] =	ssyncset.done $0x0  }
0x13: {  	[sflag:s10] =	ssyncadd.s32 $0xFFFFFF00  }
0x14: {  	[tilespmem:s12], [sflag:$0x1] =	stream.indirect.gather [hbm4b:s2+s11], $0x80, s3, s11, $0xb8;
	[tilespmem:$0x10100] =	vst v63  }
0x15: {  	_ = 	snop  }
0x16: {  	[tilespmem:s13], [sflag:$0x3] =	stream.linear.gather [hbm4b:s5+s3], $0x4000, $0x38;
	[tilespmem:$0x10100] =	vst v63  }
0x17: {  	_ = 	snop  }
0x18: {  	[tilespmem:s14], [sflag:$0x2] =	stream.indirect.gather [hbm4b:s2+s11], $0x80, s11, s11, $0xb8;
	[tilespmem:$0x10100] =	vst v63  }
0x19: {  	_ = 	snop  }
0x1a: {  	[tilespmem:s15], [sflag:$0x4] =	stream.linear.gather [hbm4b:s6+s3], $0x4000, $0x38;
	[tilespmem:$0x10100] =	vst v63  }
0x1b: {  	_ =	swait.ge [sflag:s16], $0x4000  }
0x1c: {  	[sflag:s16] =	ssyncset.done $0x0  }
0x1d: {  	[sflag:s16] =	ssyncadd.s32 $0xFFFFC000  }
0x1e: {  	_ =	swait.ge [sflag:s17], $0x4000  }
0x1f: {  	[sflag:s17] =	ssyncset.done $0x0  }
0x20: {  	s23 =	simm.s32 $0x0;
	[sflag:s17] =	ssyncadd.s32 $0xFFFFC000  }
0x21: {  	v6 =	vld [tilespmem:s23+$0x100]  }
0x22: {  	v13 =	vld [tilespmem:s23+$0x110]  }
0x23: {  	v5 =	vld [tilespmem:s23+$0x120]  }
0x24: {  	v4 =	vld [tilespmem:s23+$0x130]  }
0x25: {  	v3 =	vld [tilespmem:s23+$0x180]  }
0x26: {  	v2 =	vld [tilespmem:s23+$0x190]  }
0x27: {  	v1 =	vld [tilespmem:s23+$0x1A0]  }
0x28: {  	v0 =	vld [tilespmem:s23+$0x1B0]  }
0x29: {  	v12 =	vld [tilespmem:s23+$0x8100]  }
0x2a: {  	v11 =	vld [tilespmem:s23+$0x8110]  }
0x2b: {  	v10 =	vld [tilespmem:s23+$0x8120]  }
0x2c: {  	v9 =	vld [tilespmem:s23+$0x8130]  }
0x2d: {  	v8 =	vld [tilespmem:s23+$0x8180]  }
0x2e: {  	v7 =	vld [tilespmem:s23+$0x8190];
	v14 =	vsub.f32 v6, v12  }
0x2f: {  	s24 =	simm.s32 $0x400;
	v13 =	vsub.f32 v13, v11;
	v6 =	vld [tilespmem:s23+$0x81A0]  }
.LBB2_2:
0x30: {  	s25 =	sshra.s32 s24, $0x2;
	p0 =	sne.s32 s24, $0xFC00;
	v12 =	vadd.f32 v14, v12;
	v5 =	vsub.f32 v5, v10;
	v14 =	vld [tilespmem:s23+$0x81B0]  }
0x31: {  	v15 =	vld [tilespmem:s25+$0x100];
	v11 =	vadd.f32 v13, v11;
	v4 =	vsub.f32 v4, v9  }
0x32: {  	v13 =	vld [tilespmem:s25+$0x110];
	[tilespmem:s23+$0x8100] =	vst v12;
	v10 =	vadd.f32 v5, v10;
	v3 =	vsub.f32 v3, v8  }
0x33: {  	v5 =	vld [tilespmem:s25+$0x120];
	[tilespmem:s23+$0x8110] =	vst v11;
	v9 =	vadd.f32 v4, v9;
	v2 =	vsub.f32 v2, v7  }
0x34: {  	v4 =	vld [tilespmem:s25+$0x130];
	[tilespmem:s23+$0x8120] =	vst v10;
	v8 =	vadd.f32 v3, v8;
	v1 =	vsub.f32 v1, v6  }
0x35: {  	v3 =	vld [tilespmem:s25+$0x180];
	[tilespmem:s23+$0x8130] =	vst v9;
	v7 =	vadd.f32 v2, v7;
	v0 =	vsub.f32 v0, v14  }
0x36: {  	v2 =	vld [tilespmem:s25+$0x190];
	[tilespmem:s23+$0x8180] =	vst v8;
	v6 =	vadd.f32 v1, v6  }
0x37: {  	v1 =	vld [tilespmem:s25+$0x1A0];
	[tilespmem:s23+$0x8190] =	vst v7;
	v7 =	vadd.f32 v0, v14  }
0x38: {  	v0 =	vld [tilespmem:s25+$0x1B0];
	[tilespmem:s23+$0x81A0] =	vst v6  }
0x39: {  	v12 =	vld [tilespmem:s25+$0x8100];
	[tilespmem:s23+$0x81B0] =	vst v7;
	s23 =	smov.u32 s25  }
0x3a: {  	v11 =	vld [tilespmem:s23+$0x8110]  }
.Ltmp0:
0x3b: {  	v10 =	vld [tilespmem:s23+$0x8120];
	(pc) =	sbr.rel @p0 .LBB2_2-.Ltmp0, $4  }
0x3c: {  	v9 =	vld [tilespmem:s23+$0x8130]  }
0x3d: {  	v8 =	vld [tilespmem:s23+$0x8180]  }
0x3e: {  	v14 =	vsub.f32 v15, v12;
	v7 =	vld [tilespmem:s23+$0x8190]  }
0x3f: {  	s24 =	sadd.s32 $0x400, s24;
	v13 =	vsub.f32 v13, v11;
	v6 =	vld [tilespmem:s23+$0x81A0]  }
0x40: {  	v12 =	vadd.f32 v14, v12;
	v5 =	vsub.f32 v5, v10;
	v14 =	vld [tilespmem:s23+$0x81B0]  }
0x41: {  	v11 =	vadd.f32 v13, v11;
	v4 =	vsub.f32 v4, v9  }
0x42: {  	[tilespmem:s23+$0x8100] =	vst v12;
	v5 =	vadd.f32 v5, v10;
	v3 =	vsub.f32 v3, v8  }
0x43: {  	[tilespmem:s23+$0x8110] =	vst v11;
	v4 =	vadd.f32 v4, v9;
	v2 =	vsub.f32 v2, v7  }
0x44: {  	[tilespmem:s23+$0x8120] =	vst v5;
	v3 =	vadd.f32 v3, v8;
	v1 =	vsub.f32 v1, v6  }
0x45: {  	[tilespmem:s23+$0x8130] =	vst v4;
	v2 =	vadd.f32 v2, v7;
	v0 =	vsub.f32 v0, v14  }
0x46: {  	[tilespmem:s23+$0x8180] =	vst v3;
	v1 =	vadd.f32 v1, v6  }
0x47: {  	[tilespmem:s23+$0x8190] =	vst v2;
	v0 =	vadd.f32 v0, v14  }
0x48: {  	[tilespmem:s23+$0x81A0] =	vst v1  }
0x49: {  	s31 =	simm.s32 $0x0;
	[tilespmem:s23+$0x81B0] =	vst v0  }
0x4a: {  	[hbm4b:s7+s31] =	stream.linear.scatter [tilespmem:s13], [sflag:$0x5], $0x4000, $0x38;
	[tilespmem:$0x10100] =	vst v63  }
0x4b: {  	_ =	swait.ge [sflag:s18], $0x4000  }
0x4c: {  	[sflag:s18] =	ssyncset.done $0x0  }
0x4d: {  	[sflag:s18] =	ssyncadd.s32 $0xFFFFC000  }
0x4e: {  	_ =	swait.ge [sflag:s19], $0x4000  }
0x4f: {  	[sflag:s19] =	ssyncset.done $0x0  }
0x50: {  	s23 =	simm.s32 $0x0;
	[sflag:s19] =	ssyncadd.s32 $0xFFFFC000  }
0x51: {  	v6 =	vld [tilespmem:s23+$0x4100]  }
0x52: {  	v13 =	vld [tilespmem:s23+$0x4110]  }
0x53: {  	v5 =	vld [tilespmem:s23+$0x4120]  }
0x54: {  	v4 =	vld [tilespmem:s23+$0x4130]  }
0x55: {  	v3 =	vld [tilespmem:s23+$0x4180]  }
0x56: {  	v2 =	vld [tilespmem:s23+$0x4190]  }
0x57: {  	v1 =	vld [tilespmem:s23+$0x41A0]  }
0x58: {  	v0 =	vld [tilespmem:s23+$0x41B0]  }
0x59: {  	v12 =	vld [tilespmem:s23+$0xC100]  }
0x5a: {  	v11 =	vld [tilespmem:s23+$0xC110]  }
0x5b: {  	v10 =	vld [tilespmem:s23+$0xC120]  }
0x5c: {  	v9 =	vld [tilespmem:s23+$0xC130]  }
0x5d: {  	v8 =	vld [tilespmem:s23+$0xC180]  }
0x5e: {  	v7 =	vld [tilespmem:s23+$0xC190];
	v14 =	vsub.f32 v6, v12  }
0x5f: {  	s24 =	simm.s32 $0x400;
	v13 =	vsub.f32 v13, v11;
	v6 =	vld [tilespmem:s23+$0xC1A0]  }
.LBB2_4:
0x60: {  	s25 =	sshra.s32 s24, $0x2;
	p0 =	sne.s32 s24, $0xFC00;
	v12 =	vadd.f32 v14, v12;
	v5 =	vsub.f32 v5, v10;
	v14 =	vld [tilespmem:s23+$0xC1B0]  }
0x61: {  	v15 =	vld [tilespmem:s25+$0x4100];
	v11 =	vadd.f32 v13, v11;
	v4 =	vsub.f32 v4, v9  }
0x62: {  	v13 =	vld [tilespmem:s25+$0x4110];
	[tilespmem:s23+$0xC100] =	vst v12;
	v10 =	vadd.f32 v5, v10;
	v3 =	vsub.f32 v3, v8  }
0x63: {  	v5 =	vld [tilespmem:s25+$0x4120];
	[tilespmem:s23+$0xC110] =	vst v11;
	v9 =	vadd.f32 v4, v9;
	v2 =	vsub.f32 v2, v7  }
0x64: {  	v4 =	vld [tilespmem:s25+$0x4130];
	[tilespmem:s23+$0xC120] =	vst v10;
	v8 =	vadd.f32 v3, v8;
	v1 =	vsub.f32 v1, v6  }
0x65: {  	v3 =	vld [tilespmem:s25+$0x4180];
	[tilespmem:s23+$0xC130] =	vst v9;
	v7 =	vadd.f32 v2, v7;
	v0 =	vsub.f32 v0, v14  }
0x66: {  	v2 =	vld [tilespmem:s25+$0x4190];
	[tilespmem:s23+$0xC180] =	vst v8;
	v6 =	vadd.f32 v1, v6  }
0x67: {  	v1 =	vld [tilespmem:s25+$0x41A0];
	[tilespmem:s23+$0xC190] =	vst v7;
	v7 =	vadd.f32 v0, v14  }
0x68: {  	v0 =	vld [tilespmem:s25+$0x41B0];
	[tilespmem:s23+$0xC1A0] =	vst v6  }
0x69: {  	v12 =	vld [tilespmem:s25+$0xC100];
	[tilespmem:s23+$0xC1B0] =	vst v7;
	s23 =	smov.u32 s25  }
0x6a: {  	v11 =	vld [tilespmem:s23+$0xC110]  }
.Ltmp1:
0x6b: {  	v10 =	vld [tilespmem:s23+$0xC120];
	(pc) =	sbr.rel @p0 .LBB2_4-.Ltmp1, $4  }
0x6c: {  	v9 =	vld [tilespmem:s23+$0xC130]  }
0x6d: {  	v8 =	vld [tilespmem:s23+$0xC180]  }
0x6e: {  	v14 =	vsub.f32 v15, v12;
	v7 =	vld [tilespmem:s23+$0xC190]  }
0x6f: {  	s24 =	sadd.s32 $0x400, s24;
	v13 =	vsub.f32 v13, v11;
	v6 =	vld [tilespmem:s23+$0xC1A0]  }
0x70: {  	v12 =	vadd.f32 v14, v12;
	v5 =	vsub.f32 v5, v10;
	v63 =	vld [tilespmem:s23+$0xC1B0]  }
0x71: {  	v11 =	vadd.f32 v13, v11;
	v4 =	vsub.f32 v4, v9  }
0x72: {  	[tilespmem:s23+$0xC100] =	vst v12;
	v5 =	vadd.f32 v5, v10;
	v3 =	vsub.f32 v3, v8  }
0x73: {  	[tilespmem:s23+$0xC110] =	vst v11;
	v4 =	vadd.f32 v4, v9;
	v2 =	vsub.f32 v2, v7  }
0x74: {  	[tilespmem:s23+$0xC120] =	vst v5;
	v3 =	vadd.f32 v3, v8;
	v1 =	vsub.f32 v1, v6  }
0x75: {  	[tilespmem:s23+$0xC130] =	vst v4;
	v2 =	vadd.f32 v2, v7;
	v0 =	vsub.f32 v0, v63  }
0x76: {  	[tilespmem:s23+$0xC180] =	vst v3;
	v1 =	vadd.f32 v1, v6  }
0x77: {  	[tilespmem:s23+$0xC190] =	vst v2;
	v0 =	vadd.f32 v0, v63  }
0x78: {  	[tilespmem:s23+$0xC1A0] =	vst v1  }
0x79: {  	s22 =	sadd.s32 $0x1, s22;
	[tilespmem:s23+$0xC1B0] =	vst v0  }
0x7a: {  	[hbm4b:s8+s3] =	stream.linear.scatter [tilespmem:s15], [sflag:$0x6], $0x4000, $0x38;
	[tilespmem:$0x10100] =	vst v63  }
0x7b: {  	p0 =	sne.s32 s22, s9;
	_ =	swait.ge [sflag:s20], $0x4000  }
.Ltmp2:
0x7c: {  	[sflag:s20] =	ssyncset.done $0x0;
	(pc) =	sbr.rel @p0 .LBB2_1-.Ltmp2, $4  }
0x7d: {  	[sflag:s20] =	ssyncadd.s32 $0xFFFFC000  }
0x7e: {  	_ =	swait.ge [sflag:s21], $0x4000  }
0x7f: {  	[sflag:s21] =	ssyncset.done $0x0  }
0x80: {  	[sflag:s21] =	ssyncadd.s32 $0xFFFFC000  }
0x81: {  	_ =	sfence.sel $0x180000  }
0x82: {  	[bflag:$0x0] =	sbarrier.arrive $0xFFFF  }
0x83: {  	p0 =	sne.s32 s1, $0x0;
	_ =	strace $0x90000050  }
0x84: {  	s0 =	sadd.s32 @!p0 $0x100000, s0;
	[bflag:$0x2] =	sbarrier.arrive $0xFFFF  }
0x85: {  	[sflag:s0] =	ssyncadd.tile.s32 @!p0 $0x1;
	_ =	shalt  }
.Lfunc_end2:
_tile_overlayer_lowered:
.L_overlay_start_2:
0x86: {  	(tag) =	ssettag $0x2  }
0x87: {  	s0 =	rddreg [dreg:$0x0];
	s2 =	stileid.u32  }
0x88: {  	s1 =	rddreg [dreg:$0x1];
	p0 =	sne.s32 s2, $0x0  }
0x89: {  	s3 =	rddreg [dreg:$0x2];
	[bflag:$0x3] =	sbarrier.arrive $0xFFFF;
	s2 =	simm.s32 @!p0 $0x1C07  }
0x8a: {  	[timem:s3], [sflag:s2] =	dma.local @!p0 [hbm:s0], s1  }
0x8b: {  	s0 =	simm.s32 @!p0 $0x7  }
0x8c: {  	_ =	swait.ge @!p0 [sflag:s0], s1  }
0x8d: {  	s1 =	ssub.s32 @!p0 $0x0, s1;
	[sflag:s0] =	ssyncset.done @!p0 $0x0  }
0x8e: {  	[sflag:s0] =	ssyncadd.s32 @!p0 s1  }
0x8f: {  	[bflag:$0x3] =	sbarrier.arrive $0xFFFF  }
0x90: {  	_ =	shalt  }

</sc_bundles>
